<compile_context>
chip_gen: v7x
topology: tpu7x:2x2x1
jax: 0.10.2.dev20260603
libtpu: 0.0.44.dev20260713+nightly
codegen_flags: <defaults>
</compile_context>

<pallas_src>
import functools

import jax
import jax.numpy as jnp
from jax import lax
from jax.experimental import pallas as pl
from jax.experimental.pallas import tpu as pltpu
from jax.experimental.pallas import tpu_sc as plsc

HUGE_INT = 1e31
EPS = 1e-20

B, A = 1024, 200
ED, RD, HD = 128, 128, 256
NR = 400
A_PAD = 208
NW = 32
BPW = B // NW
NBLK = A_PAD // 16

_INTERPRET = False


def _wid():
    return lax.axis_index("s") * 2 + lax.axis_index("c")


def _sc_gather_eq(e, q, entity_emb, relation_emb):
    mesh = plsc.VectorSubcoreMesh(core_axis_name="c", subcore_axis_name="s", num_cores=2, num_subcores=16)

    @functools.partial(
        pl.kernel,
        out_type=(jax.ShapeDtypeStruct((B, ED), jnp.float32),
                  jax.ShapeDtypeStruct((B, RD), jnp.float32)),
        mesh=mesh,
        interpret=_INTERPRET,
        scratch_types=[
            pltpu.VMEM((BPW,), jnp.int32),
            pltpu.VMEM((BPW, ED), jnp.float32),
            pltpu.VMEM((BPW,), jnp.int32),
            pltpu.VMEM((BPW, RD), jnp.float32),
            pltpu.SemaphoreType.DMA,
            pltpu.SemaphoreType.DMA,
        ],
    )
    def k(e_hbm, q_hbm, ent_hbm, rel_hbm, eout_hbm, qout_hbm,
          eidx_v, erow_v, qidx_v, qrow_v, esem, qsem):
        base = _wid() * BPW
        pltpu.sync_copy(e_hbm.at[pl.ds(base, BPW)], eidx_v)
        pltpu.sync_copy(q_hbm.at[pl.ds(base, BPW)], qidx_v)
        ce = pltpu.async_copy(ent_hbm.at[eidx_v], erow_v, esem)
        cq = pltpu.async_copy(rel_hbm.at[qidx_v], qrow_v, qsem)
        ce.wait()
        cq.wait()
        pltpu.sync_copy(erow_v, eout_hbm.at[pl.ds(base, BPW)])
        pltpu.sync_copy(qrow_v, qout_hbm.at[pl.ds(base, BPW)])

    return k(e, q, entity_emb, relation_emb)


def _tc_mlp(E, H, Q, W1a, W1b, W1c, b1, W2e, W2r, b2e, b2r, relT):
    BB = 256
    prec = lax.Precision.HIGHEST

    def body(e_ref, h_ref, q_ref, w1a_ref, w1b_ref, w1c_ref, b1_ref,
             w2e_ref, w2r_ref, b2e_ref, b2r_ref, relt_ref,
             x2e_ref, reltab_ref):
        x = (jnp.dot(e_ref[...], w1a_ref[...], precision=prec)
             + jnp.dot(h_ref[...], w1b_ref[...], precision=prec)
             + jnp.dot(q_ref[...], w1c_ref[...], precision=prec)
             + b1_ref[...])
        x = jnp.maximum(x, 0.0)
        x2e_ref[...] = jnp.dot(x, w2e_ref[...], precision=prec) + b2e_ref[...]
        x2r = jnp.dot(x, w2r_ref[...], precision=prec) + b2r_ref[...]
        reltab_ref[...] = jnp.dot(x2r, relt_ref[...], precision=prec)

    full = lambda s: pl.BlockSpec(s, lambda i: (0, 0))
    return pl.pallas_call(
        body,
        grid=(B // BB,),
        in_specs=[
            pl.BlockSpec((BB, ED), lambda i: (i, 0)),
            pl.BlockSpec((BB, HD), lambda i: (i, 0)),
            pl.BlockSpec((BB, RD), lambda i: (i, 0)),
            full((ED, 256)), full((HD, 256)), full((RD, 256)), full((1, 256)),
            full((256, ED)), full((256, RD)), full((1, ED)), full((1, RD)),
            full((RD, NR)),
        ],
        out_specs=[
            pl.BlockSpec((BB, ED), lambda i: (i, 0)),
            pl.BlockSpec((BB, NR), lambda i: (i, 0)),
        ],
        out_shape=[
            jax.ShapeDtypeStruct((B, ED), jnp.float32),
            jax.ShapeDtypeStruct((B, NR), jnp.float32),
        ],
        interpret=_INTERPRET,
    )(E, H, Q, W1a, W1b, W1c, b1, W2e, W2r, b2e, b2r, relT)


def _sc_logits(e_space1d, r_space1d, x2e1d, reltab1d, entity_emb):
    mesh = plsc.VectorSubcoreMesh(core_axis_name="c", subcore_axis_name="s", num_cores=2, num_subcores=16)

    @functools.partial(
        pl.kernel,
        out_type=jax.ShapeDtypeStruct((B * A_PAD,), jnp.float32),
        mesh=mesh,
        interpret=_INTERPRET,
        compiler_params=pltpu.CompilerParams(needs_layout_passes=False),
        scratch_types=[
            pltpu.VMEM((BPW * A,), jnp.int32),
            pltpu.VMEM((BPW * A + 64,), jnp.int32),
            pltpu.VMEM((BPW * ED,), jnp.float32),
            pltpu.VMEM((BPW * NR,), jnp.float32),
            pltpu.VMEM((A_PAD, ED), jnp.float32),
            pltpu.VMEM((A_PAD, ED), jnp.float32),
            pltpu.VMEM((BPW * A_PAD,), jnp.float32),
            pltpu.SemaphoreType.DMA,
            pltpu.SemaphoreType.DMA,
        ],
    )
    def k(es_hbm, rs_hbm, x2e_hbm, relt_hbm, ent_hbm, out_hbm,
          es_v, rs_v, x2e_v, relt_v, rows0, rows1, out_v, sem0, sem1):
        base = _wid() * BPW
        pltpu.sync_copy(es_hbm.at[pl.ds(base * A, BPW * A)],
                        es_v)
        pltpu.sync_copy(rs_hbm.at[pl.ds(base * A, BPW * A)],
                        rs_v.at[pl.ds(0, BPW * A)])
        pltpu.sync_copy(x2e_hbm.at[pl.ds(base * ED, BPW * ED)], x2e_v)
        pltpu.sync_copy(relt_hbm.at[pl.ds(base * NR, BPW * NR)], relt_v)

        iota = lax.iota(jnp.int32, 16)
        mask15 = iota == 15

        def issue(i, buf, sem):
            c1 = pltpu.async_copy(ent_hbm.at[es_v.at[pl.ds(i * A, 104)]],
                                  buf.at[pl.ds(0, 104)], sem)
            c2 = pltpu.async_copy(ent_hbm.at[es_v.at[pl.ds(i * A + 104, 96)]],
                                  buf.at[pl.ds(104, 96)], sem)
            del c1, c2

        def wait(buf, sem):
            pltpu.make_async_copy(ent_hbm.at[pl.ds(0, 104)],
                                  buf.at[pl.ds(0, 104)], sem).wait()
            pltpu.make_async_copy(ent_hbm.at[pl.ds(0, 96)],
                                  buf.at[pl.ds(104, 96)], sem).wait()

        def compute(i, buf):
            xv = [x2e_v[pl.ds(i * ED + c * 16, 16)] for c in range(ED // 16)]

            def blk_body(blk, carry):
                a0 = blk * 16
                accs = [buf[a0 + j, pl.ds(0, 16)] * xv[0] for j in range(16)]
                for c in range(1, ED // 16):
                    for j in range(16):
                        accs[j] = accs[j] + buf[a0 + j, pl.ds(c * 16, 16)] * xv[c]
                for j in range(16):
                    cs = plsc.cumsum(accs[j])
                    plsc.store_scatter(
                        out_v,
                        [jnp.full((16,), i * A_PAD + a0 + j, dtype=jnp.int32)],
                        cs, mask=mask15)
                rsv = rs_v[pl.ds(i * A + a0, 16)]
                rsv = jnp.minimum(jnp.maximum(rsv, 0), NR - 1)
                rel = plsc.load_gather(relt_v, [i * NR + rsv])
                pos = i * A_PAD + a0
                out_v[pl.ds(pos, 16)] = out_v[pl.ds(pos, 16)] + rel
                return carry

            lax.fori_loop(0, NBLK, blk_body, 0)

        issue(0, rows0, sem0)
        issue(1, rows1, sem1)

        def pair_body(t, carry):
            g0 = 2 * t
            wait(rows0, sem0)
            compute(g0, rows0)
            issue(lax.rem(g0 + 2, BPW), rows0, sem0)
            wait(rows1, sem1)
            compute(g0 + 1, rows1)
            issue(lax.rem(g0 + 3, BPW), rows1, sem1)
            return carry

        lax.fori_loop(0, BPW // 2, pair_body, 0)
        wait(rows0, sem0)
        wait(rows1, sem1)

        pltpu.sync_copy(out_v, out_hbm.at[pl.ds(base * A_PAD, BPW * A_PAD)])

    return k(e_space1d, r_space1d, x2e1d, reltab1d, entity_emb)


def _tc_softmax(logits208, action_mask):
    BB = 256

    def body(lg_ref, mask_ref, p_ref, ent_ref):
        lg = lg_ref[...][:, :A]
        mask = mask_ref[...]
        lgm = lg - (1.0 - mask) * HUGE_INT
        m = jnp.max(lgm, axis=1, keepdims=True)
        ez = jnp.exp(lgm - m)
        s = jnp.sum(ez, axis=1, keepdims=True)
        p = ez / s
        p_ref[...] = p
        ent_ref[...] = -jnp.sum(p * jnp.log(p + EPS), axis=1, keepdims=True)

    return pl.pallas_call(
        body,
        grid=(B // BB,),
        in_specs=[
            pl.BlockSpec((BB, A_PAD), lambda i: (i, 0)),
            pl.BlockSpec((BB, A), lambda i: (i, 0)),
        ],
        out_specs=[
            pl.BlockSpec((BB, A), lambda i: (i, 0)),
            pl.BlockSpec((BB, 1), lambda i: (i, 0)),
        ],
        out_shape=[
            jax.ShapeDtypeStruct((B, A), jnp.float32),
            jax.ShapeDtypeStruct((B, 1), jnp.float32),
        ],
        interpret=_INTERPRET,
    )(logits208, action_mask)


def kernel(e, q, H, r_space, e_space, action_mask, entity_emb, relation_emb,
           W1, b1, W2, b2):
    E, Q = _sc_gather_eq(e, q, entity_emb, relation_emb)

    W1a, W1b, W1c = W1[:ED], W1[ED:ED + HD], W1[ED + HD:]
    x2e, reltab = _tc_mlp(
        E, H, Q, W1a, W1b, W1c, b1.reshape(1, -1),
        W2[:, RD:], W2[:, :RD], b2[RD:].reshape(1, -1), b2[:RD].reshape(1, -1),
        relation_emb.T)

    logits1d = _sc_logits(
        e_space.reshape(-1), r_space.reshape(-1), x2e.reshape(-1),
        reltab.reshape(-1), entity_emb)

    p, ent = _tc_softmax(logits1d.reshape(B, A_PAD), action_mask)
    return p, ent.reshape(B)

# --- scband reference (transcript-rebuilt; emitter-appended) ---
"""Pipeline reference for scband-graph-search-policy-489626272373 (READ-ONLY COPY).

The authoritative reference and input builder live on the scoring server;
editing this copy changes nothing except your own understanding.
"""

import jax, jax.numpy as jnp
import numpy as np

HUGE_INT = 1e31
EPS = 1e-20

B, A = 1024, 200
NE, NR = 100000, 400
ED, RD, HD = 128, 128, 256
ACTION_DIM = ED + RD
IN_DIM = ED + HD + RD


def setup_inputs(seed: int = 0) -> dict:
    key = jax.random.key(seed)
    ks = jax.random.split(key, 12)
    e = jax.random.randint(ks[0], (B,), 0, NE, dtype=jnp.int64 if jax.config.read('jax_enable_x64') else jnp.int32).astype(jnp.int32)
    q = jax.random.randint(ks[1], (B,), 0, NR).astype(jnp.int32)
    H = jax.random.normal(ks[2], (B, HD), dtype=jnp.float32)
    r_space = jax.random.randint(ks[3], (B, A), 0, NR).astype(jnp.int32)
    e_space = jax.random.randint(ks[4], (B, A), 0, NE).astype(jnp.int32)
    action_mask = jnp.ones((B, A), dtype=jnp.float32)
    entity_emb = jax.random.normal(ks[5], (NE, ED), dtype=jnp.float32) * 0.02
    relation_emb = jax.random.normal(ks[6], (NR, RD), dtype=jnp.float32) * 0.02
    W1 = jax.random.normal(ks[7], (IN_DIM, ACTION_DIM), dtype=jnp.float32) * (1.0 / np.sqrt(IN_DIM))
    b1 = jnp.zeros((ACTION_DIM,), dtype=jnp.float32)
    W2 = jax.random.normal(ks[8], (ACTION_DIM, ACTION_DIM), dtype=jnp.float32) * (1.0 / np.sqrt(ACTION_DIM))
    b2 = jnp.zeros((ACTION_DIM,), dtype=jnp.float32)
    return {"e": e, "q": q, "H": H, "r_space": r_space, "e_space": e_space,
            "action_mask": action_mask, "entity_emb": entity_emb, "relation_emb": relation_emb,
            "W1": W1, "b1": b1, "W2": W2, "b2": b2}


def reference(e, q, H, r_space, e_space, action_mask, entity_emb, relation_emb, W1, b1, W2, b2):
    # transit() with relation_only=False, relation_only_in_path=False, eval mode (dropout=identity)
    E = jnp.take(entity_emb, e, axis=0)                     # kg.get_entity_embeddings(e)
    Q = jnp.take(relation_emb, q, axis=0)                   # kg.get_relation_embeddings(q)
    X = jnp.concatenate([E, H, Q], axis=-1)                 # [B, ED+HD+RD]
    X = jax.nn.relu(X @ W1 + b1)                            # W1 + ReLU
    X2 = X @ W2 + b2                                        # W2 (dropout = identity in eval)
    # get_action_embedding: cat(relation_emb[r_space], entity_emb[e_space])
    Ar = jnp.take(relation_emb, r_space, axis=0)            # [B, A, RD]
    Ae = jnp.take(entity_emb, e_space, axis=0)              # [B, A, ED]
    A_emb = jnp.concatenate([Ar, Ae], axis=-1)              # [B, A, ACTION_DIM]
    logits = jnp.einsum('bad,bd->ba', A_emb, X2) - (1.0 - action_mask) * HUGE_INT
    action_dist = jax.nn.softmax(logits, axis=-1)
    entropy = -jnp.sum(action_dist * jnp.log(action_dist + EPS), axis=-1)
    return action_dist, entropy

if __name__ == "__main__":
    import jax
    _d = setup_inputs()
    print(jax.jit(kernel)(*tuple(_d.values())))

</pallas_src>

<mosaic_0001>
#map = affine_map<(d0, d1) -> (0)>
#map1 = affine_map<(d0, d1) -> (0, 0)>
module attributes {stable_mosaic.version = 14 : i64} {
  func.func @k(%arg0: i32, %arg1: i32, %arg2: memref<1024xi32, #tpu.memory_space<hbm>>, %arg3: memref<1024xi32, #tpu.memory_space<hbm>>, %arg4: memref<100000x128xf32, #tpu.memory_space<hbm>>, %arg5: memref<400x128xf32, #tpu.memory_space<hbm>>, %arg6: memref<1024x128xf32, #tpu.memory_space<hbm>>, %arg7: memref<1024x128xf32, #tpu.memory_space<hbm>>, %arg8: memref<32xi32, #tpu.memory_space<vmem>>, %arg9: memref<32x128xf32, #tpu.memory_space<vmem>>, %arg10: memref<32xi32, #tpu.memory_space<vmem>>, %arg11: memref<32x128xf32, #tpu.memory_space<vmem>>, %arg12: memref<!tpu.dma_semaphore, #tpu.memory_space<semaphore_mem>>, %arg13: memref<!tpu.dma_semaphore, #tpu.memory_space<semaphore_mem>>) attributes {dimension_semantics = [#tpu.dimension_semantics<core_parallel>, #tpu.dimension_semantics<subcore_parallel>], iteration_bounds = array<i64: 2, 16>, scalar_prefetch = 0 : i64, scratch_operands = 6 : i64, tpu.core_type = #tpu.core_type<sc_vector_subcore>, window_params = [{transform_indices = #map}, {transform_indices = #map}, {transform_indices = #map1}, {transform_indices = #map1}, {transform_indices = #map1}, {transform_indices = #map1}]} {
    %mul3A = arith.constant 2 : i32
    %mul3A_0 = arith.muli %arg1, %mul3A : i32
    %add3A = arith.addi %mul3A_0, %arg0 : i32
    %mul3A_1 = arith.constant 32 : i32
    %mul3A_2 = arith.muli %add3A, %mul3A_1 : i32
    "tpu.region"() ({
      %run_scoped3A = tpu.sem_alloc : memref<!tpu.dma_semaphore, #tpu.memory_space<semaphore_mem>>
      %dma_start3A_13 = tpu.memref_slice %arg2[%mul3A_2] : memref<1024xi32, #tpu.memory_space<hbm>> -> memref<32xi32, #tpu.memory_space<hbm>>
      %dma_start3A_14 = tpu.memref_slice %arg2[%mul3A_2] : memref<1024xi32, #tpu.memory_space<hbm>> -> memref<32xi32, #tpu.memory_space<hbm>>
      tpu.enqueue_dma source(%dma_start3A_14 : memref<32xi32, #tpu.memory_space<hbm>>) target(%arg8 : memref<32xi32, #tpu.memory_space<vmem>>) target_semaphore(%run_scoped3A : memref<!tpu.dma_semaphore, #tpu.memory_space<semaphore_mem>>)
      %dma_wait3A_15 = tpu.memref_slice %arg2[%mul3A_2] : memref<1024xi32, #tpu.memory_space<hbm>> -> memref<32xi32, #tpu.memory_space<hbm>>
      %dma_wait3A_16 = tpu.memref_slice %arg2[%mul3A_2] : memref<1024xi32, #tpu.memory_space<hbm>> -> memref<32xi32, #tpu.memory_space<hbm>>
      tpu.wait_dma2 semaphore(%run_scoped3A : memref<!tpu.dma_semaphore, #tpu.memory_space<semaphore_mem>>) src(%dma_wait3A_16 : memref<32xi32, #tpu.memory_space<hbm>>) dst(%arg8 : memref<32xi32, #tpu.memory_space<vmem>>)
      tpu.yield
    }) : () -> ()
    "tpu.region"() ({
      %run_scoped3A = tpu.sem_alloc : memref<!tpu.dma_semaphore, #tpu.memory_space<semaphore_mem>>
      %dma_start3A_13 = tpu.memref_slice %arg3[%mul3A_2] : memref<1024xi32, #tpu.memory_space<hbm>> -> memref<32xi32, #tpu.memory_space<hbm>>
      %dma_start3A_14 = tpu.memref_slice %arg3[%mul3A_2] : memref<1024xi32, #tpu.memory_space<hbm>> -> memref<32xi32, #tpu.memory_space<hbm>>
      tpu.enqueue_dma source(%dma_start3A_14 : memref<32xi32, #tpu.memory_space<hbm>>) target(%arg10 : memref<32xi32, #tpu.memory_space<vmem>>) target_semaphore(%run_scoped3A : memref<!tpu.dma_semaphore, #tpu.memory_space<semaphore_mem>>)
      %dma_wait3A_15 = tpu.memref_slice %arg3[%mul3A_2] : memref<1024xi32, #tpu.memory_space<hbm>> -> memref<32xi32, #tpu.memory_space<hbm>>
      %dma_wait3A_16 = tpu.memref_slice %arg3[%mul3A_2] : memref<1024xi32, #tpu.memory_space<hbm>> -> memref<32xi32, #tpu.memory_space<hbm>>
      tpu.wait_dma2 semaphore(%run_scoped3A : memref<!tpu.dma_semaphore, #tpu.memory_space<semaphore_mem>>) src(%dma_wait3A_16 : memref<32xi32, #tpu.memory_space<hbm>>) dst(%arg10 : memref<32xi32, #tpu.memory_space<vmem>>)
      tpu.yield
    }) : () -> ()
    %dma_start3A = arith.constant 0 : i32
    %dma_start3A_3 = arith.constant 0 : i32
    %dma_start3A_4 = tpu.memref_slice %arg4[%dma_start3A, %dma_start3A_3] : memref<100000x128xf32, #tpu.memory_space<hbm>> -> memref<100000x128xf32, #tpu.memory_space<hbm>>
    tpu.enqueue_indirect_dma source(%dma_start3A_4 : memref<100000x128xf32, #tpu.memory_space<hbm>>) target(%arg9 : memref<32x128xf32, #tpu.memory_space<vmem>>) offsets(%arg8 : memref<32xi32, #tpu.memory_space<vmem>>) semaphore(%arg12 : memref<!tpu.dma_semaphore, #tpu.memory_space<semaphore_mem>>)
    %dma_start3A_5 = arith.constant 0 : i32
    %dma_start3A_6 = arith.constant 0 : i32
    %dma_start3A_7 = tpu.memref_slice %arg5[%dma_start3A_5, %dma_start3A_6] : memref<400x128xf32, #tpu.memory_space<hbm>> -> memref<400x128xf32, #tpu.memory_space<hbm>>
    tpu.enqueue_indirect_dma source(%dma_start3A_7 : memref<400x128xf32, #tpu.memory_space<hbm>>) target(%arg11 : memref<32x128xf32, #tpu.memory_space<vmem>>) offsets(%arg10 : memref<32xi32, #tpu.memory_space<vmem>>) semaphore(%arg13 : memref<!tpu.dma_semaphore, #tpu.memory_space<semaphore_mem>>)
    %dma_wait3A = arith.constant 0 : i32
    %dma_wait3A_8 = arith.constant 0 : i32
    %dma_wait3A_9 = tpu.memref_slice %arg4[%dma_wait3A, %dma_wait3A_8] : memref<100000x128xf32, #tpu.memory_space<hbm>> -> memref<100000x128xf32, #tpu.memory_space<hbm>>
    tpu.wait_indirect_dma semaphore(%arg12 : memref<!tpu.dma_semaphore, #tpu.memory_space<semaphore_mem>>) src(%dma_wait3A_9 : memref<100000x128xf32, #tpu.memory_space<hbm>>) dst(%arg9 : memref<32x128xf32, #tpu.memory_space<vmem>>)
    %dma_wait3A_10 = arith.constant 0 : i32
    %dma_wait3A_11 = arith.constant 0 : i32
    %dma_wait3A_12 = tpu.memref_slice %arg5[%dma_wait3A_10, %dma_wait3A_11] : memref<400x128xf32, #tpu.memory_space<hbm>> -> memref<400x128xf32, #tpu.memory_space<hbm>>
    tpu.wait_indirect_dma semaphore(%arg13 : memref<!tpu.dma_semaphore, #tpu.memory_space<semaphore_mem>>) src(%dma_wait3A_12 : memref<400x128xf32, #tpu.memory_space<hbm>>) dst(%arg11 : memref<32x128xf32, #tpu.memory_space<vmem>>)
    "tpu.region"() ({
      %run_scoped3A = tpu.sem_alloc : memref<!tpu.dma_semaphore, #tpu.memory_space<semaphore_mem>>
      %dma_start3A_13 = arith.constant 0 : i32
      %dma_start3A_14 = tpu.memref_slice %arg6[%mul3A_2, %dma_start3A_13] : memref<1024x128xf32, #tpu.memory_space<hbm>> -> memref<32x128xf32, #tpu.memory_space<hbm>>
      %dma_start3A_15 = arith.constant 0 : i32
      %dma_start3A_16 = tpu.memref_slice %arg6[%mul3A_2, %dma_start3A_15] : memref<1024x128xf32, #tpu.memory_space<hbm>> -> memref<32x128xf32, #tpu.memory_space<hbm>>
      tpu.enqueue_dma source(%arg9 : memref<32x128xf32, #tpu.memory_space<vmem>>) target(%dma_start3A_16 : memref<32x128xf32, #tpu.memory_space<hbm>>) target_semaphore(%run_scoped3A : memref<!tpu.dma_semaphore, #tpu.memory_space<semaphore_mem>>)
      %dma_wait3A_17 = arith.constant 0 : i32
      %dma_wait3A_18 = tpu.memref_slice %arg6[%mul3A_2, %dma_wait3A_17] : memref<1024x128xf32, #tpu.memory_space<hbm>> -> memref<32x128xf32, #tpu.memory_space<hbm>>
      %dma_wait3A_19 = arith.constant 0 : i32
      %dma_wait3A_20 = tpu.memref_slice %arg6[%mul3A_2, %dma_wait3A_19] : memref<1024x128xf32, #tpu.memory_space<hbm>> -> memref<32x128xf32, #tpu.memory_space<hbm>>
      tpu.wait_dma2 semaphore(%run_scoped3A : memref<!tpu.dma_semaphore, #tpu.memory_space<semaphore_mem>>) src(%arg9 : memref<32x128xf32, #tpu.memory_space<vmem>>) dst(%dma_wait3A_20 : memref<32x128xf32, #tpu.memory_space<hbm>>)
      tpu.yield
    }) : () -> ()
    "tpu.region"() ({
      %run_scoped3A = tpu.sem_alloc : memref<!tpu.dma_semaphore, #tpu.memory_space<semaphore_mem>>
      %dma_start3A_13 = arith.constant 0 : i32
      %dma_start3A_14 = tpu.memref_slice %arg7[%mul3A_2, %dma_start3A_13] : memref<1024x128xf32, #tpu.memory_space<hbm>> -> memref<32x128xf32, #tpu.memory_space<hbm>>
      %dma_start3A_15 = arith.constant 0 : i32
      %dma_start3A_16 = tpu.memref_slice %arg7[%mul3A_2, %dma_start3A_15] : memref<1024x128xf32, #tpu.memory_space<hbm>> -> memref<32x128xf32, #tpu.memory_space<hbm>>
      tpu.enqueue_dma source(%arg11 : memref<32x128xf32, #tpu.memory_space<vmem>>) target(%dma_start3A_16 : memref<32x128xf32, #tpu.memory_space<hbm>>) target_semaphore(%run_scoped3A : memref<!tpu.dma_semaphore, #tpu.memory_space<semaphore_mem>>)
      %dma_wait3A_17 = arith.constant 0 : i32
      %dma_wait3A_18 = tpu.memref_slice %arg7[%mul3A_2, %dma_wait3A_17] : memref<1024x128xf32, #tpu.memory_space<hbm>> -> memref<32x128xf32, #tpu.memory_space<hbm>>
      %dma_wait3A_19 = arith.constant 0 : i32
      %dma_wait3A_20 = tpu.memref_slice %arg7[%mul3A_2, %dma_wait3A_19] : memref<1024x128xf32, #tpu.memory_space<hbm>> -> memref<32x128xf32, #tpu.memory_space<hbm>>
      tpu.wait_dma2 semaphore(%run_scoped3A : memref<!tpu.dma_semaphore, #tpu.memory_space<semaphore_mem>>) src(%arg11 : memref<32x128xf32, #tpu.memory_space<vmem>>) dst(%dma_wait3A_20 : memref<32x128xf32, #tpu.memory_space<hbm>>)
      tpu.yield
    }) : () -> ()
    return
  }
}

#map = affine_map<(d0, d1) -> (0)>
#map1 = affine_map<(d0, d1) -> (0, 0)>
module attributes {stable_mosaic.version = 14 : i64} {
  func.func @k(%arg0: i32, %arg1: i32, %arg2: memref<204800xi32, #tpu.memory_space<hbm>>, %arg3: memref<204800xi32, #tpu.memory_space<hbm>>, %arg4: memref<131072xf32, #tpu.memory_space<hbm>>, %arg5: memref<409600xf32, #tpu.memory_space<hbm>>, %arg6: memref<100000x128xf32, #tpu.memory_space<hbm>>, %arg7: memref<212992xf32, #tpu.memory_space<hbm>>, %arg8: memref<6400xi32, #tpu.memory_space<vmem>>, %arg9: memref<6464xi32, #tpu.memory_space<vmem>>, %arg10: memref<4096xf32, #tpu.memory_space<vmem>>, %arg11: memref<12800xf32, #tpu.memory_space<vmem>>, %arg12: memref<208x128xf32, #tpu.memory_space<vmem>>, %arg13: memref<208x128xf32, #tpu.memory_space<vmem>>, %arg14: memref<6656xf32, #tpu.memory_space<vmem>>, %arg15: memref<!tpu.dma_semaphore, #tpu.memory_space<semaphore_mem>>, %arg16: memref<!tpu.dma_semaphore, #tpu.memory_space<semaphore_mem>>) attributes {dimension_semantics = [#tpu.dimension_semantics<core_parallel>, #tpu.dimension_semantics<subcore_parallel>], iteration_bounds = array<i64: 2, 16>, scalar_prefetch = 0 : i64, scratch_operands = 9 : i64, tpu.core_type = #tpu.core_type<sc_vector_subcore>, window_params = [{transform_indices = #map}, {transform_indices = #map}, {transform_indices = #map}, {transform_indices = #map}, {transform_indices = #map1}, {transform_indices = #map}]} {
    %mul3A = arith.constant 2 : i32
    %mul3A_0 = arith.muli %arg1, %mul3A : i32
    %add3A = arith.addi %mul3A_0, %arg0 : i32
    %mul3A_1 = arith.constant 32 : i32
    %mul3A_2 = arith.muli %add3A, %mul3A_1 : i32
    %mul3A_3 = arith.constant 200 : i32
    %mul3A_4 = arith.muli %mul3A_2, %mul3A_3 : i32
    "tpu.region"() ({
      %run_scoped3A = tpu.sem_alloc : memref<!tpu.dma_semaphore, #tpu.memory_space<semaphore_mem>>
      %dma_start3A_98 = tpu.memref_slice %arg2[%mul3A_4] : memref<204800xi32, #tpu.memory_space<hbm>> -> memref<6400xi32, #tpu.memory_space<hbm>>
      %dma_start3A_99 = tpu.memref_slice %arg2[%mul3A_4] : memref<204800xi32, #tpu.memory_space<hbm>> -> memref<6400xi32, #tpu.memory_space<hbm>>
      tpu.enqueue_dma source(%dma_start3A_99 : memref<6400xi32, #tpu.memory_space<hbm>>) target(%arg8 : memref<6400xi32, #tpu.memory_space<vmem>>) target_semaphore(%run_scoped3A : memref<!tpu.dma_semaphore, #tpu.memory_space<semaphore_mem>>)
      %dma_wait3A_100 = tpu.memref_slice %arg2[%mul3A_4] : memref<204800xi32, #tpu.memory_space<hbm>> -> memref<6400xi32, #tpu.memory_space<hbm>>
      %dma_wait3A_101 = tpu.memref_slice %arg2[%mul3A_4] : memref<204800xi32, #tpu.memory_space<hbm>> -> memref<6400xi32, #tpu.memory_space<hbm>>
      tpu.wait_dma2 semaphore(%run_scoped3A : memref<!tpu.dma_semaphore, #tpu.memory_space<semaphore_mem>>) src(%dma_wait3A_101 : memref<6400xi32, #tpu.memory_space<hbm>>) dst(%arg8 : memref<6400xi32, #tpu.memory_space<vmem>>)
      tpu.yield
    }) : () -> ()
    %mul3A_5 = arith.constant 200 : i32
    %mul3A_6 = arith.muli %mul3A_2, %mul3A_5 : i32
    "tpu.region"() ({
      %run_scoped3A = tpu.sem_alloc : memref<!tpu.dma_semaphore, #tpu.memory_space<semaphore_mem>>
      %dma_start3A_98 = arith.constant 0 : i32
      %dma_start3A_99 = tpu.memref_slice %arg9[%dma_start3A_98] : memref<6464xi32, #tpu.memory_space<vmem>> -> memref<6400xi32, #tpu.memory_space<vmem>>
      %dma_start3A_100 = tpu.memref_slice %arg3[%mul3A_6] : memref<204800xi32, #tpu.memory_space<hbm>> -> memref<6400xi32, #tpu.memory_space<hbm>>
      %dma_start3A_101 = arith.constant 0 : i32
      %dma_start3A_102 = tpu.memref_slice %arg9[%dma_start3A_101] : memref<6464xi32, #tpu.memory_space<vmem>> -> memref<6400xi32, #tpu.memory_space<vmem>>
      %dma_start3A_103 = tpu.memref_slice %arg3[%mul3A_6] : memref<204800xi32, #tpu.memory_space<hbm>> -> memref<6400xi32, #tpu.memory_space<hbm>>
      tpu.enqueue_dma source(%dma_start3A_103 : memref<6400xi32, #tpu.memory_space<hbm>>) target(%dma_start3A_102 : memref<6400xi32, #tpu.memory_space<vmem>>) target_semaphore(%run_scoped3A : memref<!tpu.dma_semaphore, #tpu.memory_space<semaphore_mem>>)
      %dma_wait3A_104 = arith.constant 0 : i32
      %dma_wait3A_105 = tpu.memref_slice %arg9[%dma_wait3A_104] : memref<6464xi32, #tpu.memory_space<vmem>> -> memref<6400xi32, #tpu.memory_space<vmem>>
      %dma_wait3A_106 = tpu.memref_slice %arg3[%mul3A_6] : memref<204800xi32, #tpu.memory_space<hbm>> -> memref<6400xi32, #tpu.memory_space<hbm>>
      %dma_wait3A_107 = arith.constant 0 : i32
      %dma_wait3A_108 = tpu.memref_slice %arg9[%dma_wait3A_107] : memref<6464xi32, #tpu.memory_space<vmem>> -> memref<6400xi32, #tpu.memory_space<vmem>>
      %dma_wait3A_109 = tpu.memref_slice %arg3[%mul3A_6] : memref<204800xi32, #tpu.memory_space<hbm>> -> memref<6400xi32, #tpu.memory_space<hbm>>
      tpu.wait_dma2 semaphore(%run_scoped3A : memref<!tpu.dma_semaphore, #tpu.memory_space<semaphore_mem>>) src(%dma_wait3A_109 : memref<6400xi32, #tpu.memory_space<hbm>>) dst(%dma_wait3A_108 : memref<6400xi32, #tpu.memory_space<vmem>>)
      tpu.yield
    }) : () -> ()
    %mul3A_7 = arith.constant 128 : i32
    %mul3A_8 = arith.muli %mul3A_2, %mul3A_7 : i32
    "tpu.region"() ({
      %run_scoped3A = tpu.sem_alloc : memref<!tpu.dma_semaphore, #tpu.memory_space<semaphore_mem>>
      %dma_start3A_98 = tpu.memref_slice %arg4[%mul3A_8] : memref<131072xf32, #tpu.memory_space<hbm>> -> memref<4096xf32, #tpu.memory_space<hbm>>
      %dma_start3A_99 = tpu.memref_slice %arg4[%mul3A_8] : memref<131072xf32, #tpu.memory_space<hbm>> -> memref<4096xf32, #tpu.memory_space<hbm>>
      tpu.enqueue_dma source(%dma_start3A_99 : memref<4096xf32, #tpu.memory_space<hbm>>) target(%arg10 : memref<4096xf32, #tpu.memory_space<vmem>>) target_semaphore(%run_scoped3A : memref<!tpu.dma_semaphore, #tpu.memory_space<semaphore_mem>>)
      %dma_wait3A_100 = tpu.memref_slice %arg4[%mul3A_8] : memref<131072xf32, #tpu.memory_space<hbm>> -> memref<4096xf32, #tpu.memory_space<hbm>>
      %dma_wait3A_101 = tpu.memref_slice %arg4[%mul3A_8] : memref<131072xf32, #tpu.memory_space<hbm>> -> memref<4096xf32, #tpu.memory_space<hbm>>
      tpu.wait_dma2 semaphore(%run_scoped3A : memref<!tpu.dma_semaphore, #tpu.memory_space<semaphore_mem>>) src(%dma_wait3A_101 : memref<4096xf32, #tpu.memory_space<hbm>>) dst(%arg10 : memref<4096xf32, #tpu.memory_space<vmem>>)
      tpu.yield
    }) : () -> ()
    %mul3A_9 = arith.constant 400 : i32
    %mul3A_10 = arith.muli %mul3A_2, %mul3A_9 : i32
    "tpu.region"() ({
      %run_scoped3A = tpu.sem_alloc : memref<!tpu.dma_semaphore, #tpu.memory_space<semaphore_mem>>
      %dma_start3A_98 = tpu.memref_slice %arg5[%mul3A_10] : memref<409600xf32, #tpu.memory_space<hbm>> -> memref<12800xf32, #tpu.memory_space<hbm>>
      %dma_start3A_99 = tpu.memref_slice %arg5[%mul3A_10] : memref<409600xf32, #tpu.memory_space<hbm>> -> memref<12800xf32, #tpu.memory_space<hbm>>
      tpu.enqueue_dma source(%dma_start3A_99 : memref<12800xf32, #tpu.memory_space<hbm>>) target(%arg11 : memref<12800xf32, #tpu.memory_space<vmem>>) target_semaphore(%run_scoped3A : memref<!tpu.dma_semaphore, #tpu.memory_space<semaphore_mem>>)
      %dma_wait3A_100 = tpu.memref_slice %arg5[%mul3A_10] : memref<409600xf32, #tpu.memory_space<hbm>> -> memref<12800xf32, #tpu.memory_space<hbm>>
      %dma_wait3A_101 = tpu.memref_slice %arg5[%mul3A_10] : memref<409600xf32, #tpu.memory_space<hbm>> -> memref<12800xf32, #tpu.memory_space<hbm>>
      tpu.wait_dma2 semaphore(%run_scoped3A : memref<!tpu.dma_semaphore, #tpu.memory_space<semaphore_mem>>) src(%dma_wait3A_101 : memref<12800xf32, #tpu.memory_space<hbm>>) dst(%arg11 : memref<12800xf32, #tpu.memory_space<vmem>>)
      tpu.yield
    }) : () -> ()
    %iota3A = tpu.iota {dimensions = array<i32: 0>} : vector<16xi32>
    %eq3A = arith.constant 15 : i32
    %eq3A_11 = vector.broadcast %eq3A : i32 to vector<16xi32>
    %eq3A_12 = arith.cmpi eq, %iota3A, %eq3A_11 : vector<16xi32>
    %dma_start3A = arith.constant 0 : i32
    %dma_start3A_13 = arith.constant 0 : i32
    %dma_start3A_14 = tpu.memref_slice %arg12[%dma_start3A, %dma_start3A_13] : memref<208x128xf32, #tpu.memory_space<vmem>> -> memref<104x128xf32, #tpu.memory_space<vmem>>
    %dma_start3A_15 = arith.constant 0 : i32
    %dma_start3A_16 = tpu.memref_slice %arg8[%dma_start3A_15] : memref<6400xi32, #tpu.memory_space<vmem>> -> memref<104xi32, #tpu.memory_space<vmem>>
    %dma_start3A_17 = arith.constant 0 : i32
    %dma_start3A_18 = arith.constant 0 : i32
    %dma_start3A_19 = tpu.memref_slice %arg6[%dma_start3A_17, %dma_start3A_18] : memref<100000x128xf32, #tpu.memory_space<hbm>> -> memref<100000x128xf32, #tpu.memory_space<hbm>>
    tpu.enqueue_indirect_dma source(%dma_start3A_19 : memref<100000x128xf32, #tpu.memory_space<hbm>>) target(%dma_start3A_14 : memref<104x128xf32, #tpu.memory_space<vmem>>) offsets(%dma_start3A_16 : memref<104xi32, #tpu.memory_space<vmem>>) semaphore(%arg15 : memref<!tpu.dma_semaphore, #tpu.memory_space<semaphore_mem>>)
    %dma_start3A_20 = arith.constant 104 : i32
    %dma_start3A_21 = arith.constant 0 : i32
    %dma_start3A_22 = tpu.memref_slice %arg12[%dma_start3A_20, %dma_start3A_21] : memref<208x128xf32, #tpu.memory_space<vmem>> -> memref<96x128xf32, #tpu.memory_space<vmem>>
    %dma_start3A_23 = arith.constant 104 : i32
    %dma_start3A_24 = tpu.memref_slice %arg8[%dma_start3A_23] : memref<6400xi32, #tpu.memory_space<vmem>> -> memref<96xi32, #tpu.memory_space<vmem>>
    %dma_start3A_25 = arith.constant 0 : i32
    %dma_start3A_26 = arith.constant 0 : i32
    %dma_start3A_27 = tpu.memref_slice %arg6[%dma_start3A_25, %dma_start3A_26] : memref<100000x128xf32, #tpu.memory_space<hbm>> -> memref<100000x128xf32, #tpu.memory_space<hbm>>
    tpu.enqueue_indirect_dma source(%dma_start3A_27 : memref<100000x128xf32, #tpu.memory_space<hbm>>) target(%dma_start3A_22 : memref<96x128xf32, #tpu.memory_space<vmem>>) offsets(%dma_start3A_24 : memref<96xi32, #tpu.memory_space<vmem>>) semaphore(%arg15 : memref<!tpu.dma_semaphore, #tpu.memory_space<semaphore_mem>>)
    %dma_start3A_28 = arith.constant 0 : i32
    %dma_start3A_29 = arith.constant 0 : i32
    %dma_start3A_30 = tpu.memref_slice %arg13[%dma_start3A_28, %dma_start3A_29] : memref<208x128xf32, #tpu.memory_space<vmem>> -> memref<104x128xf32, #tpu.memory_space<vmem>>
    %dma_start3A_31 = arith.constant 200 : i32
    %dma_start3A_32 = tpu.memref_slice %arg8[%dma_start3A_31] : memref<6400xi32, #tpu.memory_space<vmem>> -> memref<104xi32, #tpu.memory_space<vmem>>
    %dma_start3A_33 = arith.constant 0 : i32
    %dma_start3A_34 = arith.constant 0 : i32
    %dma_start3A_35 = tpu.memref_slice %arg6[%dma_start3A_33, %dma_start3A_34] : memref<100000x128xf32, #tpu.memory_space<hbm>> -> memref<100000x128xf32, #tpu.memory_space<hbm>>
    tpu.enqueue_indirect_dma source(%dma_start3A_35 : memref<100000x128xf32, #tpu.memory_space<hbm>>) target(%dma_start3A_30 : memref<104x128xf32, #tpu.memory_space<vmem>>) offsets(%dma_start3A_32 : memref<104xi32, #tpu.memory_space<vmem>>) semaphore(%arg16 : memref<!tpu.dma_semaphore, #tpu.memory_space<semaphore_mem>>)
    %dma_start3A_36 = arith.constant 104 : i32
    %dma_start3A_37 = arith.constant 0 : i32
    %dma_start3A_38 = tpu.memref_slice %arg13[%dma_start3A_36, %dma_start3A_37] : memref<208x128xf32, #tpu.memory_space<vmem>> -> memref<96x128xf32, #tpu.memory_space<vmem>>
    %dma_start3A_39 = arith.constant 304 : i32
    %dma_start3A_40 = tpu.memref_slice %arg8[%dma_start3A_39] : memref<6400xi32, #tpu.memory_space<vmem>> -> memref<96xi32, #tpu.memory_space<vmem>>
    %dma_start3A_41 = arith.constant 0 : i32
    %dma_start3A_42 = arith.constant 0 : i32
    %dma_start3A_43 = tpu.memref_slice %arg6[%dma_start3A_41, %dma_start3A_42] : memref<100000x128xf32, #tpu.memory_space<hbm>> -> memref<100000x128xf32, #tpu.memory_space<hbm>>
    tpu.enqueue_indirect_dma source(%dma_start3A_43 : memref<100000x128xf32, #tpu.memory_space<hbm>>) target(%dma_start3A_38 : memref<96x128xf32, #tpu.memory_space<vmem>>) offsets(%dma_start3A_40 : memref<96xi32, #tpu.memory_space<vmem>>) semaphore(%arg16 : memref<!tpu.dma_semaphore, #tpu.memory_space<semaphore_mem>>)
    %scan3A = arith.constant 0 : i32
    %scan3A_44 = arith.constant 0 : i32
    %scan3A_45 = arith.constant 16 : i32
    %scan3A_46 = arith.addi %scan3A_44, %scan3A_45 : i32
    %scan3A_47 = arith.constant 1 : i32
    scf.for %scan3A_98 = %scan3A_44 to %scan3A_46 step %scan3A_47  : i32 {
      %mul3A_99 = arith.constant 2 : i32
      %mul3A_100 = arith.muli %mul3A_99, %scan3A_98 : i32
      %dma_wait3A_101 = arith.constant 0 : i32
      %dma_wait3A_102 = arith.constant 0 : i32
      %dma_wait3A_103 = tpu.memref_slice %arg12[%dma_wait3A_101, %dma_wait3A_102] : memref<208x128xf32, #tpu.memory_space<vmem>> -> memref<104x128xf32, #tpu.memory_space<vmem>>
      %dma_wait3A_104 = arith.constant 0 : i32
      %dma_wait3A_105 = arith.constant 0 : i32
      %dma_wait3A_106 = tpu.memref_slice %arg6[%dma_wait3A_104, %dma_wait3A_105] : memref<100000x128xf32, #tpu.memory_space<hbm>> -> memref<104x128xf32, #tpu.memory_space<hbm>>
      %dma_wait3A_107 = arith.constant 0 : i32
      %dma_wait3A_108 = arith.constant 0 : i32
      %dma_wait3A_109 = tpu.memref_slice %arg12[%dma_wait3A_107, %dma_wait3A_108] : memref<208x128xf32, #tpu.memory_space<vmem>> -> memref<104x128xf32, #tpu.memory_space<vmem>>
      %dma_wait3A_110 = arith.constant 0 : i32
      %dma_wait3A_111 = arith.constant 0 : i32
      %dma_wait3A_112 = tpu.memref_slice %arg6[%dma_wait3A_110, %dma_wait3A_111] : memref<100000x128xf32, #tpu.memory_space<hbm>> -> memref<104x128xf32, #tpu.memory_space<hbm>>
      tpu.wait_dma2 semaphore(%arg15 : memref<!tpu.dma_semaphore, #tpu.memory_space<semaphore_mem>>) src(%dma_wait3A_112 : memref<104x128xf32, #tpu.memory_space<hbm>>) dst(%dma_wait3A_109 : memref<104x128xf32, #tpu.memory_space<vmem>>)
      %dma_wait3A_113 = arith.constant 104 : i32
      %dma_wait3A_114 = arith.constant 0 : i32
      %dma_wait3A_115 = tpu.memref_slice %arg12[%dma_wait3A_113, %dma_wait3A_114] : memref<208x128xf32, #tpu.memory_space<vmem>> -> memref<96x128xf32, #tpu.memory_space<vmem>>
      %dma_wait3A_116 = arith.constant 0 : i32
      %dma_wait3A_117 = arith.constant 0 : i32
      %dma_wait3A_118 = tpu.memref_slice %arg6[%dma_wait3A_116, %dma_wait3A_117] : memref<100000x128xf32, #tpu.memory_space<hbm>> -> memref<96x128xf32, #tpu.memory_space<hbm>>
      %dma_wait3A_119 = arith.constant 104 : i32
      %dma_wait3A_120 = arith.constant 0 : i32
      %dma_wait3A_121 = tpu.memref_slice %arg12[%dma_wait3A_119, %dma_wait3A_120] : memref<208x128xf32, #tpu.memory_space<vmem>> -> memref<96x128xf32, #tpu.memory_space<vmem>>
      %dma_wait3A_122 = arith.constant 0 : i32
      %dma_wait3A_123 = arith.constant 0 : i32
      %dma_wait3A_124 = tpu.memref_slice %arg6[%dma_wait3A_122, %dma_wait3A_123] : memref<100000x128xf32, #tpu.memory_space<hbm>> -> memref<96x128xf32, #tpu.memory_space<hbm>>
      tpu.wait_dma2 semaphore(%arg15 : memref<!tpu.dma_semaphore, #tpu.memory_space<semaphore_mem>>) src(%dma_wait3A_124 : memref<96x128xf32, #tpu.memory_space<hbm>>) dst(%dma_wait3A_121 : memref<96x128xf32, #tpu.memory_space<vmem>>)
      %mul3A_125 = arith.constant 128 : i32
      %mul3A_126 = arith.muli %mul3A_100, %mul3A_125 : i32
      %add3A_127 = arith.constant 0 : i32
      %add3A_128 = arith.addi %mul3A_126, %add3A_127 : i32
      %get3A = arith.index_cast %add3A_128 : i32 to index
      %get3A_129 = tpu.vector_load %arg10[%get3A] {strides = array<i32>} : memref<4096xf32, #tpu.memory_space<vmem>>, vector<16xf32>,
      %mul3A_130 = arith.constant 128 : i32
      %mul3A_131 = arith.muli %mul3A_100, %mul3A_130 : i32
      %add3A_132 = arith.constant 16 : i32
      %add3A_133 = arith.addi %mul3A_131, %add3A_132 : i32
      %get3A_134 = arith.index_cast %add3A_133 : i32 to index
      %get3A_135 = tpu.vector_load %arg10[%get3A_134] {strides = array<i32>} : memref<4096xf32, #tpu.memory_space<vmem>>, vector<16xf32>,
      %mul3A_136 = arith.constant 128 : i32
      %mul3A_137 = arith.muli %mul3A_100, %mul3A_136 : i32
      %add3A_138 = arith.constant 32 : i32
      %add3A_139 = arith.addi %mul3A_137, %add3A_138 : i32
      %get3A_140 = arith.index_cast %add3A_139 : i32 to index
      %get3A_141 = tpu.vector_load %arg10[%get3A_140] {strides = array<i32>} : memref<4096xf32, #tpu.memory_space<vmem>>, vector<16xf32>,
      %mul3A_142 = arith.constant 128 : i32
      %mul3A_143 = arith.muli %mul3A_100, %mul3A_142 : i32
      %add3A_144 = arith.constant 48 : i32
      %add3A_145 = arith.addi %mul3A_143, %add3A_144 : i32
      %get3A_146 = arith.index_cast %add3A_145 : i32 to index
      %get3A_147 = tpu.vector_load %arg10[%get3A_146] {strides = array<i32>} : memref<4096xf32, #tpu.memory_space<vmem>>, vector<16xf32>,
      %mul3A_148 = arith.constant 128 : i32
      %mul3A_149 = arith.muli %mul3A_100, %mul3A_148 : i32
      %add3A_150 = arith.constant 64 : i32
      %add3A_151 = arith.addi %mul3A_149, %add3A_150 : i32
      %get3A_152 = arith.index_cast %add3A_151 : i32 to index
      %get3A_153 = tpu.vector_load %arg10[%get3A_152] {strides = array<i32>} : memref<4096xf32, #tpu.memory_space<vmem>>, vector<16xf32>,
      %mul3A_154 = arith.constant 128 : i32
      %mul3A_155 = arith.muli %mul3A_100, %mul3A_154 : i32
      %add3A_156 = arith.constant 80 : i32
      %add3A_157 = arith.addi %mul3A_155, %add3A_156 : i32
      %get3A_158 = arith.index_cast %add3A_157 : i32 to index
      %get3A_159 = tpu.vector_load %arg10[%get3A_158] {strides = array<i32>} : memref<4096xf32, #tpu.memory_space<vmem>>, vector<16xf32>,
      %mul3A_160 = arith.constant 128 : i32
      %mul3A_161 = arith.muli %mul3A_100, %mul3A_160 : i32
      %add3A_162 = arith.constant 96 : i32
      %add3A_163 = arith.addi %mul3A_161, %add3A_162 : i32
      %get3A_164 = arith.index_cast %add3A_163 : i32 to index
      %get3A_165 = tpu.vector_load %arg10[%get3A_164] {strides = array<i32>} : memref<4096xf32, #tpu.memory_space<vmem>>, vector<16xf32>,
      %mul3A_166 = arith.constant 128 : i32
      %mul3A_167 = arith.muli %mul3A_100, %mul3A_166 : i32
      %add3A_168 = arith.constant 112 : i32
      %add3A_169 = arith.addi %mul3A_167, %add3A_168 : i32
      %get3A_170 = arith.index_cast %add3A_169 : i32 to index
      %get3A_171 = tpu.vector_load %arg10[%get3A_170] {strides = array<i32>} : memref<4096xf32, #tpu.memory_space<vmem>>, vector<16xf32>,
      %scan3A_172 = arith.constant 0 : i32
      %scan3A_173 = arith.constant 0 : i32
      %scan3A_174 = arith.constant 13 : i32
      %scan3A_175 = arith.addi %scan3A_173, %scan3A_174 : i32
      %scan3A_176 = arith.constant 1 : i32
      scf.for %scan3A_305 = %scan3A_173 to %scan3A_175 step %scan3A_176  : i32 {
        %mul3A_306 = arith.constant 16 : i32
        %mul3A_307 = arith.muli %scan3A_305, %mul3A_306 : i32
        %add3A_308 = arith.constant 0 : i32
        %add3A_309 = arith.addi %mul3A_307, %add3A_308 : i32
        %get3A_310 = arith.index_cast %add3A_309 : i32 to index
        %get3A_311 = arith.constant 0 : index
        %get3A_312 = tpu.vector_load %arg12[%get3A_310, %get3A_311] {strides = array<i32>} : memref<208x128xf32, #tpu.memory_space<vmem>>, vector<16xf32>,
        %mul3A_313 = arith.mulf %get3A_312, %get3A_129 : vector<16xf32>
        %add3A_314 = arith.constant 1 : i32
        %add3A_315 = arith.addi %mul3A_307, %add3A_314 : i32
        %get3A_316 = arith.index_cast %add3A_315 : i32 to index
        %get3A_317 = arith.constant 0 : index
        %get3A_318 = tpu.vector_load %arg12[%get3A_316, %get3A_317] {strides = array<i32>} : memref<208x128xf32, #tpu.memory_space<vmem>>, vector<16xf32>,
        %mul3A_319 = arith.mulf %get3A_318, %get3A_129 : vector<16xf32>
        %add3A_320 = arith.constant 2 : i32
        %add3A_321 = arith.addi %mul3A_307, %add3A_320 : i32
        %get3A_322 = arith.index_cast %add3A_321 : i32 to index
        %get3A_323 = arith.constant 0 : index
        %get3A_324 = tpu.vector_load %arg12[%get3A_322, %get3A_323] {strides = array<i32>} : memref<208x128xf32, #tpu.memory_space<vmem>>, vector<16xf32>,
        %mul3A_325 = arith.mulf %get3A_324, %get3A_129 : vector<16xf32>
        %add3A_326 = arith.constant 3 : i32
        %add3A_327 = arith.addi %mul3A_307, %add3A_326 : i32
        %get3A_328 = arith.index_cast %add3A_327 : i32 to index
        %get3A_329 = arith.constant 0 : index
        %get3A_330 = tpu.vector_load %arg12[%get3A_328, %get3A_329] {strides = array<i32>} : memref<208x128xf32, #tpu.memory_space<vmem>>, vector<16xf32>,
        %mul3A_331 = arith.mulf %get3A_330, %get3A_129 : vector<16xf32>
        %add3A_332 = arith.constant 4 : i32
        %add3A_333 = arith.addi %mul3A_307, %add3A_332 : i32
        %get3A_334 = arith.index_cast %add3A_333 : i32 to index
        %get3A_335 = arith.constant 0 : index
        %get3A_336 = tpu.vector_load %arg12[%get3A_334, %get3A_335] {strides = array<i32>} : memref<208x128xf32, #tpu.memory_space<vmem>>, vector<16xf32>,
        %mul3A_337 = arith.mulf %get3A_336, %get3A_129 : vector<16xf32>
        %add3A_338 = arith.constant 5 : i32
        %add3A_339 = arith.addi %mul3A_307, %add3A_338 : i32
        %get3A_340 = arith.index_cast %add3A_339 : i32 to index
        %get3A_341 = arith.constant 0 : index
        %get3A_342 = tpu.vector_load %arg12[%get3A_340, %get3A_341] {strides = array<i32>} : memref<208x128xf32, #tpu.memory_space<vmem>>, vector<16xf32>,
        %mul3A_343 = arith.mulf %get3A_342, %get3A_129 : vector<16xf32>
        %add3A_344 = arith.constant 6 : i32
        %add3A_345 = arith.addi %mul3A_307, %add3A_344 : i32
        %get3A_346 = arith.index_cast %add3A_345 : i32 to index
        %get3A_347 = arith.constant 0 : index
        %get3A_348 = tpu.vector_load %arg12[%get3A_346, %get3A_347] {strides = array<i32>} : memref<208x128xf32, #tpu.memory_space<vmem>>, vector<16xf32>,
        %mul3A_349 = arith.mulf %get3A_348, %get3A_129 : vector<16xf32>
        %add3A_350 = arith.constant 7 : i32
        %add3A_351 = arith.addi %mul3A_307, %add3A_350 : i32
        %get3A_352 = arith.index_cast %add3A_351 : i32 to index
        %get3A_353 = arith.constant 0 : index
        %get3A_354 = tpu.vector_load %arg12[%get3A_352, %get3A_353] {strides = array<i32>} : memref<208x128xf32, #tpu.memory_space<vmem>>, vector<16xf32>,
        %mul3A_355 = arith.mulf %get3A_354, %get3A_129 : vector<16xf32>
        %add3A_356 = arith.constant 8 : i32
        %add3A_357 = arith.addi %mul3A_307, %add3A_356 : i32
        %get3A_358 = arith.index_cast %add3A_357 : i32 to index
        %get3A_359 = arith.constant 0 : index
        %get3A_360 = tpu.vector_load %arg12[%get3A_358, %get3A_359] {strides = array<i32>} : memref<208x128xf32, #tpu.memory_space<vmem>>, vector<16xf32>,
        %mul3A_361 = arith.mulf %get3A_360, %get3A_129 : vector<16xf32>
        %add3A_362 = arith.constant 9 : i32
        %add3A_363 = arith.addi %mul3A_307, %add3A_362 : i32
        %get3A_364 = arith.index_cast %add3A_363 : i32 to index
        %get3A_365 = arith.constant 0 : index
        %get3A_366 = tpu.vector_load %arg12[%get3A_364, %get3A_365] {strides = array<i32>} : memref<208x128xf32, #tpu.memory_space<vmem>>, vector<16xf32>,
        %mul3A_367 = arith.mulf %get3A_366, %get3A_129 : vector<16xf32>
        %add3A_368 = arith.constant 10 : i32
        %add3A_369 = arith.addi %mul3A_307, %add3A_368 : i32
        %get3A_370 = arith.index_cast %add3A_369 : i32 to index
        %get3A_371 = arith.constant 0 : index
        %get3A_372 = tpu.vector_load %arg12[%get3A_370, %get3A_371] {strides = array<i32>} : memref<208x128xf32, #tpu.memory_space<vmem>>, vector<16xf32>,
        %mul3A_373 = arith.mulf %get3A_372, %get3A_129 : vector<16xf32>
        %add3A_374 = arith.constant 11 : i32
        %add3A_375 = arith.addi %mul3A_307, %add3A_374 : i32
        %get3A_376 = arith.index_cast %add3A_375 : i32 to index
        %get3A_377 = arith.constant 0 : index
        %get3A_378 = tpu.vector_load %arg12[%get3A_376, %get3A_377] {strides = array<i32>} : memref<208x128xf32, #tpu.memory_space<vmem>>, vector<16xf32>,
        %mul3A_379 = arith.mulf %get3A_378, %get3A_129 : vector<16xf32>
        %add3A_380 = arith.constant 12 : i32
        %add3A_381 = arith.addi %mul3A_307, %add3A_380 : i32
        %get3A_382 = arith.index_cast %add3A_381 : i32 to index
        %get3A_383 = arith.constant 0 : index
        %get3A_384 = tpu.vector_load %arg12[%get3A_382, %get3A_383] {strides = array<i32>} : memref<208x128xf32, #tpu.memory_space<vmem>>, vector<16xf32>,
        %mul3A_385 = arith.mulf %get3A_384, %get3A_129 : vector<16xf32>
        %add3A_386 = arith.constant 13 : i32
        %add3A_387 = arith.addi %mul3A_307, %add3A_386 : i32
        %get3A_388 = arith.index_cast %add3A_387 : i32 to index
        %get3A_389 = arith.constant 0 : index
        %get3A_390 = tpu.vector_load %arg12[%get3A_388, %get3A_389] {strides = array<i32>} : memref<208x128xf32, #tpu.memory_space<vmem>>, vector<16xf32>,
        %mul3A_391 = arith.mulf %get3A_390, %get3A_129 : vector<16xf32>
        %add3A_392 = arith.constant 14 : i32
        %add3A_393 = arith.addi %mul3A_307, %add3A_392 : i32
        %get3A_394 = arith.index_cast %add3A_393 : i32 to index
        %get3A_395 = arith.constant 0 : index
        %get3A_396 = tpu.vector_load %arg12[%get3A_394, %get3A_395] {strides = array<i32>} : memref<208x128xf32, #tpu.memory_space<vmem>>, vector<16xf32>,
        %mul3A_397 = arith.mulf %get3A_396, %get3A_129 : vector<16xf32>
        %add3A_398 = arith.constant 15 : i32
        %add3A_399 = arith.addi %mul3A_307, %add3A_398 : i32
        %get3A_400 = arith.index_cast %add3A_399 : i32 to index
        %get3A_401 = arith.constant 0 : index
        %get3A_402 = tpu.vector_load %arg12[%get3A_400, %get3A_401] {strides = array<i32>} : memref<208x128xf32, #tpu.memory_space<vmem>>, vector<16xf32>,
        %mul3A_403 = arith.mulf %get3A_402, %get3A_129 : vector<16xf32>
        %add3A_404 = arith.constant 0 : i32
        %add3A_405 = arith.addi %mul3A_307, %add3A_404 : i32
        %get3A_406 = arith.index_cast %add3A_405 : i32 to index
        %get3A_407 = arith.constant 16 : index
        %get3A_408 = tpu.vector_load %arg12[%get3A_406, %get3A_407] {strides = array<i32>} : memref<208x128xf32, #tpu.memory_space<vmem>>, vector<16xf32>,
        %mul3A_409 = arith.mulf %get3A_408, %get3A_135 : vector<16xf32>
        %add3A_410 = arith.addf %mul3A_313, %mul3A_409 : vector<16xf32>
        %add3A_411 = arith.constant 1 : i32
        %add3A_412 = arith.addi %mul3A_307, %add3A_411 : i32
        %get3A_413 = arith.index_cast %add3A_412 : i32 to index
        %get3A_414 = arith.constant 16 : index
        %get3A_415 = tpu.vector_load %arg12[%get3A_413, %get3A_414] {strides = array<i32>} : memref<208x128xf32, #tpu.memory_space<vmem>>, vector<16xf32>,
        %mul3A_416 = arith.mulf %get3A_415, %get3A_135 : vector<16xf32>
        %add3A_417 = arith.addf %mul3A_319, %mul3A_416 : vector<16xf32>
        %add3A_418 = arith.constant 2 : i32
        %add3A_419 = arith.addi %mul3A_307, %add3A_418 : i32
        %get3A_420 = arith.index_cast %add3A_419 : i32 to index
        %get3A_421 = arith.constant 16 : index
        %get3A_422 = tpu.vector_load %arg12[%get3A_420, %get3A_421] {strides = array<i32>} : memref<208x128xf32, #tpu.memory_space<vmem>>, vector<16xf32>,
        %mul3A_423 = arith.mulf %get3A_422, %get3A_135 : vector<16xf32>
        %add3A_424 = arith.addf %mul3A_325, %mul3A_423 : vector<16xf32>
        %add3A_425 = arith.constant 3 : i32
        %add3A_426 = arith.addi %mul3A_307, %add3A_425 : i32
        %get3A_427 = arith.index_cast %add3A_426 : i32 to index
        %get3A_428 = arith.constant 16 : index
        %get3A_429 = tpu.vector_load %arg12[%get3A_427, %get3A_428] {strides = array<i32>} : memref<208x128xf32, #tpu.memory_space<vmem>>, vector<16xf32>,
        %mul3A_430 = arith.mulf %get3A_429, %get3A_135 : vector<16xf32>
        %add3A_431 = arith.addf %mul3A_331, %mul3A_430 : vector<16xf32>
        %add3A_432 = arith.constant 4 : i32
        %add3A_433 = arith.addi %mul3A_307, %add3A_432 : i32
        %get3A_434 = arith.index_cast %add3A_433 : i32 to index
        %get3A_435 = arith.constant 16 : index
        %get3A_436 = tpu.vector_load %arg12[%get3A_434, %get3A_435] {strides = array<i32>} : memref<208x128xf32, #tpu.memory_space<vmem>>, vector<16xf32>,
        %mul3A_437 = arith.mulf %get3A_436, %get3A_135 : vector<16xf32>
        %add3A_438 = arith.addf %mul3A_337, %mul3A_437 : vector<16xf32>
        %add3A_439 = arith.constant 5 : i32
        %add3A_440 = arith.addi %mul3A_307, %add3A_439 : i32
        %get3A_441 = arith.index_cast %add3A_440 : i32 to index
        %get3A_442 = arith.constant 16 : index
        %get3A_443 = tpu.vector_load %arg12[%get3A_441, %get3A_442] {strides = array<i32>} : memref<208x128xf32, #tpu.memory_space<vmem>>, vector<16xf32>,
        %mul3A_444 = arith.mulf %get3A_443, %get3A_135 : vector<16xf32>
        %add3A_445 = arith.addf %mul3A_343, %mul3A_444 : vector<16xf32>
        %add3A_446 = arith.constant 6 : i32
        %add3A_447 = arith.addi %mul3A_307, %add3A_446 : i32
        %get3A_448 = arith.index_cast %add3A_447 : i32 to index
        %get3A_449 = arith.constant 16 : index
        %get3A_450 = tpu.vector_load %arg12[%get3A_448, %get3A_449] {strides = array<i32>} : memref<208x128xf32, #tpu.memory_space<vmem>>, vector<16xf32>,
        %mul3A_451 = arith.mulf %get3A_450, %get3A_135 : vector<16xf32>
        %add3A_452 = arith.addf %mul3A_349, %mul3A_451 : vector<16xf32>
        %add3A_453 = arith.constant 7 : i32
        %add3A_454 = arith.addi %mul3A_307, %add3A_453 : i32
        %get3A_455 = arith.index_cast %add3A_454 : i32 to index
        %get3A_456 = arith.constant 16 : index
        %get3A_457 = tpu.vector_load %arg12[%get3A_455, %get3A_456] {strides = array<i32>} : memref<208x128xf32, #tpu.memory_space<vmem>>, vector<16xf32>,
        %mul3A_458 = arith.mulf %get3A_457, %get3A_135 : vector<16xf32>
        %add3A_459 = arith.addf %mul3A_355, %mul3A_458 : vector<16xf32>
        %add3A_460 = arith.constant 8 : i32
        %add3A_461 = arith.addi %mul3A_307, %add3A_460 : i32
        %get3A_462 = arith.index_cast %add3A_461 : i32 to index
        %get3A_463 = arith.constant 16 : index
        %get3A_464 = tpu.vector_load %arg12[%get3A_462, %get3A_463] {strides = array<i32>} : memref<208x128xf32, #tpu.memory_space<vmem>>, vector<16xf32>,
        %mul3A_465 = arith.mulf %get3A_464, %get3A_135 : vector<16xf32>
        %add3A_466 = arith.addf %mul3A_361, %mul3A_465 : vector<16xf32>
        %add3A_467 = arith.constant 9 : i32
        %add3A_468 = arith.addi %mul3A_307, %add3A_467 : i32
        %get3A_469 = arith.index_cast %add3A_468 : i32 to index
        %get3A_470 = arith.constant 16 : index
        %get3A_471 = tpu.vector_load %arg12[%get3A_469, %get3A_470] {strides = array<i32>} : memref<208x128xf32, #tpu.memory_space<vmem>>, vector<16xf32>,
        %mul3A_472 = arith.mulf %get3A_471, %get3A_135 : vector<16xf32>
        %add3A_473 = arith.addf %mul3A_367, %mul3A_472 : vector<16xf32>
        %add3A_474 = arith.constant 10 : i32
        %add3A_475 = arith.addi %mul3A_307, %add3A_474 : i32
        %get3A_476 = arith.index_cast %add3A_475 : i32 to index
        %get3A_477 = arith.constant 16 : index
        %get3A_478 = tpu.vector_load %arg12[%get3A_476, %get3A_477] {strides = array<i32>} : memref<208x128xf32, #tpu.memory_space<vmem>>, vector<16xf32>,
        %mul3A_479 = arith.mulf %get3A_478, %get3A_135 : vector<16xf32>
        %add3A_480 = arith.addf %mul3A_373, %mul3A_479 : vector<16xf32>
        %add3A_481 = arith.constant 11 : i32
        %add3A_482 = arith.addi %mul3A_307, %add3A_481 : i32
        %get3A_483 = arith.index_cast %add3A_482 : i32 to index
        %get3A_484 = arith.constant 16 : index
        %get3A_485 = tpu.vector_load %arg12[%get3A_483, %get3A_484] {strides = array<i32>} : memref<208x128xf32, #tpu.memory_space<vmem>>, vector<16xf32>,
        %mul3A_486 = arith.mulf %get3A_485, %get3A_135 : vector<16xf32>
        %add3A_487 = arith.addf %mul3A_379, %mul3A_486 : vector<16xf32>
        %add3A_488 = arith.constant 12 : i32
        %add3A_489 = arith.addi %mul3A_307, %add3A_488 : i32
        %get3A_490 = arith.index_cast %add3A_489 : i32 to index
        %get3A_491 = arith.constant 16 : index
        %get3A_492 = tpu.vector_load %arg12[%get3A_490, %get3A_491] {strides = array<i32>} : memref<208x128xf32, #tpu.memory_space<vmem>>, vector<16xf32>,
        %mul3A_493 = arith.mulf %get3A_492, %get3A_135 : vector<16xf32>
        %add3A_494 = arith.addf %mul3A_385, %mul3A_493 : vector<16xf32>
        %add3A_495 = arith.constant 13 : i32
        %add3A_496 = arith.addi %mul3A_307, %add3A_495 : i32
        %get3A_497 = arith.index_cast %add3A_496 : i32 to index
        %get3A_498 = arith.constant 16 : index
        %get3A_499 = tpu.vector_load %arg12[%get3A_497, %get3A_498] {strides = array<i32>} : memref<208x128xf32, #tpu.memory_space<vmem>>, vector<16xf32>,
        %mul3A_500 = arith.mulf %get3A_499, %get3A_135 : vector<16xf32>
        %add3A_501 = arith.addf %mul3A_391, %mul3A_500 : vector<16xf32>
        %add3A_502 = arith.constant 14 : i32
        %add3A_503 = arith.addi %mul3A_307, %add3A_502 : i32
        %get3A_504 = arith.index_cast %add3A_503 : i32 to index
        %get3A_505 = arith.constant 16 : index
        %get3A_506 = tpu.vector_load %arg12[%get3A_504, %get3A_505] {strides = array<i32>} : memref<208x128xf32, #tpu.memory_space<vmem>>, vector<16xf32>,
        %mul3A_507 = arith.mulf %get3A_506, %get3A_135 : vector<16xf32>
        %add3A_508 = arith.addf %mul3A_397, %mul3A_507 : vector<16xf32>
        %add3A_509 = arith.constant 15 : i32
        %add3A_510 = arith.addi %mul3A_307, %add3A_509 : i32
        %get3A_511 = arith.index_cast %add3A_510 : i32 to index
        %get3A_512 = arith.constant 16 : index
        %get3A_513 = tpu.vector_load %arg12[%get3A_511, %get3A_512] {strides = array<i32>} : memref<208x128xf32, #tpu.memory_space<vmem>>, vector<16xf32>,
        %mul3A_514 = arith.mulf %get3A_513, %get3A_135 : vector<16xf32>
        %add3A_515 = arith.addf %mul3A_403, %mul3A_514 : vector<16xf32>
        %add3A_516 = arith.constant 0 : i32
        %add3A_517 = arith.addi %mul3A_307, %add3A_516 : i32
        %get3A_518 = arith.index_cast %add3A_517 : i32 to index
        %get3A_519 = arith.constant 32 : index
        %get3A_520 = tpu.vector_load %arg12[%get3A_518, %get3A_519] {strides = array<i32>} : memref<208x128xf32, #tpu.memory_space<vmem>>, vector<16xf32>,
        %mul3A_521 = arith.mulf %get3A_520, %get3A_141 : vector<16xf32>
        %add3A_522 = arith.addf %add3A_410, %mul3A_521 : vector<16xf32>
        %add3A_523 = arith.constant 1 : i32
        %add3A_524 = arith.addi %mul3A_307, %add3A_523 : i32
        %get3A_525 = arith.index_cast %add3A_524 : i32 to index
        %get3A_526 = arith.constant 32 : index
        %get3A_527 = tpu.vector_load %arg12[%get3A_525, %get3A_526] {strides = array<i32>} : memref<208x128xf32, #tpu.memory_space<vmem>>, vector<16xf32>,
        %mul3A_528 = arith.mulf %get3A_527, %get3A_141 : vector<16xf32>
        %add3A_529 = arith.addf %add3A_417, %mul3A_528 : vector<16xf32>
        %add3A_530 = arith.constant 2 : i32
        %add3A_531 = arith.addi %mul3A_307, %add3A_530 : i32
        %get3A_532 = arith.index_cast %add3A_531 : i32 to index
        %get3A_533 = arith.constant 32 : index
        %get3A_534 = tpu.vector_load %arg12[%get3A_532, %get3A_533] {strides = array<i32>} : memref<208x128xf32, #tpu.memory_space<vmem>>, vector<16xf32>,
        %mul3A_535 = arith.mulf %get3A_534, %get3A_141 : vector<16xf32>
        %add3A_536 = arith.addf %add3A_424, %mul3A_535 : vector<16xf32>
        %add3A_537 = arith.constant 3 : i32
        %add3A_538 = arith.addi %mul3A_307, %add3A_537 : i32
        %get3A_539 = arith.index_cast %add3A_538 : i32 to index
        %get3A_540 = arith.constant 32 : index
        %get3A_541 = tpu.vector_load %arg12[%get3A_539, %get3A_540] {strides = array<i32>} : memref<208x128xf32, #tpu.memory_space<vmem>>, vector<16xf32>,
        %mul3A_542 = arith.mulf %get3A_541, %get3A_141 : vector<16xf32>
        %add3A_543 = arith.addf %add3A_431, %mul3A_542 : vector<16xf32>
        %add3A_544 = arith.constant 4 : i32
        %add3A_545 = arith.addi %mul3A_307, %add3A_544 : i32
        %get3A_546 = arith.index_cast %add3A_545 : i32 to index
        %get3A_547 = arith.constant 32 : index
        %get3A_548 = tpu.vector_load %arg12[%get3A_546, %get3A_547] {strides = array<i32>} : memref<208x128xf32, #tpu.memory_space<vmem>>, vector<16xf32>,
        %mul3A_549 = arith.mulf %get3A_548, %get3A_141 : vector<16xf32>
        %add3A_550 = arith.addf %add3A_438, %mul3A_549 : vector<16xf32>
        %add3A_551 = arith.constant 5 : i32
        %add3A_552 = arith.addi %mul3A_307, %add3A_551 : i32
        %get3A_553 = arith.index_cast %add3A_552 : i32 to index
        %get3A_554 = arith.constant 32 : index
        %get3A_555 = tpu.vector_load %arg12[%get3A_553, %get3A_554] {strides = array<i32>} : memref<208x128xf32, #tpu.memory_space<vmem>>, vector<16xf32>,
        %mul3A_556 = arith.mulf %get3A_555, %get3A_141 : vector<16xf32>
        %add3A_557 = arith.addf %add3A_445, %mul3A_556 : vector<16xf32>
        %add3A_558 = arith.constant 6 : i32
        %add3A_559 = arith.addi %mul3A_307, %add3A_558 : i32
        %get3A_560 = arith.index_cast %add3A_559 : i32 to index
        %get3A_561 = arith.constant 32 : index
        %get3A_562 = tpu.vector_load %arg12[%get3A_560, %get3A_561] {strides = array<i32>} : memref<208x128xf32, #tpu.memory_space<vmem>>, vector<16xf32>,
        %mul3A_563 = arith.mulf %get3A_562, %get3A_141 : vector<16xf32>
        %add3A_564 = arith.addf %add3A_452, %mul3A_563 : vector<16xf32>
        %add3A_565 = arith.constant 7 : i32
        %add3A_566 = arith.addi %mul3A_307, %add3A_565 : i32
        %get3A_567 = arith.index_cast %add3A_566 : i32 to index
        %get3A_568 = arith.constant 32 : index
        %get3A_569 = tpu.vector_load %arg12[%get3A_567, %get3A_568] {strides = array<i32>} : memref<208x128xf32, #tpu.memory_space<vmem>>, vector<16xf32>,
        %mul3A_570 = arith.mulf %get3A_569, %get3A_141 : vector<16xf32>
        %add3A_571 = arith.addf %add3A_459, %mul3A_570 : vector<16xf32>
        %add3A_572 = arith.constant 8 : i32
        %add3A_573 = arith.addi %mul3A_307, %add3A_572 : i32
        %get3A_574 = arith.index_cast %add3A_573 : i32 to index
        %get3A_575 = arith.constant 32 : index
        %get3A_576 = tpu.vector_load %arg12[%get3A_574, %get3A_575] {strides = array<i32>} : memref<208x128xf32, #tpu.memory_space<vmem>>, vector<16xf32>,
        %mul3A_577 = arith.mulf %get3A_576, %get3A_141 : vector<16xf32>
        %add3A_578 = arith.addf %add3A_466, %mul3A_577 : vector<16xf32>
        %add3A_579 = arith.constant 9 : i32
        %add3A_580 = arith.addi %mul3A_307, %add3A_579 : i32
        %get3A_581 = arith.index_cast %add3A_580 : i32 to index
        %get3A_582 = arith.constant 32 : index
        %get3A_583 = tpu.vector_load %arg12[%get3A_581, %get3A_582] {strides = array<i32>} : memref<208x128xf32, #tpu.memory_space<vmem>>, vector<16xf32>,
        %mul3A_584 = arith.mulf %get3A_583, %get3A_141 : vector<16xf32>
        %add3A_585 = arith.addf %add3A_473, %mul3A_584 : vector<16xf32>
        %add3A_586 = arith.constant 10 : i32
        %add3A_587 = arith.addi %mul3A_307, %add3A_586 : i32
        %get3A_588 = arith.index_cast %add3A_587 : i32 to index
        %get3A_589 = arith.constant 32 : index
        %get3A_590 = tpu.vector_load %arg12[%get3A_588, %get3A_589] {strides = array<i32>} : memref<208x128xf32, #tpu.memory_space<vmem>>, vector<16xf32>,
        %mul3A_591 = arith.mulf %get3A_590, %get3A_141 : vector<16xf32>
        %add3A_592 = arith.addf %add3A_480, %mul3A_591 : vector<16xf32>
        %add3A_593 = arith.constant 11 : i32
        %add3A_594 = arith.addi %mul3A_307, %add3A_593 : i32
        %get3A_595 = arith.index_cast %add3A_594 : i32 to index
        %get3A_596 = arith.constant 32 : index
        %get3A_597 = tpu.vector_load %arg12[%get3A_595, %get3A_596] {strides = array<i32>} : memref<208x128xf32, #tpu.memory_space<vmem>>, vector<16xf32>,
        %mul3A_598 = arith.mulf %get3A_597, %get3A_141 : vector<16xf32>
        %add3A_599 = arith.addf %add3A_487, %mul3A_598 : vector<16xf32>
        %add3A_600 = arith.constant 12 : i32
        %add3A_601 = arith.addi %mul3A_307, %add3A_600 : i32
        %get3A_602 = arith.index_cast %add3A_601 : i32 to index
        %get3A_603 = arith.constant 32 : index
        %get3A_604 = tpu.vector_load %arg12[%get3A_602, %get3A_603] {strides = array<i32>} : memref<208x128xf32, #tpu.memory_space<vmem>>, vector<16xf32>,
        %mul3A_605 = arith.mulf %get3A_604, %get3A_141 : vector<16xf32>
        %add3A_606 = arith.addf %add3A_494, %mul3A_605 : vector<16xf32>
        %add3A_607 = arith.constant 13 : i32
        %add3A_608 = arith.addi %mul3A_307, %add3A_607 : i32
        %get3A_609 = arith.index_cast %add3A_608 : i32 to index
        %get3A_610 = arith.constant 32 : index
        %get3A_611 = tpu.vector_load %arg12[%get3A_609, %get3A_610] {strides = array<i32>} : memref<208x128xf32, #tpu.memory_space<vmem>>, vector<16xf32>,
        %mul3A_612 = arith.mulf %get3A_611, %get3A_141 : vector<16xf32>
        %add3A_613 = arith.addf %add3A_501, %mul3A_612 : vector<16xf32>
        %add3A_614 = arith.constant 14 : i32
        %add3A_615 = arith.addi %mul3A_307, %add3A_614 : i32
        %get3A_616 = arith.index_cast %add3A_615 : i32 to index
        %get3A_617 = arith.constant 32 : index
        %get3A_618 = tpu.vector_load %arg12[%get3A_616, %get3A_617] {strides = array<i32>} : memref<208x128xf32, #tpu.memory_space<vmem>>, vector<16xf32>,
        %mul3A_619 = arith.mulf %get3A_618, %get3A_141 : vector<16xf32>
        %add3A_620 = arith.addf %add3A_508, %mul3A_619 : vector<16xf32>
        %add3A_621 = arith.constant 15 : i32
        %add3A_622 = arith.addi %mul3A_307, %add3A_621 : i32
        %get3A_623 = arith.index_cast %add3A_622 : i32 to index
        %get3A_624 = arith.constant 32 : index
        %get3A_625 = tpu.vector_load %arg12[%get3A_623, %get3A_624] {strides = array<i32>} : memref<208x128xf32, #tpu.memory_space<vmem>>, vector<16xf32>,
        %mul3A_626 = arith.mulf %get3A_625, %get3A_141 : vector<16xf32>
        %add3A_627 = arith.addf %add3A_515, %mul3A_626 : vector<16xf32>
        %add3A_628 = arith.constant 0 : i32
        %add3A_629 = arith.addi %mul3A_307, %add3A_628 : i32
        %get3A_630 = arith.index_cast %add3A_629 : i32 to index
        %get3A_631 = arith.constant 48 : index
        %get3A_632 = tpu.vector_load %arg12[%get3A_630, %get3A_631] {strides = array<i32>} : memref<208x128xf32, #tpu.memory_space<vmem>>, vector<16xf32>,
        %mul3A_633 = arith.mulf %get3A_632, %get3A_147 : vector<16xf32>
        %add3A_634 = arith.addf %add3A_522, %mul3A_633 : vector<16xf32>
        %add3A_635 = arith.constant 1 : i32
        %add3A_636 = arith.addi %mul3A_307, %add3A_635 : i32
        %get3A_637 = arith.index_cast %add3A_636 : i32 to index
        %get3A_638 = arith.constant 48 : index
        %get3A_639 = tpu.vector_load %arg12[%get3A_637, %get3A_638] {strides = array<i32>} : memref<208x128xf32, #tpu.memory_space<vmem>>, vector<16xf32>,
        %mul3A_640 = arith.mulf %get3A_639, %get3A_147 : vector<16xf32>
        %add3A_641 = arith.addf %add3A_529, %mul3A_640 : vector<16xf32>
        %add3A_642 = arith.constant 2 : i32
        %add3A_643 = arith.addi %mul3A_307, %add3A_642 : i32
        %get3A_644 = arith.index_cast %add3A_643 : i32 to index
        %get3A_645 = arith.constant 48 : index
        %get3A_646 = tpu.vector_load %arg12[%get3A_644, %get3A_645] {strides = array<i32>} : memref<208x128xf32, #tpu.memory_space<vmem>>, vector<16xf32>,
        %mul3A_647 = arith.mulf %get3A_646, %get3A_147 : vector<16xf32>
        %add3A_648 = arith.addf %add3A_536, %mul3A_647 : vector<16xf32>
        %add3A_649 = arith.constant 3 : i32
        %add3A_650 = arith.addi %mul3A_307, %add3A_649 : i32
        %get3A_651 = arith.index_cast %add3A_650 : i32 to index
        %get3A_652 = arith.constant 48 : index
        %get3A_653 = tpu.vector_load %arg12[%get3A_651, %get3A_652] {strides = array<i32>} : memref<208x128xf32, #tpu.memory_space<vmem>>, vector<16xf32>,
        %mul3A_654 = arith.mulf %get3A_653, %get3A_147 : vector<16xf32>
        %add3A_655 = arith.addf %add3A_543, %mul3A_654 : vector<16xf32>
        %add3A_656 = arith.constant 4 : i32
        %add3A_657 = arith.addi %mul3A_307, %add3A_656 : i32
        %get3A_658 = arith.index_cast %add3A_657 : i32 to index
        %get3A_659 = arith.constant 48 : index
        %get3A_660 = tpu.vector_load %arg12[%get3A_658, %get3A_659] {strides = array<i32>} : memref<208x128xf32, #tpu.memory_space<vmem>>, vector<16xf32>,
        %mul3A_661 = arith.mulf %get3A_660, %get3A_147 : vector<16xf32>
        %add3A_662 = arith.addf %add3A_550, %mul3A_661 : vector<16xf32>
        %add3A_663 = arith.constant 5 : i32
        %add3A_664 = arith.addi %mul3A_307, %add3A_663 : i32
        %get3A_665 = arith.index_cast %add3A_664 : i32 to index
        %get3A_666 = arith.constant 48 : index
        %get3A_667 = tpu.vector_load %arg12[%get3A_665, %get3A_666] {strides = array<i32>} : memref<208x128xf32, #tpu.memory_space<vmem>>, vector<16xf32>,
        %mul3A_668 = arith.mulf %get3A_667, %get3A_147 : vector<16xf32>
        %add3A_669 = arith.addf %add3A_557, %mul3A_668 : vector<16xf32>
        %add3A_670 = arith.constant 6 : i32
        %add3A_671 = arith.addi %mul3A_307, %add3A_670 : i32
        %get3A_672 = arith.index_cast %add3A_671 : i32 to index
        %get3A_673 = arith.constant 48 : index
        %get3A_674 = tpu.vector_load %arg12[%get3A_672, %get3A_673] {strides = array<i32>} : memref<208x128xf32, #tpu.memory_space<vmem>>, vector<16xf32>,
        %mul3A_675 = arith.mulf %get3A_674, %get3A_147 : vector<16xf32>
        %add3A_676 = arith.addf %add3A_564, %mul3A_675 : vector<16xf32>
        %add3A_677 = arith.constant 7 : i32
        %add3A_678 = arith.addi %mul3A_307, %add3A_677 : i32
        %get3A_679 = arith.index_cast %add3A_678 : i32 to index
        %get3A_680 = arith.constant 48 : index
        %get3A_681 = tpu.vector_load %arg12[%get3A_679, %get3A_680] {strides = array<i32>} : memref<208x128xf32, #tpu.memory_space<vmem>>, vector<16xf32>,
        %mul3A_682 = arith.mulf %get3A_681, %get3A_147 : vector<16xf32>
        %add3A_683 = arith.addf %add3A_571, %mul3A_682 : vector<16xf32>
        %add3A_684 = arith.constant 8 : i32
        %add3A_685 = arith.addi %mul3A_307, %add3A_684 : i32
        %get3A_686 = arith.index_cast %add3A_685 : i32 to index
        %get3A_687 = arith.constant 48 : index
        %get3A_688 = tpu.vector_load %arg12[%get3A_686, %get3A_687] {strides = array<i32>} : memref<208x128xf32, #tpu.memory_space<vmem>>, vector<16xf32>,
        %mul3A_689 = arith.mulf %get3A_688, %get3A_147 : vector<16xf32>
        %add3A_690 = arith.addf %add3A_578, %mul3A_689 : vector<16xf32>
        %add3A_691 = arith.constant 9 : i32
        %add3A_692 = arith.addi %mul3A_307, %add3A_691 : i32
        %get3A_693 = arith.index_cast %add3A_692 : i32 to index
        %get3A_694 = arith.constant 48 : index
        %get3A_695 = tpu.vector_load %arg12[%get3A_693, %get3A_694] {strides = array<i32>} : memref<208x128xf32, #tpu.memory_space<vmem>>, vector<16xf32>,
        %mul3A_696 = arith.mulf %get3A_695, %get3A_147 : vector<16xf32>
        %add3A_697 = arith.addf %add3A_585, %mul3A_696 : vector<16xf32>
        %add3A_698 = arith.constant 10 : i32
        %add3A_699 = arith.addi %mul3A_307, %add3A_698 : i32
        %get3A_700 = arith.index_cast %add3A_699 : i32 to index
        %get3A_701 = arith.constant 48 : index
        %get3A_702 = tpu.vector_load %arg12[%get3A_700, %get3A_701] {strides = array<i32>} : memref<208x128xf32, #tpu.memory_space<vmem>>, vector<16xf32>,
        %mul3A_703 = arith.mulf %get3A_702, %get3A_147 : vector<16xf32>
        %add3A_704 = arith.addf %add3A_592, %mul3A_703 : vector<16xf32>
        %add3A_705 = arith.constant 11 : i32
        %add3A_706 = arith.addi %mul3A_307, %add3A_705 : i32
        %get3A_707 = arith.index_cast %add3A_706 : i32 to index
        %get3A_708 = arith.constant 48 : index
        %get3A_709 = tpu.vector_load %arg12[%get3A_707, %get3A_708] {strides = array<i32>} : memref<208x128xf32, #tpu.memory_space<vmem>>, vector<16xf32>,
        %mul3A_710 = arith.mulf %get3A_709, %get3A_147 : vector<16xf32>
        %add3A_711 = arith.addf %add3A_599, %mul3A_710 : vector<16xf32>
        %add3A_712 = arith.constant 12 : i32
        %add3A_713 = arith.addi %mul3A_307, %add3A_712 : i32
        %get3A_714 = arith.index_cast %add3A_713 : i32 to index
        %get3A_715 = arith.constant 48 : index
        %get3A_716 = tpu.vector_load %arg12[%get3A_714, %get3A_715] {strides = array<i32>} : memref<208x128xf32, #tpu.memory_space<vmem>>, vector<16xf32>,
        %mul3A_717 = arith.mulf %get3A_716, %get3A_147 : vector<16xf32>
        %add3A_718 = arith.addf %add3A_606, %mul3A_717 : vector<16xf32>
        %add3A_719 = arith.constant 13 : i32
        %add3A_720 = arith.addi %mul3A_307, %add3A_719 : i32
        %get3A_721 = arith.index_cast %add3A_720 : i32 to index
        %get3A_722 = arith.constant 48 : index
        %get3A_723 = tpu.vector_load %arg12[%get3A_721, %get3A_722] {strides = array<i32>} : memref<208x128xf32, #tpu.memory_space<vmem>>, vector<16xf32>,
        %mul3A_724 = arith.mulf %get3A_723, %get3A_147 : vector<16xf32>
        %add3A_725 = arith.addf %add3A_613, %mul3A_724 : vector<16xf32>
        %add3A_726 = arith.constant 14 : i32
        %add3A_727 = arith.addi %mul3A_307, %add3A_726 : i32
        %get3A_728 = arith.index_cast %add3A_727 : i32 to index
        %get3A_729 = arith.constant 48 : index
        %get3A_730 = tpu.vector_load %arg12[%get3A_728, %get3A_729] {strides = array<i32>} : memref<208x128xf32, #tpu.memory_space<vmem>>, vector<16xf32>,
        %mul3A_731 = arith.mulf %get3A_730, %get3A_147 : vector<16xf32>
        %add3A_732 = arith.addf %add3A_620, %mul3A_731 : vector<16xf32>
        %add3A_733 = arith.constant 15 : i32
        %add3A_734 = arith.addi %mul3A_307, %add3A_733 : i32
        %get3A_735 = arith.index_cast %add3A_734 : i32 to index
        %get3A_736 = arith.constant 48 : index
        %get3A_737 = tpu.vector_load %arg12[%get3A_735, %get3A_736] {strides = array<i32>} : memref<208x128xf32, #tpu.memory_space<vmem>>, vector<16xf32>,
        %mul3A_738 = arith.mulf %get3A_737, %get3A_147 : vector<16xf32>
        %add3A_739 = arith.addf %add3A_627, %mul3A_738 : vector<16xf32>
        %add3A_740 = arith.constant 0 : i32
        %add3A_741 = arith.addi %mul3A_307, %add3A_740 : i32
        %get3A_742 = arith.index_cast %add3A_741 : i32 to index
        %get3A_743 = arith.constant 64 : index
        %get3A_744 = tpu.vector_load %arg12[%get3A_742, %get3A_743] {strides = array<i32>} : memref<208x128xf32, #tpu.memory_space<vmem>>, vector<16xf32>,
        %mul3A_745 = arith.mulf %get3A_744, %get3A_153 : vector<16xf32>
        %add3A_746 = arith.addf %add3A_634, %mul3A_745 : vector<16xf32>
        %add3A_747 = arith.constant 1 : i32
        %add3A_748 = arith.addi %mul3A_307, %add3A_747 : i32
        %get3A_749 = arith.index_cast %add3A_748 : i32 to index
        %get3A_750 = arith.constant 64 : index
        %get3A_751 = tpu.vector_load %arg12[%get3A_749, %get3A_750] {strides = array<i32>} : memref<208x128xf32, #tpu.memory_space<vmem>>, vector<16xf32>,
        %mul3A_752 = arith.mulf %get3A_751, %get3A_153 : vector<16xf32>
        %add3A_753 = arith.addf %add3A_641, %mul3A_752 : vector<16xf32>
        %add3A_754 = arith.constant 2 : i32
        %add3A_755 = arith.addi %mul3A_307, %add3A_754 : i32
        %get3A_756 = arith.index_cast %add3A_755 : i32 to index
        %get3A_757 = arith.constant 64 : index
        %get3A_758 = tpu.vector_load %arg12[%get3A_756, %get3A_757] {strides = array<i32>} : memref<208x128xf32, #tpu.memory_space<vmem>>, vector<16xf32>,
        %mul3A_759 = arith.mulf %get3A_758, %get3A_153 : vector<16xf32>
        %add3A_760 = arith.addf %add3A_648, %mul3A_759 : vector<16xf32>
        %add3A_761 = arith.constant 3 : i32
        %add3A_762 = arith.addi %mul3A_307, %add3A_761 : i32
        %get3A_763 = arith.index_cast %add3A_762 : i32 to index
        %get3A_764 = arith.constant 64 : index
        %get3A_765 = tpu.vector_load %arg12[%get3A_763, %get3A_764] {strides = array<i32>} : memref<208x128xf32, #tpu.memory_space<vmem>>, vector<16xf32>,
        %mul3A_766 = arith.mulf %get3A_765, %get3A_153 : vector<16xf32>
        %add3A_767 = arith.addf %add3A_655, %mul3A_766 : vector<16xf32>
        %add3A_768 = arith.constant 4 : i32
        %add3A_769 = arith.addi %mul3A_307, %add3A_768 : i32
        %get3A_770 = arith.index_cast %add3A_769 : i32 to index
        %get3A_771 = arith.constant 64 : index
        %get3A_772 = tpu.vector_load %arg12[%get3A_770, %get3A_771] {strides = array<i32>} : memref<208x128xf32, #tpu.memory_space<vmem>>, vector<16xf32>,
        %mul3A_773 = arith.mulf %get3A_772, %get3A_153 : vector<16xf32>
        %add3A_774 = arith.addf %add3A_662, %mul3A_773 : vector<16xf32>
        %add3A_775 = arith.constant 5 : i32
        %add3A_776 = arith.addi %mul3A_307, %add3A_775 : i32
        %get3A_777 = arith.index_cast %add3A_776 : i32 to index
        %get3A_778 = arith.constant 64 : index
        %get3A_779 = tpu.vector_load %arg12[%get3A_777, %get3A_778] {strides = array<i32>} : memref<208x128xf32, #tpu.memory_space<vmem>>, vector<16xf32>,
        %mul3A_780 = arith.mulf %get3A_779, %get3A_153 : vector<16xf32>
        %add3A_781 = arith.addf %add3A_669, %mul3A_780 : vector<16xf32>
        %add3A_782 = arith.constant 6 : i32
        %add3A_783 = arith.addi %mul3A_307, %add3A_782 : i32
        %get3A_784 = arith.index_cast %add3A_783 : i32 to index
        %get3A_785 = arith.constant 64 : index
        %get3A_786 = tpu.vector_load %arg12[%get3A_784, %get3A_785] {strides = array<i32>} : memref<208x128xf32, #tpu.memory_space<vmem>>, vector<16xf32>,
        %mul3A_787 = arith.mulf %get3A_786, %get3A_153 : vector<16xf32>
        %add3A_788 = arith.addf %add3A_676, %mul3A_787 : vector<16xf32>
        %add3A_789 = arith.constant 7 : i32
        %add3A_790 = arith.addi %mul3A_307, %add3A_789 : i32
        %get3A_791 = arith.index_cast %add3A_790 : i32 to index
        %get3A_792 = arith.constant 64 : index
        %get3A_793 = tpu.vector_load %arg12[%get3A_791, %get3A_792] {strides = array<i32>} : memref<208x128xf32, #tpu.memory_space<vmem>>, vector<16xf32>,
        %mul3A_794 = arith.mulf %get3A_793, %get3A_153 : vector<16xf32>
        %add3A_795 = arith.addf %add3A_683, %mul3A_794 : vector<16xf32>
        %add3A_796 = arith.constant 8 : i32
        %add3A_797 = arith.addi %mul3A_307, %add3A_796 : i32
        %get3A_798 = arith.index_cast %add3A_797 : i32 to index
        %get3A_799 = arith.constant 64 : index
        %get3A_800 = tpu.vector_load %arg12[%get3A_798, %get3A_799] {strides = array<i32>} : memref<208x128xf32, #tpu.memory_space<vmem>>, vector<16xf32>,
        %mul3A_801 = arith.mulf %get3A_800, %get3A_153 : vector<16xf32>
        %add3A_802 = arith.addf %add3A_690, %mul3A_801 : vector<16xf32>
        %add3A_803 = arith.constant 9 : i32
        %add3A_804 = arith.addi %mul3A_307, %add3A_803 : i32
        %get3A_805 = arith.index_cast %add3A_804 : i32 to index
        %get3A_806 = arith.constant 64 : index
        %get3A_807 = tpu.vector_load %arg12[%get3A_805, %get3A_806] {strides = array<i32>} : memref<208x128xf32, #tpu.memory_space<vmem>>, vector<16xf32>,
        %mul3A_808 = arith.mulf %get3A_807, %get3A_153 : vector<16xf32>
        %add3A_809 = arith.addf %add3A_697, %mul3A_808 : vector<16xf32>
        %add3A_810 = arith.constant 10 : i32
        %add3A_811 = arith.addi %mul3A_307, %add3A_810 : i32
        %get3A_812 = arith.index_cast %add3A_811 : i32 to index
        %get3A_813 = arith.constant 64 : index
        %get3A_814 = tpu.vector_load %arg12[%get3A_812, %get3A_813] {strides = array<i32>} : memref<208x128xf32, #tpu.memory_space<vmem>>, vector<16xf32>,
        %mul3A_815 = arith.mulf %get3A_814, %get3A_153 : vector<16xf32>
        %add3A_816 = arith.addf %add3A_704, %mul3A_815 : vector<16xf32>
        %add3A_817 = arith.constant 11 : i32
        %add3A_818 = arith.addi %mul3A_307, %add3A_817 : i32
        %get3A_819 = arith.index_cast %add3A_818 : i32 to index
        %get3A_820 = arith.constant 64 : index
        %get3A_821 = tpu.vector_load %arg12[%get3A_819, %get3A_820] {strides = array<i32>} : memref<208x128xf32, #tpu.memory_space<vmem>>, vector<16xf32>,
        %mul3A_822 = arith.mulf %get3A_821, %get3A_153 : vector<16xf32>
        %add3A_823 = arith.addf %add3A_711, %mul3A_822 : vector<16xf32>
        %add3A_824 = arith.constant 12 : i32
        %add3A_825 = arith.addi %mul3A_307, %add3A_824 : i32
        %get3A_826 = arith.index_cast %add3A_825 : i32 to index
        %get3A_827 = arith.constant 64 : index
        %get3A_828 = tpu.vector_load %arg12[%get3A_826, %get3A_827] {strides = array<i32>} : memref<208x128xf32, #tpu.memory_space<vmem>>, vector<16xf32>,
        %mul3A_829 = arith.mulf %get3A_828, %get3A_153 : vector<16xf32>
        %add3A_830 = arith.addf %add3A_718, %mul3A_829 : vector<16xf32>
        %add3A_831 = arith.constant 13 : i32
        %add3A_832 = arith.addi %mul3A_307, %add3A_831 : i32
        %get3A_833 = arith.index_cast %add3A_832 : i32 to index
        %get3A_834 = arith.constant 64 : index
        %get3A_835 = tpu.vector_load %arg12[%get3A_833, %get3A_834] {strides = array<i32>} : memref<208x128xf32, #tpu.memory_space<vmem>>, vector<16xf32>,
        %mul3A_836 = arith.mulf %get3A_835, %get3A_153 : vector<16xf32>
        %add3A_837 = arith.addf %add3A_725, %mul3A_836 : vector<16xf32>
        %add3A_838 = arith.constant 14 : i32
        %add3A_839 = arith.addi %mul3A_307, %add3A_838 : i32
        %get3A_840 = arith.index_cast %add3A_839 : i32 to index
        %get3A_841 = arith.constant 64 : index
        %get3A_842 = tpu.vector_load %arg12[%get3A_840, %get3A_841] {strides = array<i32>} : memref<208x128xf32, #tpu.memory_space<vmem>>, vector<16xf32>,
        %mul3A_843 = arith.mulf %get3A_842, %get3A_153 : vector<16xf32>
        %add3A_844 = arith.addf %add3A_732, %mul3A_843 : vector<16xf32>
        %add3A_845 = arith.constant 15 : i32
        %add3A_846 = arith.addi %mul3A_307, %add3A_845 : i32
        %get3A_847 = arith.index_cast %add3A_846 : i32 to index
        %get3A_848 = arith.constant 64 : index
        %get3A_849 = tpu.vector_load %arg12[%get3A_847, %get3A_848] {strides = array<i32>} : memref<208x128xf32, #tpu.memory_space<vmem>>, vector<16xf32>,
        %mul3A_850 = arith.mulf %get3A_849, %get3A_153 : vector<16xf32>
        %add3A_851 = arith.addf %add3A_739, %mul3A_850 : vector<16xf32>
        %add3A_852 = arith.constant 0 : i32
        %add3A_853 = arith.addi %mul3A_307, %add3A_852 : i32
        %get3A_854 = arith.index_cast %add3A_853 : i32 to index
        %get3A_855 = arith.constant 80 : index
        %get3A_856 = tpu.vector_load %arg12[%get3A_854, %get3A_855] {strides = array<i32>} : memref<208x128xf32, #tpu.memory_space<vmem>>, vector<16xf32>,
        %mul3A_857 = arith.mulf %get3A_856, %get3A_159 : vector<16xf32>
        %add3A_858 = arith.addf %add3A_746, %mul3A_857 : vector<16xf32>
        %add3A_859 = arith.constant 1 : i32
        %add3A_860 = arith.addi %mul3A_307, %add3A_859 : i32
        %get3A_861 = arith.index_cast %add3A_860 : i32 to index
        %get3A_862 = arith.constant 80 : index
        %get3A_863 = tpu.vector_load %arg12[%get3A_861, %get3A_862] {strides = array<i32>} : memref<208x128xf32, #tpu.memory_space<vmem>>, vector<16xf32>,
        %mul3A_864 = arith.mulf %get3A_863, %get3A_159 : vector<16xf32>
        %add3A_865 = arith.addf %add3A_753, %mul3A_864 : vector<16xf32>
        %add3A_866 = arith.constant 2 : i32
        %add3A_867 = arith.addi %mul3A_307, %add3A_866 : i32
        %get3A_868 = arith.index_cast %add3A_867 : i32 to index
        %get3A_869 = arith.constant 80 : index
        %get3A_870 = tpu.vector_load %arg12[%get3A_868, %get3A_869] {strides = array<i32>} : memref<208x128xf32, #tpu.memory_space<vmem>>, vector<16xf32>,
        %mul3A_871 = arith.mulf %get3A_870, %get3A_159 : vector<16xf32>
        %add3A_872 = arith.addf %add3A_760, %mul3A_871 : vector<16xf32>
        %add3A_873 = arith.constant 3 : i32
        %add3A_874 = arith.addi %mul3A_307, %add3A_873 : i32
        %get3A_875 = arith.index_cast %add3A_874 : i32 to index
        %get3A_876 = arith.constant 80 : index
        %get3A_877 = tpu.vector_load %arg12[%get3A_875, %get3A_876] {strides = array<i32>} : memref<208x128xf32, #tpu.memory_space<vmem>>, vector<16xf32>,
        %mul3A_878 = arith.mulf %get3A_877, %get3A_159 : vector<16xf32>
        %add3A_879 = arith.addf %add3A_767, %mul3A_878 : vector<16xf32>
        %add3A_880 = arith.constant 4 : i32
        %add3A_881 = arith.addi %mul3A_307, %add3A_880 : i32
        %get3A_882 = arith.index_cast %add3A_881 : i32 to index
        %get3A_883 = arith.constant 80 : index
        %get3A_884 = tpu.vector_load %arg12[%get3A_882, %get3A_883] {strides = array<i32>} : memref<208x128xf32, #tpu.memory_space<vmem>>, vector<16xf32>,
        %mul3A_885 = arith.mulf %get3A_884, %get3A_159 : vector<16xf32>
        %add3A_886 = arith.addf %add3A_774, %mul3A_885 : vector<16xf32>
        %add3A_887 = arith.constant 5 : i32
        %add3A_888 = arith.addi %mul3A_307, %add3A_887 : i32
        %get3A_889 = arith.index_cast %add3A_888 : i32 to index
        %get3A_890 = arith.constant 80 : index
        %get3A_891 = tpu.vector_load %arg12[%get3A_889, %get3A_890] {strides = array<i32>} : memref<208x128xf32, #tpu.memory_space<vmem>>, vector<16xf32>,
        %mul3A_892 = arith.mulf %get3A_891, %get3A_159 : vector<16xf32>
        %add3A_893 = arith.addf %add3A_781, %mul3A_892 : vector<16xf32>
        %add3A_894 = arith.constant 6 : i32
        %add3A_895 = arith.addi %mul3A_307, %add3A_894 : i32
        %get3A_896 = arith.index_cast %add3A_895 : i32 to index
        %get3A_897 = arith.constant 80 : index
        %get3A_898 = tpu.vector_load %arg12[%get3A_896, %get3A_897] {strides = array<i32>} : memref<208x128xf32, #tpu.memory_space<vmem>>, vector<16xf32>,
        %mul3A_899 = arith.mulf %get3A_898, %get3A_159 : vector<16xf32>
        %add3A_900 = arith.addf %add3A_788, %mul3A_899 : vector<16xf32>
        %add3A_901 = arith.constant 7 : i32
        %add3A_902 = arith.addi %mul3A_307, %add3A_901 : i32
        %get3A_903 = arith.index_cast %add3A_902 : i32 to index
        %get3A_904 = arith.constant 80 : index
        %get3A_905 = tpu.vector_load %arg12[%get3A_903, %get3A_904] {strides = array<i32>} : memref<208x128xf32, #tpu.memory_space<vmem>>, vector<16xf32>,
        %mul3A_906 = arith.mulf %get3A_905, %get3A_159 : vector<16xf32>
        %add3A_907 = arith.addf %add3A_795, %mul3A_906 : vector<16xf32>
        %add3A_908 = arith.constant 8 : i32
        %add3A_909 = arith.addi %mul3A_307, %add3A_908 : i32
        %get3A_910 = arith.index_cast %add3A_909 : i32 to index
        %get3A_911 = arith.constant 80 : index
        %get3A_912 = tpu.vector_load %arg12[%get3A_910, %get3A_911] {strides = array<i32>} : memref<208x128xf32, #tpu.memory_space<vmem>>, vector<16xf32>,
        %mul3A_913 = arith.mulf %get3A_912, %get3A_159 : vector<16xf32>
        %add3A_914 = arith.addf %add3A_802, %mul3A_913 : vector<16xf32>
        %add3A_915 = arith.constant 9 : i32
        %add3A_916 = arith.addi %mul3A_307, %add3A_915 : i32
        %get3A_917 = arith.index_cast %add3A_916 : i32 to index
        %get3A_918 = arith.constant 80 : index
        %get3A_919 = tpu.vector_load %arg12[%get3A_917, %get3A_918] {strides = array<i32>} : memref<208x128xf32, #tpu.memory_space<vmem>>, vector<16xf32>,
        %mul3A_920 = arith.mulf %get3A_919, %get3A_159 : vector<16xf32>
        %add3A_921 = arith.addf %add3A_809, %mul3A_920 : vector<16xf32>
        %add3A_922 = arith.constant 10 : i32
        %add3A_923 = arith.addi %mul3A_307, %add3A_922 : i32
        %get3A_924 = arith.index_cast %add3A_923 : i32 to index
        %get3A_925 = arith.constant 80 : index
        %get3A_926 = tpu.vector_load %arg12[%get3A_924, %get3A_925] {strides = array<i32>} : memref<208x128xf32, #tpu.memory_space<vmem>>, vector<16xf32>,
        %mul3A_927 = arith.mulf %get3A_926, %get3A_159 : vector<16xf32>
        %add3A_928 = arith.addf %add3A_816, %mul3A_927 : vector<16xf32>
        %add3A_929 = arith.constant 11 : i32
        %add3A_930 = arith.addi %mul3A_307, %add3A_929 : i32
        %get3A_931 = arith.index_cast %add3A_930 : i32 to index
        %get3A_932 = arith.constant 80 : index
        %get3A_933 = tpu.vector_load %arg12[%get3A_931, %get3A_932] {strides = array<i32>} : memref<208x128xf32, #tpu.memory_space<vmem>>, vector<16xf32>,
        %mul3A_934 = arith.mulf %get3A_933, %get3A_159 : vector<16xf32>
        %add3A_935 = arith.addf %add3A_823, %mul3A_934 : vector<16xf32>
        %add3A_936 = arith.constant 12 : i32
        %add3A_937 = arith.addi %mul3A_307, %add3A_936 : i32
        %get3A_938 = arith.index_cast %add3A_937 : i32 to index
        %get3A_939 = arith.constant 80 : index
        %get3A_940 = tpu.vector_load %arg12[%get3A_938, %get3A_939] {strides = array<i32>} : memref<208x128xf32, #tpu.memory_space<vmem>>, vector<16xf32>,
        %mul3A_941 = arith.mulf %get3A_940, %get3A_159 : vector<16xf32>
        %add3A_942 = arith.addf %add3A_830, %mul3A_941 : vector<16xf32>
        %add3A_943 = arith.constant 13 : i32
        %add3A_944 = arith.addi %mul3A_307, %add3A_943 : i32
        %get3A_945 = arith.index_cast %add3A_944 : i32 to index
        %get3A_946 = arith.constant 80 : index
        %get3A_947 = tpu.vector_load %arg12[%get3A_945, %get3A_946] {strides = array<i32>} : memref<208x128xf32, #tpu.memory_space<vmem>>, vector<16xf32>,
        %mul3A_948 = arith.mulf %get3A_947, %get3A_159 : vector<16xf32>
        %add3A_949 = arith.addf %add3A_837, %mul3A_948 : vector<16xf32>
        %add3A_950 = arith.constant 14 : i32
        %add3A_951 = arith.addi %mul3A_307, %add3A_950 : i32
        %get3A_952 = arith.index_cast %add3A_951 : i32 to index
        %get3A_953 = arith.constant 80 : index
        %get3A_954 = tpu.vector_load %arg12[%get3A_952, %get3A_953] {strides = array<i32>} : memref<208x128xf32, #tpu.memory_space<vmem>>, vector<16xf32>,
        %mul3A_955 = arith.mulf %get3A_954, %get3A_159 : vector<16xf32>
        %add3A_956 = arith.addf %add3A_844, %mul3A_955 : vector<16xf32>
        %add3A_957 = arith.constant 15 : i32
        %add3A_958 = arith.addi %mul3A_307, %add3A_957 : i32
        %get3A_959 = arith.index_cast %add3A_958 : i32 to index
        %get3A_960 = arith.constant 80 : index
        %get3A_961 = tpu.vector_load %arg12[%get3A_959, %get3A_960] {strides = array<i32>} : memref<208x128xf32, #tpu.memory_space<vmem>>, vector<16xf32>,
        %mul3A_962 = arith.mulf %get3A_961, %get3A_159 : vector<16xf32>
        %add3A_963 = arith.addf %add3A_851, %mul3A_962 : vector<16xf32>
        %add3A_964 = arith.constant 0 : i32
        %add3A_965 = arith.addi %mul3A_307, %add3A_964 : i32
        %get3A_966 = arith.index_cast %add3A_965 : i32 to index
        %get3A_967 = arith.constant 96 : index
        %get3A_968 = tpu.vector_load %arg12[%get3A_966, %get3A_967] {strides = array<i32>} : memref<208x128xf32, #tpu.memory_space<vmem>>, vector<16xf32>,
        %mul3A_969 = arith.mulf %get3A_968, %get3A_165 : vector<16xf32>
        %add3A_970 = arith.addf %add3A_858, %mul3A_969 : vector<16xf32>
        %add3A_971 = arith.constant 1 : i32
        %add3A_972 = arith.addi %mul3A_307, %add3A_971 : i32
        %get3A_973 = arith.index_cast %add3A_972 : i32 to index
        %get3A_974 = arith.constant 96 : index
        %get3A_975 = tpu.vector_load %arg12[%get3A_973, %get3A_974] {strides = array<i32>} : memref<208x128xf32, #tpu.memory_space<vmem>>, vector<16xf32>,
        %mul3A_976 = arith.mulf %get3A_975, %get3A_165 : vector<16xf32>
        %add3A_977 = arith.addf %add3A_865, %mul3A_976 : vector<16xf32>
        %add3A_978 = arith.constant 2 : i32
        %add3A_979 = arith.addi %mul3A_307, %add3A_978 : i32
        %get3A_980 = arith.index_cast %add3A_979 : i32 to index
        %get3A_981 = arith.constant 96 : index
        %get3A_982 = tpu.vector_load %arg12[%get3A_980, %get3A_981] {strides = array<i32>} : memref<208x128xf32, #tpu.memory_space<vmem>>, vector<16xf32>,
        %mul3A_983 = arith.mulf %get3A_982, %get3A_165 : vector<16xf32>
        %add3A_984 = arith.addf %add3A_872, %mul3A_983 : vector<16xf32>
        %add3A_985 = arith.constant 3 : i32
        %add3A_986 = arith.addi %mul3A_307, %add3A_985 : i32
        %get3A_987 = arith.index_cast %add3A_986 : i32 to index
        %get3A_988 = arith.constant 96 : index
        %get3A_989 = tpu.vector_load %arg12[%get3A_987, %get3A_988] {strides = array<i32>} : memref<208x128xf32, #tpu.memory_space<vmem>>, vector<16xf32>,
        %mul3A_990 = arith.mulf %get3A_989, %get3A_165 : vector<16xf32>
        %add3A_991 = arith.addf %add3A_879, %mul3A_990 : vector<16xf32>
        %add3A_992 = arith.constant 4 : i32
        %add3A_993 = arith.addi %mul3A_307, %add3A_992 : i32
        %get3A_994 = arith.index_cast %add3A_993 : i32 to index
        %get3A_995 = arith.constant 96 : index
        %get3A_996 = tpu.vector_load %arg12[%get3A_994, %get3A_995] {strides = array<i32>} : memref<208x128xf32, #tpu.memory_space<vmem>>, vector<16xf32>,
        %mul3A_997 = arith.mulf %get3A_996, %get3A_165 : vector<16xf32>
        %add3A_998 = arith.addf %add3A_886, %mul3A_997 : vector<16xf32>
        %add3A_999 = arith.constant 5 : i32
        %add3A_1000 = arith.addi %mul3A_307, %add3A_999 : i32
        %get3A_1001 = arith.index_cast %add3A_1000 : i32 to index
        %get3A_1002 = arith.constant 96 : index
        %get3A_1003 = tpu.vector_load %arg12[%get3A_1001, %get3A_1002] {strides = array<i32>} : memref<208x128xf32, #tpu.memory_space<vmem>>, vector<16xf32>,
        %mul3A_1004 = arith.mulf %get3A_1003, %get3A_165 : vector<16xf32>
        %add3A_1005 = arith.addf %add3A_893, %mul3A_1004 : vector<16xf32>
        %add3A_1006 = arith.constant 6 : i32
        %add3A_1007 = arith.addi %mul3A_307, %add3A_1006 : i32
        %get3A_1008 = arith.index_cast %add3A_1007 : i32 to index
        %get3A_1009 = arith.constant 96 : index
        %get3A_1010 = tpu.vector_load %arg12[%get3A_1008, %get3A_1009] {strides = array<i32>} : memref<208x128xf32, #tpu.memory_space<vmem>>, vector<16xf32>,
        %mul3A_1011 = arith.mulf %get3A_1010, %get3A_165 : vector<16xf32>
        %add3A_1012 = arith.addf %add3A_900, %mul3A_1011 : vector<16xf32>
        %add3A_1013 = arith.constant 7 : i32
        %add3A_1014 = arith.addi %mul3A_307, %add3A_1013 : i32
        %get3A_1015 = arith.index_cast %add3A_1014 : i32 to index
        %get3A_1016 = arith.constant 96 : index
        %get3A_1017 = tpu.vector_load %arg12[%get3A_1015, %get3A_1016] {strides = array<i32>} : memref<208x128xf32, #tpu.memory_space<vmem>>, vector<16xf32>,
        %mul3A_1018 = arith.mulf %get3A_1017, %get3A_165 : vector<16xf32>
        %add3A_1019 = arith.addf %add3A_907, %mul3A_1018 : vector<16xf32>
        %add3A_1020 = arith.constant 8 : i32
        %add3A_1021 = arith.addi %mul3A_307, %add3A_1020 : i32
        %get3A_1022 = arith.index_cast %add3A_1021 : i32 to index
        %get3A_1023 = arith.constant 96 : index
        %get3A_1024 = tpu.vector_load %arg12[%get3A_1022, %get3A_1023] {strides = array<i32>} : memref<208x128xf32, #tpu.memory_space<vmem>>, vector<16xf32>,
        %mul3A_1025 = arith.mulf %get3A_1024, %get3A_165 : vector<16xf32>
        %add3A_1026 = arith.addf %add3A_914, %mul3A_1025 : vector<16xf32>
        %add3A_1027 = arith.constant 9 : i32
        %add3A_1028 = arith.addi %mul3A_307, %add3A_1027 : i32
        %get3A_1029 = arith.index_cast %add3A_1028 : i32 to index
        %get3A_1030 = arith.constant 96 : index
        %get3A_1031 = tpu.vector_load %arg12[%get3A_1029, %get3A_1030] {strides = array<i32>} : memref<208x128xf32, #tpu.memory_space<vmem>>, vector<16xf32>,
        %mul3A_1032 = arith.mulf %get3A_1031, %get3A_165 : vector<16xf32>
        %add3A_1033 = arith.addf %add3A_921, %mul3A_1032 : vector<16xf32>
        %add3A_1034 = arith.constant 10 : i32
        %add3A_1035 = arith.addi %mul3A_307, %add3A_1034 : i32
        %get3A_1036 = arith.index_cast %add3A_1035 : i32 to index
        %get3A_1037 = arith.constant 96 : index
        %get3A_1038 = tpu.vector_load %arg12[%get3A_1036, %get3A_1037] {strides = array<i32>} : memref<208x128xf32, #tpu.memory_space<vmem>>, vector<16xf32>,
        %mul3A_1039 = arith.mulf %get3A_1038, %get3A_165 : vector<16xf32>
        %add3A_1040 = arith.addf %add3A_928, %mul3A_1039 : vector<16xf32>
        %add3A_1041 = arith.constant 11 : i32
        %add3A_1042 = arith.addi %mul3A_307, %add3A_1041 : i32
        %get3A_1043 = arith.index_cast %add3A_1042 : i32 to index
        %get3A_1044 = arith.constant 96 : index
        %get3A_1045 = tpu.vector_load %arg12[%get3A_1043, %get3A_1044] {strides = array<i32>} : memref<208x128xf32, #tpu.memory_space<vmem>>, vector<16xf32>,
        %mul3A_1046 = arith.mulf %get3A_1045, %get3A_165 : vector<16xf32>
        %add3A_1047 = arith.addf %add3A_935, %mul3A_1046 : vector<16xf32>
        %add3A_1048 = arith.constant 12 : i32
        %add3A_1049 = arith.addi %mul3A_307, %add3A_1048 : i32
        %get3A_1050 = arith.index_cast %add3A_1049 : i32 to index
        %get3A_1051 = arith.constant 96 : index
        %get3A_1052 = tpu.vector_load %arg12[%get3A_1050, %get3A_1051] {strides = array<i32>} : memref<208x128xf32, #tpu.memory_space<vmem>>, vector<16xf32>,
        %mul3A_1053 = arith.mulf %get3A_1052, %get3A_165 : vector<16xf32>
        %add3A_1054 = arith.addf %add3A_942, %mul3A_1053 : vector<16xf32>
        %add3A_1055 = arith.constant 13 : i32
        %add3A_1056 = arith.addi %mul3A_307, %add3A_1055 : i32
        %get3A_1057 = arith.index_cast %add3A_1056 : i32 to index
        %get3A_1058 = arith.constant 96 : index
        %get3A_1059 = tpu.vector_load %arg12[%get3A_1057, %get3A_1058] {strides = array<i32>} : memref<208x128xf32, #tpu.memory_space<vmem>>, vector<16xf32>,
        %mul3A_1060 = arith.mulf %get3A_1059, %get3A_165 : vector<16xf32>
        %add3A_1061 = arith.addf %add3A_949, %mul3A_1060 : vector<16xf32>
        %add3A_1062 = arith.constant 14 : i32
        %add3A_1063 = arith.addi %mul3A_307, %add3A_1062 : i32
        %get3A_1064 = arith.index_cast %add3A_1063 : i32 to index
        %get3A_1065 = arith.constant 96 : index
        %get3A_1066 = tpu.vector_load %arg12[%get3A_1064, %get3A_1065] {strides = array<i32>} : memref<208x128xf32, #tpu.memory_space<vmem>>, vector<16xf32>,
        %mul3A_1067 = arith.mulf %get3A_1066, %get3A_165 : vector<16xf32>
        %add3A_1068 = arith.addf %add3A_956, %mul3A_1067 : vector<16xf32>
        %add3A_1069 = arith.constant 15 : i32
        %add3A_1070 = arith.addi %mul3A_307, %add3A_1069 : i32
        %get3A_1071 = arith.index_cast %add3A_1070 : i32 to index
        %get3A_1072 = arith.constant 96 : index
        %get3A_1073 = tpu.vector_load %arg12[%get3A_1071, %get3A_1072] {strides = array<i32>} : memref<208x128xf32, #tpu.memory_space<vmem>>, vector<16xf32>,
        %mul3A_1074 = arith.mulf %get3A_1073, %get3A_165 : vector<16xf32>
        %add3A_1075 = arith.addf %add3A_963, %mul3A_1074 : vector<16xf32>
        %add3A_1076 = arith.constant 0 : i32
        %add3A_1077 = arith.addi %mul3A_307, %add3A_1076 : i32
        %get3A_1078 = arith.index_cast %add3A_1077 : i32 to index
        %get3A_1079 = arith.constant 112 : index
        %get3A_1080 = tpu.vector_load %arg12[%get3A_1078, %get3A_1079] {strides = array<i32>} : memref<208x128xf32, #tpu.memory_space<vmem>>, vector<16xf32>,
        %mul3A_1081 = arith.mulf %get3A_1080, %get3A_171 : vector<16xf32>
        %add3A_1082 = arith.addf %add3A_970, %mul3A_1081 : vector<16xf32>
        %add3A_1083 = arith.constant 1 : i32
        %add3A_1084 = arith.addi %mul3A_307, %add3A_1083 : i32
        %get3A_1085 = arith.index_cast %add3A_1084 : i32 to index
        %get3A_1086 = arith.constant 112 : index
        %get3A_1087 = tpu.vector_load %arg12[%get3A_1085, %get3A_1086] {strides = array<i32>} : memref<208x128xf32, #tpu.memory_space<vmem>>, vector<16xf32>,
        %mul3A_1088 = arith.mulf %get3A_1087, %get3A_171 : vector<16xf32>
        %add3A_1089 = arith.addf %add3A_977, %mul3A_1088 : vector<16xf32>
        %add3A_1090 = arith.constant 2 : i32
        %add3A_1091 = arith.addi %mul3A_307, %add3A_1090 : i32
        %get3A_1092 = arith.index_cast %add3A_1091 : i32 to index
        %get3A_1093 = arith.constant 112 : index
        %get3A_1094 = tpu.vector_load %arg12[%get3A_1092, %get3A_1093] {strides = array<i32>} : memref<208x128xf32, #tpu.memory_space<vmem>>, vector<16xf32>,
        %mul3A_1095 = arith.mulf %get3A_1094, %get3A_171 : vector<16xf32>
        %add3A_1096 = arith.addf %add3A_984, %mul3A_1095 : vector<16xf32>
        %add3A_1097 = arith.constant 3 : i32
        %add3A_1098 = arith.addi %mul3A_307, %add3A_1097 : i32
        %get3A_1099 = arith.index_cast %add3A_1098 : i32 to index
        %get3A_1100 = arith.constant 112 : index
        %get3A_1101 = tpu.vector_load %arg12[%get3A_1099, %get3A_1100] {strides = array<i32>} : memref<208x128xf32, #tpu.memory_space<vmem>>, vector<16xf32>,
        %mul3A_1102 = arith.mulf %get3A_1101, %get3A_171 : vector<16xf32>
        %add3A_1103 = arith.addf %add3A_991, %mul3A_1102 : vector<16xf32>
        %add3A_1104 = arith.constant 4 : i32
        %add3A_1105 = arith.addi %mul3A_307, %add3A_1104 : i32
        %get3A_1106 = arith.index_cast %add3A_1105 : i32 to index
        %get3A_1107 = arith.constant 112 : index
        %get3A_1108 = tpu.vector_load %arg12[%get3A_1106, %get3A_1107] {strides = array<i32>} : memref<208x128xf32, #tpu.memory_space<vmem>>, vector<16xf32>,
        %mul3A_1109 = arith.mulf %get3A_1108, %get3A_171 : vector<16xf32>
        %add3A_1110 = arith.addf %add3A_998, %mul3A_1109 : vector<16xf32>
        %add3A_1111 = arith.constant 5 : i32
        %add3A_1112 = arith.addi %mul3A_307, %add3A_1111 : i32
        %get3A_1113 = arith.index_cast %add3A_1112 : i32 to index
        %get3A_1114 = arith.constant 112 : index
        %get3A_1115 = tpu.vector_load %arg12[%get3A_1113, %get3A_1114] {strides = array<i32>} : memref<208x128xf32, #tpu.memory_space<vmem>>, vector<16xf32>,
        %mul3A_1116 = arith.mulf %get3A_1115, %get3A_171 : vector<16xf32>
        %add3A_1117 = arith.addf %add3A_1005, %mul3A_1116 : vector<16xf32>
        %add3A_1118 = arith.constant 6 : i32
        %add3A_1119 = arith.addi %mul3A_307, %add3A_1118 : i32
        %get3A_1120 = arith.index_cast %add3A_1119 : i32 to index
        %get3A_1121 = arith.constant 112 : index
        %get3A_1122 = tpu.vector_load %arg12[%get3A_1120, %get3A_1121] {strides = array<i32>} : memref<208x128xf32, #tpu.memory_space<vmem>>, vector<16xf32>,
        %mul3A_1123 = arith.mulf %get3A_1122, %get3A_171 : vector<16xf32>
        %add3A_1124 = arith.addf %add3A_1012, %mul3A_1123 : vector<16xf32>
        %add3A_1125 = arith.constant 7 : i32
        %add3A_1126 = arith.addi %mul3A_307, %add3A_1125 : i32
        %get3A_1127 = arith.index_cast %add3A_1126 : i32 to index
        %get3A_1128 = arith.constant 112 : index
        %get3A_1129 = tpu.vector_load %arg12[%get3A_1127, %get3A_1128] {strides = array<i32>} : memref<208x128xf32, #tpu.memory_space<vmem>>, vector<16xf32>,
        %mul3A_1130 = arith.mulf %get3A_1129, %get3A_171 : vector<16xf32>
        %add3A_1131 = arith.addf %add3A_1019, %mul3A_1130 : vector<16xf32>
        %add3A_1132 = arith.constant 8 : i32
        %add3A_1133 = arith.addi %mul3A_307, %add3A_1132 : i32
        %get3A_1134 = arith.index_cast %add3A_1133 : i32 to index
        %get3A_1135 = arith.constant 112 : index
        %get3A_1136 = tpu.vector_load %arg12[%get3A_1134, %get3A_1135] {strides = array<i32>} : memref<208x128xf32, #tpu.memory_space<vmem>>, vector<16xf32>,
        %mul3A_1137 = arith.mulf %get3A_1136, %get3A_171 : vector<16xf32>
        %add3A_1138 = arith.addf %add3A_1026, %mul3A_1137 : vector<16xf32>
        %add3A_1139 = arith.constant 9 : i32
        %add3A_1140 = arith.addi %mul3A_307, %add3A_1139 : i32
        %get3A_1141 = arith.index_cast %add3A_1140 : i32 to index
        %get3A_1142 = arith.constant 112 : index
        %get3A_1143 = tpu.vector_load %arg12[%get3A_1141, %get3A_1142] {strides = array<i32>} : memref<208x128xf32, #tpu.memory_space<vmem>>, vector<16xf32>,
        %mul3A_1144 = arith.mulf %get3A_1143, %get3A_171 : vector<16xf32>
        %add3A_1145 = arith.addf %add3A_1033, %mul3A_1144 : vector<16xf32>
        %add3A_1146 = arith.constant 10 : i32
        %add3A_1147 = arith.addi %mul3A_307, %add3A_1146 : i32
        %get3A_1148 = arith.index_cast %add3A_1147 : i32 to index
        %get3A_1149 = arith.constant 112 : index
        %get3A_1150 = tpu.vector_load %arg12[%get3A_1148, %get3A_1149] {strides = array<i32>} : memref<208x128xf32, #tpu.memory_space<vmem>>, vector<16xf32>,
        %mul3A_1151 = arith.mulf %get3A_1150, %get3A_171 : vector<16xf32>
        %add3A_1152 = arith.addf %add3A_1040, %mul3A_1151 : vector<16xf32>
        %add3A_1153 = arith.constant 11 : i32
        %add3A_1154 = arith.addi %mul3A_307, %add3A_1153 : i32
        %get3A_1155 = arith.index_cast %add3A_1154 : i32 to index
        %get3A_1156 = arith.constant 112 : index
        %get3A_1157 = tpu.vector_load %arg12[%get3A_1155, %get3A_1156] {strides = array<i32>} : memref<208x128xf32, #tpu.memory_space<vmem>>, vector<16xf32>,
        %mul3A_1158 = arith.mulf %get3A_1157, %get3A_171 : vector<16xf32>
        %add3A_1159 = arith.addf %add3A_1047, %mul3A_1158 : vector<16xf32>
        %add3A_1160 = arith.constant 12 : i32
        %add3A_1161 = arith.addi %mul3A_307, %add3A_1160 : i32
        %get3A_1162 = arith.index_cast %add3A_1161 : i32 to index
        %get3A_1163 = arith.constant 112 : index
        %get3A_1164 = tpu.vector_load %arg12[%get3A_1162, %get3A_1163] {strides = array<i32>} : memref<208x128xf32, #tpu.memory_space<vmem>>, vector<16xf32>,
        %mul3A_1165 = arith.mulf %get3A_1164, %get3A_171 : vector<16xf32>
        %add3A_1166 = arith.addf %add3A_1054, %mul3A_1165 : vector<16xf32>
        %add3A_1167 = arith.constant 13 : i32
        %add3A_1168 = arith.addi %mul3A_307, %add3A_1167 : i32
        %get3A_1169 = arith.index_cast %add3A_1168 : i32 to index
        %get3A_1170 = arith.constant 112 : index
        %get3A_1171 = tpu.vector_load %arg12[%get3A_1169, %get3A_1170] {strides = array<i32>} : memref<208x128xf32, #tpu.memory_space<vmem>>, vector<16xf32>,
        %mul3A_1172 = arith.mulf %get3A_1171, %get3A_171 : vector<16xf32>
        %add3A_1173 = arith.addf %add3A_1061, %mul3A_1172 : vector<16xf32>
        %add3A_1174 = arith.constant 14 : i32
        %add3A_1175 = arith.addi %mul3A_307, %add3A_1174 : i32
        %get3A_1176 = arith.index_cast %add3A_1175 : i32 to index
        %get3A_1177 = arith.constant 112 : index
        %get3A_1178 = tpu.vector_load %arg12[%get3A_1176, %get3A_1177] {strides = array<i32>} : memref<208x128xf32, #tpu.memory_space<vmem>>, vector<16xf32>,
        %mul3A_1179 = arith.mulf %get3A_1178, %get3A_171 : vector<16xf32>
        %add3A_1180 = arith.addf %add3A_1068, %mul3A_1179 : vector<16xf32>
        %add3A_1181 = arith.constant 15 : i32
        %add3A_1182 = arith.addi %mul3A_307, %add3A_1181 : i32
        %get3A_1183 = arith.index_cast %add3A_1182 : i32 to index
        %get3A_1184 = arith.constant 112 : index
        %get3A_1185 = tpu.vector_load %arg12[%get3A_1183, %get3A_1184] {strides = array<i32>} : memref<208x128xf32, #tpu.memory_space<vmem>>, vector<16xf32>,
        %mul3A_1186 = arith.mulf %get3A_1185, %get3A_171 : vector<16xf32>
        %add3A_1187 = arith.addf %add3A_1075, %mul3A_1186 : vector<16xf32>
        %broadcast_in_dim3A = arith.constant true
        %broadcast_in_dim3A_1188 = vector.broadcast %broadcast_in_dim3A : i1 to vector<16xi1>
        %masked_cumsum3A = tpu.scan <sum>, %add3A_1082 masked %broadcast_in_dim3A_1188 : vector<16xf32>, vector<16xi1> -> vector<16xf32>
        %mul3A_1189 = arith.constant 208 : i32
        %mul3A_1190 = arith.muli %mul3A_100, %mul3A_1189 : i32
        %add3A_1191 = arith.addi %mul3A_1190, %mul3A_307 : i32
        %add3A_1192 = arith.constant 0 : i32
        %add3A_1193 = arith.addi %add3A_1191, %add3A_1192 : i32
        %broadcast_in_dim3A_1194 = vector.broadcast %add3A_1193 : i32 to vector<16xi32>
        tpu.vector_store_idx %arg14[%broadcast_in_dim3A_1194], %masked_cumsum3A masked %eq3A_12 : memref<6656xf32, #tpu.memory_space<vmem>>[vector<16xi32>], vector<16xf32>, vector<16xi1>
        %broadcast_in_dim3A_1195 = arith.constant true
        %broadcast_in_dim3A_1196 = vector.broadcast %broadcast_in_dim3A_1195 : i1 to vector<16xi1>
        %masked_cumsum3A_1197 = tpu.scan <sum>, %add3A_1089 masked %broadcast_in_dim3A_1196 : vector<16xf32>, vector<16xi1> -> vector<16xf32>
        %mul3A_1198 = arith.constant 208 : i32
        %mul3A_1199 = arith.muli %mul3A_100, %mul3A_1198 : i32
        %add3A_1200 = arith.addi %mul3A_1199, %mul3A_307 : i32
        %add3A_1201 = arith.constant 1 : i32
        %add3A_1202 = arith.addi %add3A_1200, %add3A_1201 : i32
        %broadcast_in_dim3A_1203 = vector.broadcast %add3A_1202 : i32 to vector<16xi32>
        tpu.vector_store_idx %arg14[%broadcast_in_dim3A_1203], %masked_cumsum3A_1197 masked %eq3A_12 : memref<6656xf32, #tpu.memory_space<vmem>>[vector<16xi32>], vector<16xf32>, vector<16xi1>
        %broadcast_in_dim3A_1204 = arith.constant true
        %broadcast_in_dim3A_1205 = vector.broadcast %broadcast_in_dim3A_1204 : i1 to vector<16xi1>
        %masked_cumsum3A_1206 = tpu.scan <sum>, %add3A_1096 masked %broadcast_in_dim3A_1205 : vector<16xf32>, vector<16xi1> -> vector<16xf32>
        %mul3A_1207 = arith.constant 208 : i32
        %mul3A_1208 = arith.muli %mul3A_100, %mul3A_1207 : i32
        %add3A_1209 = arith.addi %mul3A_1208, %mul3A_307 : i32
        %add3A_1210 = arith.constant 2 : i32
        %add3A_1211 = arith.addi %add3A_1209, %add3A_1210 : i32
        %broadcast_in_dim3A_1212 = vector.broadcast %add3A_1211 : i32 to vector<16xi32>
        tpu.vector_store_idx %arg14[%broadcast_in_dim3A_1212], %masked_cumsum3A_1206 masked %eq3A_12 : memref<6656xf32, #tpu.memory_space<vmem>>[vector<16xi32>], vector<16xf32>, vector<16xi1>
        %broadcast_in_dim3A_1213 = arith.constant true
        %broadcast_in_dim3A_1214 = vector.broadcast %broadcast_in_dim3A_1213 : i1 to vector<16xi1>
        %masked_cumsum3A_1215 = tpu.scan <sum>, %add3A_1103 masked %broadcast_in_dim3A_1214 : vector<16xf32>, vector<16xi1> -> vector<16xf32>
        %mul3A_1216 = arith.constant 208 : i32
        %mul3A_1217 = arith.muli %mul3A_100, %mul3A_1216 : i32
        %add3A_1218 = arith.addi %mul3A_1217, %mul3A_307 : i32
        %add3A_1219 = arith.constant 3 : i32
        %add3A_1220 = arith.addi %add3A_1218, %add3A_1219 : i32
        %broadcast_in_dim3A_1221 = vector.broadcast %add3A_1220 : i32 to vector<16xi32>
        tpu.vector_store_idx %arg14[%broadcast_in_dim3A_1221], %masked_cumsum3A_1215 masked %eq3A_12 : memref<6656xf32, #tpu.memory_space<vmem>>[vector<16xi32>], vector<16xf32>, vector<16xi1>
        %broadcast_in_dim3A_1222 = arith.constant true
        %broadcast_in_dim3A_1223 = vector.broadcast %broadcast_in_dim3A_1222 : i1 to vector<16xi1>
        %masked_cumsum3A_1224 = tpu.scan <sum>, %add3A_1110 masked %broadcast_in_dim3A_1223 : vector<16xf32>, vector<16xi1> -> vector<16xf32>
        %mul3A_1225 = arith.constant 208 : i32
        %mul3A_1226 = arith.muli %mul3A_100, %mul3A_1225 : i32
        %add3A_1227 = arith.addi %mul3A_1226, %mul3A_307 : i32
        %add3A_1228 = arith.constant 4 : i32
        %add3A_1229 = arith.addi %add3A_1227, %add3A_1228 : i32
        %broadcast_in_dim3A_1230 = vector.broadcast %add3A_1229 : i32 to vector<16xi32>
        tpu.vector_store_idx %arg14[%broadcast_in_dim3A_1230], %masked_cumsum3A_1224 masked %eq3A_12 : memref<6656xf32, #tpu.memory_space<vmem>>[vector<16xi32>], vector<16xf32>, vector<16xi1>
        %broadcast_in_dim3A_1231 = arith.constant true
        %broadcast_in_dim3A_1232 = vector.broadcast %broadcast_in_dim3A_1231 : i1 to vector<16xi1>
        %masked_cumsum3A_1233 = tpu.scan <sum>, %add3A_1117 masked %broadcast_in_dim3A_1232 : vector<16xf32>, vector<16xi1> -> vector<16xf32>
        %mul3A_1234 = arith.constant 208 : i32
        %mul3A_1235 = arith.muli %mul3A_100, %mul3A_1234 : i32
        %add3A_1236 = arith.addi %mul3A_1235, %mul3A_307 : i32
        %add3A_1237 = arith.constant 5 : i32
        %add3A_1238 = arith.addi %add3A_1236, %add3A_1237 : i32
        %broadcast_in_dim3A_1239 = vector.broadcast %add3A_1238 : i32 to vector<16xi32>
        tpu.vector_store_idx %arg14[%broadcast_in_dim3A_1239], %masked_cumsum3A_1233 masked %eq3A_12 : memref<6656xf32, #tpu.memory_space<vmem>>[vector<16xi32>], vector<16xf32>, vector<16xi1>
        %broadcast_in_dim3A_1240 = arith.constant true
        %broadcast_in_dim3A_1241 = vector.broadcast %broadcast_in_dim3A_1240 : i1 to vector<16xi1>
        %masked_cumsum3A_1242 = tpu.scan <sum>, %add3A_1124 masked %broadcast_in_dim3A_1241 : vector<16xf32>, vector<16xi1> -> vector<16xf32>
        %mul3A_1243 = arith.constant 208 : i32
        %mul3A_1244 = arith.muli %mul3A_100, %mul3A_1243 : i32
        %add3A_1245 = arith.addi %mul3A_1244, %mul3A_307 : i32
        %add3A_1246 = arith.constant 6 : i32
        %add3A_1247 = arith.addi %add3A_1245, %add3A_1246 : i32
        %broadcast_in_dim3A_1248 = vector.broadcast %add3A_1247 : i32 to vector<16xi32>
        tpu.vector_store_idx %arg14[%broadcast_in_dim3A_1248], %masked_cumsum3A_1242 masked %eq3A_12 : memref<6656xf32, #tpu.memory_space<vmem>>[vector<16xi32>], vector<16xf32>, vector<16xi1>
        %broadcast_in_dim3A_1249 = arith.constant true
        %broadcast_in_dim3A_1250 = vector.broadcast %broadcast_in_dim3A_1249 : i1 to vector<16xi1>
        %masked_cumsum3A_1251 = tpu.scan <sum>, %add3A_1131 masked %broadcast_in_dim3A_1250 : vector<16xf32>, vector<16xi1> -> vector<16xf32>
        %mul3A_1252 = arith.constant 208 : i32
        %mul3A_1253 = arith.muli %mul3A_100, %mul3A_1252 : i32
        %add3A_1254 = arith.addi %mul3A_1253, %mul3A_307 : i32
        %add3A_1255 = arith.constant 7 : i32
        %add3A_1256 = arith.addi %add3A_1254, %add3A_1255 : i32
        %broadcast_in_dim3A_1257 = vector.broadcast %add3A_1256 : i32 to vector<16xi32>
        tpu.vector_store_idx %arg14[%broadcast_in_dim3A_1257], %masked_cumsum3A_1251 masked %eq3A_12 : memref<6656xf32, #tpu.memory_space<vmem>>[vector<16xi32>], vector<16xf32>, vector<16xi1>
        %broadcast_in_dim3A_1258 = arith.constant true
        %broadcast_in_dim3A_1259 = vector.broadcast %broadcast_in_dim3A_1258 : i1 to vector<16xi1>
        %masked_cumsum3A_1260 = tpu.scan <sum>, %add3A_1138 masked %broadcast_in_dim3A_1259 : vector<16xf32>, vector<16xi1> -> vector<16xf32>
        %mul3A_1261 = arith.constant 208 : i32
        %mul3A_1262 = arith.muli %mul3A_100, %mul3A_1261 : i32
        %add3A_1263 = arith.addi %mul3A_1262, %mul3A_307 : i32
        %add3A_1264 = arith.constant 8 : i32
        %add3A_1265 = arith.addi %add3A_1263, %add3A_1264 : i32
        %broadcast_in_dim3A_1266 = vector.broadcast %add3A_1265 : i32 to vector<16xi32>
        tpu.vector_store_idx %arg14[%broadcast_in_dim3A_1266], %masked_cumsum3A_1260 masked %eq3A_12 : memref<6656xf32, #tpu.memory_space<vmem>>[vector<16xi32>], vector<16xf32>, vector<16xi1>
        %broadcast_in_dim3A_1267 = arith.constant true
        %broadcast_in_dim3A_1268 = vector.broadcast %broadcast_in_dim3A_1267 : i1 to vector<16xi1>
        %masked_cumsum3A_1269 = tpu.scan <sum>, %add3A_1145 masked %broadcast_in_dim3A_1268 : vector<16xf32>, vector<16xi1> -> vector<16xf32>
        %mul3A_1270 = arith.constant 208 : i32
        %mul3A_1271 = arith.muli %mul3A_100, %mul3A_1270 : i32
        %add3A_1272 = arith.addi %mul3A_1271, %mul3A_307 : i32
        %add3A_1273 = arith.constant 9 : i32
        %add3A_1274 = arith.addi %add3A_1272, %add3A_1273 : i32
        %broadcast_in_dim3A_1275 = vector.broadcast %add3A_1274 : i32 to vector<16xi32>
        tpu.vector_store_idx %arg14[%broadcast_in_dim3A_1275], %masked_cumsum3A_1269 masked %eq3A_12 : memref<6656xf32, #tpu.memory_space<vmem>>[vector<16xi32>], vector<16xf32>, vector<16xi1>
        %broadcast_in_dim3A_1276 = arith.constant true
        %broadcast_in_dim3A_1277 = vector.broadcast %broadcast_in_dim3A_1276 : i1 to vector<16xi1>
        %masked_cumsum3A_1278 = tpu.scan <sum>, %add3A_1152 masked %broadcast_in_dim3A_1277 : vector<16xf32>, vector<16xi1> -> vector<16xf32>
        %mul3A_1279 = arith.constant 208 : i32
        %mul3A_1280 = arith.muli %mul3A_100, %mul3A_1279 : i32
        %add3A_1281 = arith.addi %mul3A_1280, %mul3A_307 : i32
        %add3A_1282 = arith.constant 10 : i32
        %add3A_1283 = arith.addi %add3A_1281, %add3A_1282 : i32
        %broadcast_in_dim3A_1284 = vector.broadcast %add3A_1283 : i32 to vector<16xi32>
        tpu.vector_store_idx %arg14[%broadcast_in_dim3A_1284], %masked_cumsum3A_1278 masked %eq3A_12 : memref<6656xf32, #tpu.memory_space<vmem>>[vector<16xi32>], vector<16xf32>, vector<16xi1>
        %broadcast_in_dim3A_1285 = arith.constant true
        %broadcast_in_dim3A_1286 = vector.broadcast %broadcast_in_dim3A_1285 : i1 to vector<16xi1>
        %masked_cumsum3A_1287 = tpu.scan <sum>, %add3A_1159 masked %broadcast_in_dim3A_1286 : vector<16xf32>, vector<16xi1> -> vector<16xf32>
        %mul3A_1288 = arith.constant 208 : i32
        %mul3A_1289 = arith.muli %mul3A_100, %mul3A_1288 : i32
        %add3A_1290 = arith.addi %mul3A_1289, %mul3A_307 : i32
        %add3A_1291 = arith.constant 11 : i32
        %add3A_1292 = arith.addi %add3A_1290, %add3A_1291 : i32
        %broadcast_in_dim3A_1293 = vector.broadcast %add3A_1292 : i32 to vector<16xi32>
        tpu.vector_store_idx %arg14[%broadcast_in_dim3A_1293], %masked_cumsum3A_1287 masked %eq3A_12 : memref<6656xf32, #tpu.memory_space<vmem>>[vector<16xi32>], vector<16xf32>, vector<16xi1>
        %broadcast_in_dim3A_1294 = arith.constant true
        %broadcast_in_dim3A_1295 = vector.broadcast %broadcast_in_dim3A_1294 : i1 to vector<16xi1>
        %masked_cumsum3A_1296 = tpu.scan <sum>, %add3A_1166 masked %broadcast_in_dim3A_1295 : vector<16xf32>, vector<16xi1> -> vector<16xf32>
        %mul3A_1297 = arith.constant 208 : i32
        %mul3A_1298 = arith.muli %mul3A_100, %mul3A_1297 : i32
        %add3A_1299 = arith.addi %mul3A_1298, %mul3A_307 : i32
        %add3A_1300 = arith.constant 12 : i32
        %add3A_1301 = arith.addi %add3A_1299, %add3A_1300 : i32
        %broadcast_in_dim3A_1302 = vector.broadcast %add3A_1301 : i32 to vector<16xi32>
        tpu.vector_store_idx %arg14[%broadcast_in_dim3A_1302], %masked_cumsum3A_1296 masked %eq3A_12 : memref<6656xf32, #tpu.memory_space<vmem>>[vector<16xi32>], vector<16xf32>, vector<16xi1>
        %broadcast_in_dim3A_1303 = arith.constant true
        %broadcast_in_dim3A_1304 = vector.broadcast %broadcast_in_dim3A_1303 : i1 to vector<16xi1>
        %masked_cumsum3A_1305 = tpu.scan <sum>, %add3A_1173 masked %broadcast_in_dim3A_1304 : vector<16xf32>, vector<16xi1> -> vector<16xf32>
        %mul3A_1306 = arith.constant 208 : i32
        %mul3A_1307 = arith.muli %mul3A_100, %mul3A_1306 : i32
        %add3A_1308 = arith.addi %mul3A_1307, %mul3A_307 : i32
        %add3A_1309 = arith.constant 13 : i32
        %add3A_1310 = arith.addi %add3A_1308, %add3A_1309 : i32
        %broadcast_in_dim3A_1311 = vector.broadcast %add3A_1310 : i32 to vector<16xi32>
        tpu.vector_store_idx %arg14[%broadcast_in_dim3A_1311], %masked_cumsum3A_1305 masked %eq3A_12 : memref<6656xf32, #tpu.memory_space<vmem>>[vector<16xi32>], vector<16xf32>, vector<16xi1>
        %broadcast_in_dim3A_1312 = arith.constant true
        %broadcast_in_dim3A_1313 = vector.broadcast %broadcast_in_dim3A_1312 : i1 to vector<16xi1>
        %masked_cumsum3A_1314 = tpu.scan <sum>, %add3A_1180 masked %broadcast_in_dim3A_1313 : vector<16xf32>, vector<16xi1> -> vector<16xf32>
        %mul3A_1315 = arith.constant 208 : i32
        %mul3A_1316 = arith.muli %mul3A_100, %mul3A_1315 : i32
        %add3A_1317 = arith.addi %mul3A_1316, %mul3A_307 : i32
        %add3A_1318 = arith.constant 14 : i32
        %add3A_1319 = arith.addi %add3A_1317, %add3A_1318 : i32
        %broadcast_in_dim3A_1320 = vector.broadcast %add3A_1319 : i32 to vector<16xi32>
        tpu.vector_store_idx %arg14[%broadcast_in_dim3A_1320], %masked_cumsum3A_1314 masked %eq3A_12 : memref<6656xf32, #tpu.memory_space<vmem>>[vector<16xi32>], vector<16xf32>, vector<16xi1>
        %broadcast_in_dim3A_1321 = arith.constant true
        %broadcast_in_dim3A_1322 = vector.broadcast %broadcast_in_dim3A_1321 : i1 to vector<16xi1>
        %masked_cumsum3A_1323 = tpu.scan <sum>, %add3A_1187 masked %broadcast_in_dim3A_1322 : vector<16xf32>, vector<16xi1> -> vector<16xf32>
        %mul3A_1324 = arith.constant 208 : i32
        %mul3A_1325 = arith.muli %mul3A_100, %mul3A_1324 : i32
        %add3A_1326 = arith.addi %mul3A_1325, %mul3A_307 : i32
        %add3A_1327 = arith.constant 15 : i32
        %add3A_1328 = arith.addi %add3A_1326, %add3A_1327 : i32
        %broadcast_in_dim3A_1329 = vector.broadcast %add3A_1328 : i32 to vector<16xi32>
        tpu.vector_store_idx %arg14[%broadcast_in_dim3A_1329], %masked_cumsum3A_1323 masked %eq3A_12 : memref<6656xf32, #tpu.memory_space<vmem>>[vector<16xi32>], vector<16xf32>, vector<16xi1>
        %mul3A_1330 = arith.constant 200 : i32
        %mul3A_1331 = arith.muli %mul3A_100, %mul3A_1330 : i32
        %add3A_1332 = arith.addi %mul3A_1331, %mul3A_307 : i32
        %get3A_1333 = arith.index_cast %add3A_1332 : i32 to index
        %get3A_1334 = tpu.vector_load %arg9[%get3A_1333] {strides = array<i32>} : memref<6464xi32, #tpu.memory_space<vmem>>, vector<16xi32>,
        %max3A = arith.constant 0 : i32
        %max3A_1335 = vector.broadcast %max3A : i32 to vector<16xi32>
        %max3A_1336 = arith.maxsi %get3A_1334, %max3A_1335 : vector<16xi32>
        %min3A = arith.constant 399 : i32
        %min3A_1337 = vector.broadcast %min3A : i32 to vector<16xi32>
        %min3A_1338 = arith.minsi %max3A_1336, %min3A_1337 : vector<16xi32>
        %mul3A_1339 = arith.constant 400 : i32
        %mul3A_1340 = arith.muli %mul3A_100, %mul3A_1339 : i32
        %add3A_1341 = vector.broadcast %mul3A_1340 : i32 to vector<16xi32>
        %add3A_1342 = arith.addi %add3A_1341, %min3A_1338 : vector<16xi32>
        %gather3A = tpu.vector_load_idx %arg11[%add3A_1342] : memref<12800xf32, #tpu.memory_space<vmem>>[vector<16xi32>], vector<16xf32>,
        %mul3A_1343 = arith.constant 208 : i32
        %mul3A_1344 = arith.muli %mul3A_100, %mul3A_1343 : i32
        %add3A_1345 = arith.addi %mul3A_1344, %mul3A_307 : i32
        %get3A_1346 = arith.index_cast %add3A_1345 : i32 to index
        %get3A_1347 = tpu.vector_load %arg14[%get3A_1346] {strides = array<i32>} : memref<6656xf32, #tpu.memory_space<vmem>>, vector<16xf32>,
        %add3A_1348 = arith.addf %get3A_1347, %gather3A : vector<16xf32>
        %swap3A = arith.index_cast %add3A_1345 : i32 to index
        %swap3A_1349 = tpu.vector_load %arg14[%swap3A] {strides = array<i32>} : memref<6656xf32, #tpu.memory_space<vmem>>, vector<16xf32>,
        tpu.vector_store %arg14[%swap3A], %add3A_1348 {strides = array<i32>} : memref<6656xf32, #tpu.memory_space<vmem>>, vector<16xf32>,
      }
      %scan3A_177 = arith.constant 13 : i32
      %add3A_178 = arith.constant 2 : i32
      %add3A_179 = arith.addi %mul3A_100, %add3A_178 : i32
      %rem3A = arith.constant 32 : i32
      %rem3A_180 = arith.remsi %add3A_179, %rem3A : i32
      %mul3A_181 = arith.constant 200 : i32
      %mul3A_182 = arith.muli %rem3A_180, %mul3A_181 : i32
      %dma_start3A_183 = arith.constant 0 : i32
      %dma_start3A_184 = arith.constant 0 : i32
      %dma_start3A_185 = tpu.memref_slice %arg12[%dma_start3A_183, %dma_start3A_184] : memref<208x128xf32, #tpu.memory_space<vmem>> -> memref<104x128xf32, #tpu.memory_space<vmem>>
      %dma_start3A_186 = tpu.memref_slice %arg8[%mul3A_182] : memref<6400xi32, #tpu.memory_space<vmem>> -> memref<104xi32, #tpu.memory_space<vmem>>
      %dma_start3A_187 = arith.constant 0 : i32
      %dma_start3A_188 = arith.constant 0 : i32
      %dma_start3A_189 = tpu.memref_slice %arg6[%dma_start3A_187, %dma_start3A_188] : memref<100000x128xf32, #tpu.memory_space<hbm>> -> memref<100000x128xf32, #tpu.memory_space<hbm>>
      tpu.enqueue_indirect_dma source(%dma_start3A_189 : memref<100000x128xf32, #tpu.memory_space<hbm>>) target(%dma_start3A_185 : memref<104x128xf32, #tpu.memory_space<vmem>>) offsets(%dma_start3A_186 : memref<104xi32, #tpu.memory_space<vmem>>) semaphore(%arg15 : memref<!tpu.dma_semaphore, #tpu.memory_space<semaphore_mem>>)
      %mul3A_190 = arith.constant 200 : i32
      %mul3A_191 = arith.muli %rem3A_180, %mul3A_190 : i32
      %add3A_192 = arith.constant 104 : i32
      %add3A_193 = arith.addi %mul3A_191, %add3A_192 : i32
      %dma_start3A_194 = arith.constant 104 : i32
      %dma_start3A_195 = arith.constant 0 : i32
      %dma_start3A_196 = tpu.memref_slice %arg12[%dma_start3A_194, %dma_start3A_195] : memref<208x128xf32, #tpu.memory_space<vmem>> -> memref<96x128xf32, #tpu.memory_space<vmem>>
      %dma_start3A_197 = tpu.memref_slice %arg8[%add3A_193] : memref<6400xi32, #tpu.memory_space<vmem>> -> memref<96xi32, #tpu.memory_space<vmem>>
      %dma_start3A_198 = arith.constant 0 : i32
      %dma_start3A_199 = arith.constant 0 : i32
      %dma_start3A_200 = tpu.memref_slice %arg6[%dma_start3A_198, %dma_start3A_199] : memref<100000x128xf32, #tpu.memory_space<hbm>> -> memref<100000x128xf32, #tpu.memory_space<hbm>>
      tpu.enqueue_indirect_dma source(%dma_start3A_200 : memref<100000x128xf32, #tpu.memory_space<hbm>>) target(%dma_start3A_196 : memref<96x128xf32, #tpu.memory_space<vmem>>) offsets(%dma_start3A_197 : memref<96xi32, #tpu.memory_space<vmem>>) semaphore(%arg15 : memref<!tpu.dma_semaphore, #tpu.memory_space<semaphore_mem>>)
      %dma_wait3A_201 = arith.constant 0 : i32
      %dma_wait3A_202 = arith.constant 0 : i32
      %dma_wait3A_203 = tpu.memref_slice %arg13[%dma_wait3A_201, %dma_wait3A_202] : memref<208x128xf32, #tpu.memory_space<vmem>> -> memref<104x128xf32, #tpu.memory_space<vmem>>
      %dma_wait3A_204 = arith.constant 0 : i32
      %dma_wait3A_205 = arith.constant 0 : i32
      %dma_wait3A_206 = tpu.memref_slice %arg6[%dma_wait3A_204, %dma_wait3A_205] : memref<100000x128xf32, #tpu.memory_space<hbm>> -> memref<104x128xf32, #tpu.memory_space<hbm>>
      %dma_wait3A_207 = arith.constant 0 : i32
      %dma_wait3A_208 = arith.constant 0 : i32
      %dma_wait3A_209 = tpu.memref_slice %arg13[%dma_wait3A_207, %dma_wait3A_208] : memref<208x128xf32, #tpu.memory_space<vmem>> -> memref<104x128xf32, #tpu.memory_space<vmem>>
      %dma_wait3A_210 = arith.constant 0 : i32
      %dma_wait3A_211 = arith.constant 0 : i32
      %dma_wait3A_212 = tpu.memref_slice %arg6[%dma_wait3A_210, %dma_wait3A_211] : memref<100000x128xf32, #tpu.memory_space<hbm>> -> memref<104x128xf32, #tpu.memory_space<hbm>>
      tpu.wait_dma2 semaphore(%arg16 : memref<!tpu.dma_semaphore, #tpu.memory_space<semaphore_mem>>) src(%dma_wait3A_212 : memref<104x128xf32, #tpu.memory_space<hbm>>) dst(%dma_wait3A_209 : memref<104x128xf32, #tpu.memory_space<vmem>>)
      %dma_wait3A_213 = arith.constant 104 : i32
      %dma_wait3A_214 = arith.constant 0 : i32
      %dma_wait3A_215 = tpu.memref_slice %arg13[%dma_wait3A_213, %dma_wait3A_214] : memref<208x128xf32, #tpu.memory_space<vmem>> -> memref<96x128xf32, #tpu.memory_space<vmem>>
      %dma_wait3A_216 = arith.constant 0 : i32
      %dma_wait3A_217 = arith.constant 0 : i32
      %dma_wait3A_218 = tpu.memref_slice %arg6[%dma_wait3A_216, %dma_wait3A_217] : memref<100000x128xf32, #tpu.memory_space<hbm>> -> memref<96x128xf32, #tpu.memory_space<hbm>>
      %dma_wait3A_219 = arith.constant 104 : i32
      %dma_wait3A_220 = arith.constant 0 : i32
      %dma_wait3A_221 = tpu.memref_slice %arg13[%dma_wait3A_219, %dma_wait3A_220] : memref<208x128xf32, #tpu.memory_space<vmem>> -> memref<96x128xf32, #tpu.memory_space<vmem>>
      %dma_wait3A_222 = arith.constant 0 : i32
      %dma_wait3A_223 = arith.constant 0 : i32
      %dma_wait3A_224 = tpu.memref_slice %arg6[%dma_wait3A_222, %dma_wait3A_223] : memref<100000x128xf32, #tpu.memory_space<hbm>> -> memref<96x128xf32, #tpu.memory_space<hbm>>
      tpu.wait_dma2 semaphore(%arg16 : memref<!tpu.dma_semaphore, #tpu.memory_space<semaphore_mem>>) src(%dma_wait3A_224 : memref<96x128xf32, #tpu.memory_space<hbm>>) dst(%dma_wait3A_221 : memref<96x128xf32, #tpu.memory_space<vmem>>)
      %add3A_225 = arith.constant 1 : i32
      %add3A_226 = arith.addi %mul3A_100, %add3A_225 : i32
      %mul3A_227 = arith.constant 128 : i32
      %mul3A_228 = arith.muli %add3A_226, %mul3A_227 : i32
      %add3A_229 = arith.constant 0 : i32
      %add3A_230 = arith.addi %mul3A_228, %add3A_229 : i32
      %get3A_231 = arith.index_cast %add3A_230 : i32 to index
      %get3A_232 = tpu.vector_load %arg10[%get3A_231] {strides = array<i32>} : memref<4096xf32, #tpu.memory_space<vmem>>, vector<16xf32>,
      %mul3A_233 = arith.constant 128 : i32
      %mul3A_234 = arith.muli %add3A_226, %mul3A_233 : i32
      %add3A_235 = arith.constant 16 : i32
      %add3A_236 = arith.addi %mul3A_234, %add3A_235 : i32
      %get3A_237 = arith.index_cast %add3A_236 : i32 to index
      %get3A_238 = tpu.vector_load %arg10[%get3A_237] {strides = array<i32>} : memref<4096xf32, #tpu.memory_space<vmem>>, vector<16xf32>,
      %mul3A_239 = arith.constant 128 : i32
      %mul3A_240 = arith.muli %add3A_226, %mul3A_239 : i32
      %add3A_241 = arith.constant 32 : i32
      %add3A_242 = arith.addi %mul3A_240, %add3A_241 : i32
      %get3A_243 = arith.index_cast %add3A_242 : i32 to index
      %get3A_244 = tpu.vector_load %arg10[%get3A_243] {strides = array<i32>} : memref<4096xf32, #tpu.memory_space<vmem>>, vector<16xf32>,
      %mul3A_245 = arith.constant 128 : i32
      %mul3A_246 = arith.muli %add3A_226, %mul3A_245 : i32
      %add3A_247 = arith.constant 48 : i32
      %add3A_248 = arith.addi %mul3A_246, %add3A_247 : i32
      %get3A_249 = arith.index_cast %add3A_248 : i32 to index
      %get3A_250 = tpu.vector_load %arg10[%get3A_249] {strides = array<i32>} : memref<4096xf32, #tpu.memory_space<vmem>>, vector<16xf32>,
      %mul3A_251 = arith.constant 128 : i32
      %mul3A_252 = arith.muli %add3A_226, %mul3A_251 : i32
      %add3A_253 = arith.constant 64 : i32
      %add3A_254 = arith.addi %mul3A_252, %add3A_253 : i32
      %get3A_255 = arith.index_cast %add3A_254 : i32 to index
      %get3A_256 = tpu.vector_load %arg10[%get3A_255] {strides = array<i32>} : memref<4096xf32, #tpu.memory_space<vmem>>, vector<16xf32>,
      %mul3A_257 = arith.constant 128 : i32
      %mul3A_258 = arith.muli %add3A_226, %mul3A_257 : i32
      %add3A_259 = arith.constant 80 : i32
      %add3A_260 = arith.addi %mul3A_258, %add3A_259 : i32
      %get3A_261 = arith.index_cast %add3A_260 : i32 to index
      %get3A_262 = tpu.vector_load %arg10[%get3A_261] {strides = array<i32>} : memref<4096xf32, #tpu.memory_space<vmem>>, vector<16xf32>,
      %mul3A_263 = arith.constant 128 : i32
      %mul3A_264 = arith.muli %add3A_226, %mul3A_263 : i32
      %add3A_265 = arith.constant 96 : i32
      %add3A_266 = arith.addi %mul3A_264, %add3A_265 : i32
      %get3A_267 = arith.index_cast %add3A_266 : i32 to index
      %get3A_268 = tpu.vector_load %arg10[%get3A_267] {strides = array<i32>} : memref<4096xf32, #tpu.memory_space<vmem>>, vector<16xf32>,
      %mul3A_269 = arith.constant 128 : i32
      %mul3A_270 = arith.muli %add3A_226, %mul3A_269 : i32
      %add3A_271 = arith.constant 112 : i32
      %add3A_272 = arith.addi %mul3A_270, %add3A_271 : i32
      %get3A_273 = arith.index_cast %add3A_272 : i32 to index
      %get3A_274 = tpu.vector_load %arg10[%get3A_273] {strides = array<i32>} : memref<4096xf32, #tpu.memory_space<vmem>>, vector<16xf32>,
      %scan3A_275 = arith.constant 0 : i32
      %scan3A_276 = arith.constant 0 : i32
      %scan3A_277 = arith.constant 13 : i32
      %scan3A_278 = arith.addi %scan3A_276, %scan3A_277 : i32
      %scan3A_279 = arith.constant 1 : i32
      scf.for %scan3A_305 = %scan3A_276 to %scan3A_278 step %scan3A_279  : i32 {
        %mul3A_306 = arith.constant 16 : i32
        %mul3A_307 = arith.muli %scan3A_305, %mul3A_306 : i32
        %add3A_308 = arith.constant 0 : i32
        %add3A_309 = arith.addi %mul3A_307, %add3A_308 : i32
        %get3A_310 = arith.index_cast %add3A_309 : i32 to index
        %get3A_311 = arith.constant 0 : index
        %get3A_312 = tpu.vector_load %arg13[%get3A_310, %get3A_311] {strides = array<i32>} : memref<208x128xf32, #tpu.memory_space<vmem>>, vector<16xf32>,
        %mul3A_313 = arith.mulf %get3A_312, %get3A_232 : vector<16xf32>
        %add3A_314 = arith.constant 1 : i32
        %add3A_315 = arith.addi %mul3A_307, %add3A_314 : i32
        %get3A_316 = arith.index_cast %add3A_315 : i32 to index
        %get3A_317 = arith.constant 0 : index
        %get3A_318 = tpu.vector_load %arg13[%get3A_316, %get3A_317] {strides = array<i32>} : memref<208x128xf32, #tpu.memory_space<vmem>>, vector<16xf32>,
        %mul3A_319 = arith.mulf %get3A_318, %get3A_232 : vector<16xf32>
        %add3A_320 = arith.constant 2 : i32
        %add3A_321 = arith.addi %mul3A_307, %add3A_320 : i32
        %get3A_322 = arith.index_cast %add3A_321 : i32 to index
        %get3A_323 = arith.constant 0 : index
        %get3A_324 = tpu.vector_load %arg13[%get3A_322, %get3A_323] {strides = array<i32>} : memref<208x128xf32, #tpu.memory_space<vmem>>, vector<16xf32>,
        %mul3A_325 = arith.mulf %get3A_324, %get3A_232 : vector<16xf32>
        %add3A_326 = arith.constant 3 : i32
        %add3A_327 = arith.addi %mul3A_307, %add3A_326 : i32
        %get3A_328 = arith.index_cast %add3A_327 : i32 to index
        %get3A_329 = arith.constant 0 : index
        %get3A_330 = tpu.vector_load %arg13[%get3A_328, %get3A_329] {strides = array<i32>} : memref<208x128xf32, #tpu.memory_space<vmem>>, vector<16xf32>,
        %mul3A_331 = arith.mulf %get3A_330, %get3A_232 : vector<16xf32>
        %add3A_332 = arith.constant 4 : i32
        %add3A_333 = arith.addi %mul3A_307, %add3A_332 : i32
        %get3A_334 = arith.index_cast %add3A_333 : i32 to index
        %get3A_335 = arith.constant 0 : index
        %get3A_336 = tpu.vector_load %arg13[%get3A_334, %get3A_335] {strides = array<i32>} : memref<208x128xf32, #tpu.memory_space<vmem>>, vector<16xf32>,
        %mul3A_337 = arith.mulf %get3A_336, %get3A_232 : vector<16xf32>
        %add3A_338 = arith.constant 5 : i32
        %add3A_339 = arith.addi %mul3A_307, %add3A_338 : i32
        %get3A_340 = arith.index_cast %add3A_339 : i32 to index
        %get3A_341 = arith.constant 0 : index
        %get3A_342 = tpu.vector_load %arg13[%get3A_340, %get3A_341] {strides = array<i32>} : memref<208x128xf32, #tpu.memory_space<vmem>>, vector<16xf32>,
        %mul3A_343 = arith.mulf %get3A_342, %get3A_232 : vector<16xf32>
        %add3A_344 = arith.constant 6 : i32
        %add3A_345 = arith.addi %mul3A_307, %add3A_344 : i32
        %get3A_346 = arith.index_cast %add3A_345 : i32 to index
        %get3A_347 = arith.constant 0 : index
        %get3A_348 = tpu.vector_load %arg13[%get3A_346, %get3A_347] {strides = array<i32>} : memref<208x128xf32, #tpu.memory_space<vmem>>, vector<16xf32>,
        %mul3A_349 = arith.mulf %get3A_348, %get3A_232 : vector<16xf32>
        %add3A_350 = arith.constant 7 : i32
        %add3A_351 = arith.addi %mul3A_307, %add3A_350 : i32
        %get3A_352 = arith.index_cast %add3A_351 : i32 to index
        %get3A_353 = arith.constant 0 : index
        %get3A_354 = tpu.vector_load %arg13[%get3A_352, %get3A_353] {strides = array<i32>} : memref<208x128xf32, #tpu.memory_space<vmem>>, vector<16xf32>,
        %mul3A_355 = arith.mulf %get3A_354, %get3A_232 : vector<16xf32>
        %add3A_356 = arith.constant 8 : i32
        %add3A_357 = arith.addi %mul3A_307, %add3A_356 : i32
        %get3A_358 = arith.index_cast %add3A_357 : i32 to index
        %get3A_359 = arith.constant 0 : index
        %get3A_360 = tpu.vector_load %arg13[%get3A_358, %get3A_359] {strides = array<i32>} : memref<208x128xf32, #tpu.memory_space<vmem>>, vector<16xf32>,
        %mul3A_361 = arith.mulf %get3A_360, %get3A_232 : vector<16xf32>
        %add3A_362 = arith.constant 9 : i32
        %add3A_363 = arith.addi %mul3A_307, %add3A_362 : i32
        %get3A_364 = arith.index_cast %add3A_363 : i32 to index
        %get3A_365 = arith.constant 0 : index
        %get3A_366 = tpu.vector_load %arg13[%get3A_364, %get3A_365] {strides = array<i32>} : memref<208x128xf32, #tpu.memory_space<vmem>>, vector<16xf32>,
        %mul3A_367 = arith.mulf %get3A_366, %get3A_232 : vector<16xf32>
        %add3A_368 = arith.constant 10 : i32
        %add3A_369 = arith.addi %mul3A_307, %add3A_368 : i32
        %get3A_370 = arith.index_cast %add3A_369 : i32 to index
        %get3A_371 = arith.constant 0 : index
        %get3A_372 = tpu.vector_load %arg13[%get3A_370, %get3A_371] {strides = array<i32>} : memref<208x128xf32, #tpu.memory_space<vmem>>, vector<16xf32>,
        %mul3A_373 = arith.mulf %get3A_372, %get3A_232 : vector<16xf32>
        %add3A_374 = arith.constant 11 : i32
        %add3A_375 = arith.addi %mul3A_307, %add3A_374 : i32
        %get3A_376 = arith.index_cast %add3A_375 : i32 to index
        %get3A_377 = arith.constant 0 : index
        %get3A_378 = tpu.vector_load %arg13[%get3A_376, %get3A_377] {strides = array<i32>} : memref<208x128xf32, #tpu.memory_space<vmem>>, vector<16xf32>,
        %mul3A_379 = arith.mulf %get3A_378, %get3A_232 : vector<16xf32>
        %add3A_380 = arith.constant 12 : i32
        %add3A_381 = arith.addi %mul3A_307, %add3A_380 : i32
        %get3A_382 = arith.index_cast %add3A_381 : i32 to index
        %get3A_383 = arith.constant 0 : index
        %get3A_384 = tpu.vector_load %arg13[%get3A_382, %get3A_383] {strides = array<i32>} : memref<208x128xf32, #tpu.memory_space<vmem>>, vector<16xf32>,
        %mul3A_385 = arith.mulf %get3A_384, %get3A_232 : vector<16xf32>
        %add3A_386 = arith.constant 13 : i32
        %add3A_387 = arith.addi %mul3A_307, %add3A_386 : i32
        %get3A_388 = arith.index_cast %add3A_387 : i32 to index
        %get3A_389 = arith.constant 0 : index
        %get3A_390 = tpu.vector_load %arg13[%get3A_388, %get3A_389] {strides = array<i32>} : memref<208x128xf32, #tpu.memory_space<vmem>>, vector<16xf32>,
        %mul3A_391 = arith.mulf %get3A_390, %get3A_232 : vector<16xf32>
        %add3A_392 = arith.constant 14 : i32
        %add3A_393 = arith.addi %mul3A_307, %add3A_392 : i32
        %get3A_394 = arith.index_cast %add3A_393 : i32 to index
        %get3A_395 = arith.constant 0 : index
        %get3A_396 = tpu.vector_load %arg13[%get3A_394, %get3A_395] {strides = array<i32>} : memref<208x128xf32, #tpu.memory_space<vmem>>, vector<16xf32>,
        %mul3A_397 = arith.mulf %get3A_396, %get3A_232 : vector<16xf32>
        %add3A_398 = arith.constant 15 : i32
        %add3A_399 = arith.addi %mul3A_307, %add3A_398 : i32
        %get3A_400 = arith.index_cast %add3A_399 : i32 to index
        %get3A_401 = arith.constant 0 : index
        %get3A_402 = tpu.vector_load %arg13[%get3A_400, %get3A_401] {strides = array<i32>} : memref<208x128xf32, #tpu.memory_space<vmem>>, vector<16xf32>,
        %mul3A_403 = arith.mulf %get3A_402, %get3A_232 : vector<16xf32>
        %add3A_404 = arith.constant 0 : i32
        %add3A_405 = arith.addi %mul3A_307, %add3A_404 : i32
        %get3A_406 = arith.index_cast %add3A_405 : i32 to index
        %get3A_407 = arith.constant 16 : index
        %get3A_408 = tpu.vector_load %arg13[%get3A_406, %get3A_407] {strides = array<i32>} : memref<208x128xf32, #tpu.memory_space<vmem>>, vector<16xf32>,
        %mul3A_409 = arith.mulf %get3A_408, %get3A_238 : vector<16xf32>
        %add3A_410 = arith.addf %mul3A_313, %mul3A_409 : vector<16xf32>
        %add3A_411 = arith.constant 1 : i32
        %add3A_412 = arith.addi %mul3A_307, %add3A_411 : i32
        %get3A_413 = arith.index_cast %add3A_412 : i32 to index
        %get3A_414 = arith.constant 16 : index
        %get3A_415 = tpu.vector_load %arg13[%get3A_413, %get3A_414] {strides = array<i32>} : memref<208x128xf32, #tpu.memory_space<vmem>>, vector<16xf32>,
        %mul3A_416 = arith.mulf %get3A_415, %get3A_238 : vector<16xf32>
        %add3A_417 = arith.addf %mul3A_319, %mul3A_416 : vector<16xf32>
        %add3A_418 = arith.constant 2 : i32
        %add3A_419 = arith.addi %mul3A_307, %add3A_418 : i32
        %get3A_420 = arith.index_cast %add3A_419 : i32 to index
        %get3A_421 = arith.constant 16 : index
        %get3A_422 = tpu.vector_load %arg13[%get3A_420, %get3A_421] {strides = array<i32>} : memref<208x128xf32, #tpu.memory_space<vmem>>, vector<16xf32>,
        %mul3A_423 = arith.mulf %get3A_422, %get3A_238 : vector<16xf32>
        %add3A_424 = arith.addf %mul3A_325, %mul3A_423 : vector<16xf32>
        %add3A_425 = arith.constant 3 : i32
        %add3A_426 = arith.addi %mul3A_307, %add3A_425 : i32
        %get3A_427 = arith.index_cast %add3A_426 : i32 to index
        %get3A_428 = arith.constant 16 : index
        %get3A_429 = tpu.vector_load %arg13[%get3A_427, %get3A_428] {strides = array<i32>} : memref<208x128xf32, #tpu.memory_space<vmem>>, vector<16xf32>,
        %mul3A_430 = arith.mulf %get3A_429, %get3A_238 : vector<16xf32>
        %add3A_431 = arith.addf %mul3A_331, %mul3A_430 : vector<16xf32>
        %add3A_432 = arith.constant 4 : i32
        %add3A_433 = arith.addi %mul3A_307, %add3A_432 : i32
        %get3A_434 = arith.index_cast %add3A_433 : i32 to index
        %get3A_435 = arith.constant 16 : index
        %get3A_436 = tpu.vector_load %arg13[%get3A_434, %get3A_435] {strides = array<i32>} : memref<208x128xf32, #tpu.memory_space<vmem>>, vector<16xf32>,
        %mul3A_437 = arith.mulf %get3A_436, %get3A_238 : vector<16xf32>
        %add3A_438 = arith.addf %mul3A_337, %mul3A_437 : vector<16xf32>
        %add3A_439 = arith.constant 5 : i32
        %add3A_440 = arith.addi %mul3A_307, %add3A_439 : i32
        %get3A_441 = arith.index_cast %add3A_440 : i32 to index
        %get3A_442 = arith.constant 16 : index
        %get3A_443 = tpu.vector_load %arg13[%get3A_441, %get3A_442] {strides = array<i32>} : memref<208x128xf32, #tpu.memory_space<vmem>>, vector<16xf32>,
        %mul3A_444 = arith.mulf %get3A_443, %get3A_238 : vector<16xf32>
        %add3A_445 = arith.addf %mul3A_343, %mul3A_444 : vector<16xf32>
        %add3A_446 = arith.constant 6 : i32
        %add3A_447 = arith.addi %mul3A_307, %add3A_446 : i32
        %get3A_448 = arith.index_cast %add3A_447 : i32 to index
        %get3A_449 = arith.constant 16 : index
        %get3A_450 = tpu.vector_load %arg13[%get3A_448, %get3A_449] {strides = array<i32>} : memref<208x128xf32, #tpu.memory_space<vmem>>, vector<16xf32>,
        %mul3A_451 = arith.mulf %get3A_450, %get3A_238 : vector<16xf32>
        %add3A_452 = arith.addf %mul3A_349, %mul3A_451 : vector<16xf32>
        %add3A_453 = arith.constant 7 : i32
        %add3A_454 = arith.addi %mul3A_307, %add3A_453 : i32
        %get3A_455 = arith.index_cast %add3A_454 : i32 to index
        %get3A_456 = arith.constant 16 : index
        %get3A_457 = tpu.vector_load %arg13[%get3A_455, %get3A_456] {strides = array<i32>} : memref<208x128xf32, #tpu.memory_space<vmem>>, vector<16xf32>,
        %mul3A_458 = arith.mulf %get3A_457, %get3A_238 : vector<16xf32>
        %add3A_459 = arith.addf %mul3A_355, %mul3A_458 : vector<16xf32>
        %add3A_460 = arith.constant 8 : i32
        %add3A_461 = arith.addi %mul3A_307, %add3A_460 : i32
        %get3A_462 = arith.index_cast %add3A_461 : i32 to index
        %get3A_463 = arith.constant 16 : index
        %get3A_464 = tpu.vector_load %arg13[%get3A_462, %get3A_463] {strides = array<i32>} : memref<208x128xf32, #tpu.memory_space<vmem>>, vector<16xf32>,
        %mul3A_465 = arith.mulf %get3A_464, %get3A_238 : vector<16xf32>
        %add3A_466 = arith.addf %mul3A_361, %mul3A_465 : vector<16xf32>
        %add3A_467 = arith.constant 9 : i32
        %add3A_468 = arith.addi %mul3A_307, %add3A_467 : i32
        %get3A_469 = arith.index_cast %add3A_468 : i32 to index
        %get3A_470 = arith.constant 16 : index
        %get3A_471 = tpu.vector_load %arg13[%get3A_469, %get3A_470] {strides = array<i32>} : memref<208x128xf32, #tpu.memory_space<vmem>>, vector<16xf32>,
        %mul3A_472 = arith.mulf %get3A_471, %get3A_238 : vector<16xf32>
        %add3A_473 = arith.addf %mul3A_367, %mul3A_472 : vector<16xf32>
        %add3A_474 = arith.constant 10 : i32
        %add3A_475 = arith.addi %mul3A_307, %add3A_474 : i32
        %get3A_476 = arith.index_cast %add3A_475 : i32 to index
        %get3A_477 = arith.constant 16 : index
        %get3A_478 = tpu.vector_load %arg13[%get3A_476, %get3A_477] {strides = array<i32>} : memref<208x128xf32, #tpu.memory_space<vmem>>, vector<16xf32>,
        %mul3A_479 = arith.mulf %get3A_478, %get3A_238 : vector<16xf32>
        %add3A_480 = arith.addf %mul3A_373, %mul3A_479 : vector<16xf32>
        %add3A_481 = arith.constant 11 : i32
        %add3A_482 = arith.addi %mul3A_307, %add3A_481 : i32
        %get3A_483 = arith.index_cast %add3A_482 : i32 to index
        %get3A_484 = arith.constant 16 : index
        %get3A_485 = tpu.vector_load %arg13[%get3A_483, %get3A_484] {strides = array<i32>} : memref<208x128xf32, #tpu.memory_space<vmem>>, vector<16xf32>,
        %mul3A_486 = arith.mulf %get3A_485, %get3A_238 : vector<16xf32>
        %add3A_487 = arith.addf %mul3A_379, %mul3A_486 : vector<16xf32>
        %add3A_488 = arith.constant 12 : i32
        %add3A_489 = arith.addi %mul3A_307, %add3A_488 : i32
        %get3A_490 = arith.index_cast %add3A_489 : i32 to index
        %get3A_491 = arith.constant 16 : index
        %get3A_492 = tpu.vector_load %arg13[%get3A_490, %get3A_491] {strides = array<i32>} : memref<208x128xf32, #tpu.memory_space<vmem>>, vector<16xf32>,
        %mul3A_493 = arith.mulf %get3A_492, %get3A_238 : vector<16xf32>
        %add3A_494 = arith.addf %mul3A_385, %mul3A_493 : vector<16xf32>
        %add3A_495 = arith.constant 13 : i32
        %add3A_496 = arith.addi %mul3A_307, %add3A_495 : i32
        %get3A_497 = arith.index_cast %add3A_496 : i32 to index
        %get3A_498 = arith.constant 16 : index
        %get3A_499 = tpu.vector_load %arg13[%get3A_497, %get3A_498] {strides = array<i32>} : memref<208x128xf32, #tpu.memory_space<vmem>>, vector<16xf32>,
        %mul3A_500 = arith.mulf %get3A_499, %get3A_238 : vector<16xf32>
        %add3A_501 = arith.addf %mul3A_391, %mul3A_500 : vector<16xf32>
        %add3A_502 = arith.constant 14 : i32
        %add3A_503 = arith.addi %mul3A_307, %add3A_502 : i32
        %get3A_504 = arith.index_cast %add3A_503 : i32 to index
        %get3A_505 = arith.constant 16 : index
        %get3A_506 = tpu.vector_load %arg13[%get3A_504, %get3A_505] {strides = array<i32>} : memref<208x128xf32, #tpu.memory_space<vmem>>, vector<16xf32>,
        %mul3A_507 = arith.mulf %get3A_506, %get3A_238 : vector<16xf32>
        %add3A_508 = arith.addf %mul3A_397, %mul3A_507 : vector<16xf32>
        %add3A_509 = arith.constant 15 : i32
        %add3A_510 = arith.addi %mul3A_307, %add3A_509 : i32
        %get3A_511 = arith.index_cast %add3A_510 : i32 to index
        %get3A_512 = arith.constant 16 : index
        %get3A_513 = tpu.vector_load %arg13[%get3A_511, %get3A_512] {strides = array<i32>} : memref<208x128xf32, #tpu.memory_space<vmem>>, vector<16xf32>,
        %mul3A_514 = arith.mulf %get3A_513, %get3A_238 : vector<16xf32>
        %add3A_515 = arith.addf %mul3A_403, %mul3A_514 : vector<16xf32>
        %add3A_516 = arith.constant 0 : i32
        %add3A_517 = arith.addi %mul3A_307, %add3A_516 : i32
        %get3A_518 = arith.index_cast %add3A_517 : i32 to index
        %get3A_519 = arith.constant 32 : index
        %get3A_520 = tpu.vector_load %arg13[%get3A_518, %get3A_519] {strides = array<i32>} : memref<208x128xf32, #tpu.memory_space<vmem>>, vector<16xf32>,
        %mul3A_521 = arith.mulf %get3A_520, %get3A_244 : vector<16xf32>
        %add3A_522 = arith.addf %add3A_410, %mul3A_521 : vector<16xf32>
        %add3A_523 = arith.constant 1 : i32
        %add3A_524 = arith.addi %mul3A_307, %add3A_523 : i32
        %get3A_525 = arith.index_cast %add3A_524 : i32 to index
        %get3A_526 = arith.constant 32 : index
        %get3A_527 = tpu.vector_load %arg13[%get3A_525, %get3A_526] {strides = array<i32>} : memref<208x128xf32, #tpu.memory_space<vmem>>, vector<16xf32>,
        %mul3A_528 = arith.mulf %get3A_527, %get3A_244 : vector<16xf32>
        %add3A_529 = arith.addf %add3A_417, %mul3A_528 : vector<16xf32>
        %add3A_530 = arith.constant 2 : i32
        %add3A_531 = arith.addi %mul3A_307, %add3A_530 : i32
        %get3A_532 = arith.index_cast %add3A_531 : i32 to index
        %get3A_533 = arith.constant 32 : index
        %get3A_534 = tpu.vector_load %arg13[%get3A_532, %get3A_533] {strides = array<i32>} : memref<208x128xf32, #tpu.memory_space<vmem>>, vector<16xf32>,
        %mul3A_535 = arith.mulf %get3A_534, %get3A_244 : vector<16xf32>
        %add3A_536 = arith.addf %add3A_424, %mul3A_535 : vector<16xf32>
        %add3A_537 = arith.constant 3 : i32
        %add3A_538 = arith.addi %mul3A_307, %add3A_537 : i32
        %get3A_539 = arith.index_cast %add3A_538 : i32 to index
        %get3A_540 = arith.constant 32 : index
        %get3A_541 = tpu.vector_load %arg13[%get3A_539, %get3A_540] {strides = array<i32>} : memref<208x128xf32, #tpu.memory_space<vmem>>, vector<16xf32>,
        %mul3A_542 = arith.mulf %get3A_541, %get3A_244 : vector<16xf32>
        %add3A_543 = arith.addf %add3A_431, %mul3A_542 : vector<16xf32>
        %add3A_544 = arith.constant 4 : i32
        %add3A_545 = arith.addi %mul3A_307, %add3A_544 : i32
        %get3A_546 = arith.index_cast %add3A_545 : i32 to index
        %get3A_547 = arith.constant 32 : index
        %get3A_548 = tpu.vector_load %arg13[%get3A_546, %get3A_547] {strides = array<i32>} : memref<208x128xf32, #tpu.memory_space<vmem>>, vector<16xf32>,
        %mul3A_549 = arith.mulf %get3A_548, %get3A_244 : vector<16xf32>
        %add3A_550 = arith.addf %add3A_438, %mul3A_549 : vector<16xf32>
        %add3A_551 = arith.constant 5 : i32
        %add3A_552 = arith.addi %mul3A_307, %add3A_551 : i32
        %get3A_553 = arith.index_cast %add3A_552 : i32 to index
        %get3A_554 = arith.constant 32 : index
        %get3A_555 = tpu.vector_load %arg13[%get3A_553, %get3A_554] {strides = array<i32>} : memref<208x128xf32, #tpu.memory_space<vmem>>, vector<16xf32>,
        %mul3A_556 = arith.mulf %get3A_555, %get3A_244 : vector<16xf32>
        %add3A_557 = arith.addf %add3A_445, %mul3A_556 : vector<16xf32>
        %add3A_558 = arith.constant 6 : i32
        %add3A_559 = arith.addi %mul3A_307, %add3A_558 : i32
        %get3A_560 = arith.index_cast %add3A_559 : i32 to index
        %get3A_561 = arith.constant 32 : index
        %get3A_562 = tpu.vector_load %arg13[%get3A_560, %get3A_561] {strides = array<i32>} : memref<208x128xf32, #tpu.memory_space<vmem>>, vector<16xf32>,
        %mul3A_563 = arith.mulf %get3A_562, %get3A_244 : vector<16xf32>
        %add3A_564 = arith.addf %add3A_452, %mul3A_563 : vector<16xf32>
        %add3A_565 = arith.constant 7 : i32
        %add3A_566 = arith.addi %mul3A_307, %add3A_565 : i32
        %get3A_567 = arith.index_cast %add3A_566 : i32 to index
        %get3A_568 = arith.constant 32 : index
        %get3A_569 = tpu.vector_load %arg13[%get3A_567, %get3A_568] {strides = array<i32>} : memref<208x128xf32, #tpu.memory_space<vmem>>, vector<16xf32>,
        %mul3A_570 = arith.mulf %get3A_569, %get3A_244 : vector<16xf32>
        %add3A_571 = arith.addf %add3A_459, %mul3A_570 : vector<16xf32>
        %add3A_572 = arith.constant 8 : i32
        %add3A_573 = arith.addi %mul3A_307, %add3A_572 : i32
        %get3A_574 = arith.index_cast %add3A_573 : i32 to index
        %get3A_575 = arith.constant 32 : index
        %get3A_576 = tpu.vector_load %arg13[%get3A_574, %get3A_575] {strides = array<i32>} : memref<208x128xf32, #tpu.memory_space<vmem>>, vector<16xf32>,
        %mul3A_577 = arith.mulf %get3A_576, %get3A_244 : vector<16xf32>
        %add3A_578 = arith.addf %add3A_466, %mul3A_577 : vector<16xf32>
        %add3A_579 = arith.constant 9 : i32
        %add3A_580 = arith.addi %mul3A_307, %add3A_579 : i32
        %get3A_581 = arith.index_cast %add3A_580 : i32 to index
        %get3A_582 = arith.constant 32 : index
        %get3A_583 = tpu.vector_load %arg13[%get3A_581, %get3A_582] {strides = array<i32>} : memref<208x128xf32, #tpu.memory_space<vmem>>, vector<16xf32>,
        %mul3A_584 = arith.mulf %get3A_583, %get3A_244 : vector<16xf32>
        %add3A_585 = arith.addf %add3A_473, %mul3A_584 : vector<16xf32>
        %add3A_586 = arith.constant 10 : i32
        %add3A_587 = arith.addi %mul3A_307, %add3A_586 : i32
        %get3A_588 = arith.index_cast %add3A_587 : i32 to index
        %get3A_589 = arith.constant 32 : index
        %get3A_590 = tpu.vector_load %arg13[%get3A_588, %get3A_589] {strides = array<i32>} : memref<208x128xf32, #tpu.memory_space<vmem>>, vector<16xf32>,
        %mul3A_591 = arith.mulf %get3A_590, %get3A_244 : vector<16xf32>
        %add3A_592 = arith.addf %add3A_480, %mul3A_591 : vector<16xf32>
        %add3A_593 = arith.constant 11 : i32
        %add3A_594 = arith.addi %mul3A_307, %add3A_593 : i32
        %get3A_595 = arith.index_cast %add3A_594 : i32 to index
        %get3A_596 = arith.constant 32 : index
        %get3A_597 = tpu.vector_load %arg13[%get3A_595, %get3A_596] {strides = array<i32>} : memref<208x128xf32, #tpu.memory_space<vmem>>, vector<16xf32>,
        %mul3A_598 = arith.mulf %get3A_597, %get3A_244 : vector<16xf32>
        %add3A_599 = arith.addf %add3A_487, %mul3A_598 : vector<16xf32>
        %add3A_600 = arith.constant 12 : i32
        %add3A_601 = arith.addi %mul3A_307, %add3A_600 : i32
        %get3A_602 = arith.index_cast %add3A_601 : i32 to index
        %get3A_603 = arith.constant 32 : index
        %get3A_604 = tpu.vector_load %arg13[%get3A_602, %get3A_603] {strides = array<i32>} : memref<208x128xf32, #tpu.memory_space<vmem>>, vector<16xf32>,
        %mul3A_605 = arith.mulf %get3A_604, %get3A_244 : vector<16xf32>
        %add3A_606 = arith.addf %add3A_494, %mul3A_605 : vector<16xf32>
        %add3A_607 = arith.constant 13 : i32
        %add3A_608 = arith.addi %mul3A_307, %add3A_607 : i32
        %get3A_609 = arith.index_cast %add3A_608 : i32 to index
        %get3A_610 = arith.constant 32 : index
        %get3A_611 = tpu.vector_load %arg13[%get3A_609, %get3A_610] {strides = array<i32>} : memref<208x128xf32, #tpu.memory_space<vmem>>, vector<16xf32>,
        %mul3A_612 = arith.mulf %get3A_611, %get3A_244 : vector<16xf32>
        %add3A_613 = arith.addf %add3A_501, %mul3A_612 : vector<16xf32>
        %add3A_614 = arith.constant 14 : i32
        %add3A_615 = arith.addi %mul3A_307, %add3A_614 : i32
        %get3A_616 = arith.index_cast %add3A_615 : i32 to index
        %get3A_617 = arith.constant 32 : index
        %get3A_618 = tpu.vector_load %arg13[%get3A_616, %get3A_617] {strides = array<i32>} : memref<208x128xf32, #tpu.memory_space<vmem>>, vector<16xf32>,
        %mul3A_619 = arith.mulf %get3A_618, %get3A_244 : vector<16xf32>
        %add3A_620 = arith.addf %add3A_508, %mul3A_619 : vector<16xf32>
        %add3A_621 = arith.constant 15 : i32
        %add3A_622 = arith.addi %mul3A_307, %add3A_621 : i32
        %get3A_623 = arith.index_cast %add3A_622 : i32 to index
        %get3A_624 = arith.constant 32 : index
        %get3A_625 = tpu.vector_load %arg13[%get3A_623, %get3A_624] {strides = array<i32>} : memref<208x128xf32, #tpu.memory_space<vmem>>, vector<16xf32>,
        %mul3A_626 = arith.mulf %get3A_625, %get3A_244 : vector<16xf32>
        %add3A_627 = arith.addf %add3A_515, %mul3A_626 : vector<16xf32>
        %add3A_628 = arith.constant 0 : i32
        %add3A_629 = arith.addi %mul3A_307, %add3A_628 : i32
        %get3A_630 = arith.index_cast %add3A_629 : i32 to index
        %get3A_631 = arith.constant 48 : index
        %get3A_632 = tpu.vector_load %arg13[%get3A_630, %get3A_631] {strides = array<i32>} : memref<208x128xf32, #tpu.memory_space<vmem>>, vector<16xf32>,
        %mul3A_633 = arith.mulf %get3A_632, %get3A_250 : vector<16xf32>
        %add3A_634 = arith.addf %add3A_522, %mul3A_633 : vector<16xf32>
        %add3A_635 = arith.constant 1 : i32
        %add3A_636 = arith.addi %mul3A_307, %add3A_635 : i32
        %get3A_637 = arith.index_cast %add3A_636 : i32 to index
        %get3A_638 = arith.constant 48 : index
        %get3A_639 = tpu.vector_load %arg13[%get3A_637, %get3A_638] {strides = array<i32>} : memref<208x128xf32, #tpu.memory_space<vmem>>, vector<16xf32>,
        %mul3A_640 = arith.mulf %get3A_639, %get3A_250 : vector<16xf32>
        %add3A_641 = arith.addf %add3A_529, %mul3A_640 : vector<16xf32>
        %add3A_642 = arith.constant 2 : i32
        %add3A_643 = arith.addi %mul3A_307, %add3A_642 : i32
        %get3A_644 = arith.index_cast %add3A_643 : i32 to index
        %get3A_645 = arith.constant 48 : index
        %get3A_646 = tpu.vector_load %arg13[%get3A_644, %get3A_645] {strides = array<i32>} : memref<208x128xf32, #tpu.memory_space<vmem>>, vector<16xf32>,
        %mul3A_647 = arith.mulf %get3A_646, %get3A_250 : vector<16xf32>
        %add3A_648 = arith.addf %add3A_536, %mul3A_647 : vector<16xf32>
        %add3A_649 = arith.constant 3 : i32
        %add3A_650 = arith.addi %mul3A_307, %add3A_649 : i32
        %get3A_651 = arith.index_cast %add3A_650 : i32 to index
        %get3A_652 = arith.constant 48 : index
        %get3A_653 = tpu.vector_load %arg13[%get3A_651, %get3A_652] {strides = array<i32>} : memref<208x128xf32, #tpu.memory_space<vmem>>, vector<16xf32>,
        %mul3A_654 = arith.mulf %get3A_653, %get3A_250 : vector<16xf32>
        %add3A_655 = arith.addf %add3A_543, %mul3A_654 : vector<16xf32>
        %add3A_656 = arith.constant 4 : i32
        %add3A_657 = arith.addi %mul3A_307, %add3A_656 : i32
        %get3A_658 = arith.index_cast %add3A_657 : i32 to index
        %get3A_659 = arith.constant 48 : index
        %get3A_660 = tpu.vector_load %arg13[%get3A_658, %get3A_659] {strides = array<i32>} : memref<208x128xf32, #tpu.memory_space<vmem>>, vector<16xf32>,
        %mul3A_661 = arith.mulf %get3A_660, %get3A_250 : vector<16xf32>
        %add3A_662 = arith.addf %add3A_550, %mul3A_661 : vector<16xf32>
        %add3A_663 = arith.constant 5 : i32
        %add3A_664 = arith.addi %mul3A_307, %add3A_663 : i32
        %get3A_665 = arith.index_cast %add3A_664 : i32 to index
        %get3A_666 = arith.constant 48 : index
        %get3A_667 = tpu.vector_load %arg13[%get3A_665, %get3A_666] {strides = array<i32>} : memref<208x128xf32, #tpu.memory_space<vmem>>, vector<16xf32>,
        %mul3A_668 = arith.mulf %get3A_667, %get3A_250 : vector<16xf32>
        %add3A_669 = arith.addf %add3A_557, %mul3A_668 : vector<16xf32>
        %add3A_670 = arith.constant 6 : i32
        %add3A_671 = arith.addi %mul3A_307, %add3A_670 : i32
        %get3A_672 = arith.index_cast %add3A_671 : i32 to index
        %get3A_673 = arith.constant 48 : index
        %get3A_674 = tpu.vector_load %arg13[%get3A_672, %get3A_673] {strides = array<i32>} : memref<208x128xf32, #tpu.memory_space<vmem>>, vector<16xf32>,
        %mul3A_675 = arith.mulf %get3A_674, %get3A_250 : vector<16xf32>
        %add3A_676 = arith.addf %add3A_564, %mul3A_675 : vector<16xf32>
        %add3A_677 = arith.constant 7 : i32
        %add3A_678 = arith.addi %mul3A_307, %add3A_677 : i32
        %get3A_679 = arith.index_cast %add3A_678 : i32 to index
        %get3A_680 = arith.constant 48 : index
        %get3A_681 = tpu.vector_load %arg13[%get3A_679, %get3A_680] {strides = array<i32>} : memref<208x128xf32, #tpu.memory_space<vmem>>, vector<16xf32>,
        %mul3A_682 = arith.mulf %get3A_681, %get3A_250 : vector<16xf32>
        %add3A_683 = arith.addf %add3A_571, %mul3A_682 : vector<16xf32>
        %add3A_684 = arith.constant 8 : i32
        %add3A_685 = arith.addi %mul3A_307, %add3A_684 : i32
        %get3A_686 = arith.index_cast %add3A_685 : i32 to index
        %get3A_687 = arith.constant 48 : index
        %get3A_688 = tpu.vector_load %arg13[%get3A_686, %get3A_687] {strides = array<i32>} : memref<208x128xf32, #tpu.memory_space<vmem>>, vector<16xf32>,
        %mul3A_689 = arith.mulf %get3A_688, %get3A_250 : vector<16xf32>
        %add3A_690 = arith.addf %add3A_578, %mul3A_689 : vector<16xf32>
        %add3A_691 = arith.constant 9 : i32
        %add3A_692 = arith.addi %mul3A_307, %add3A_691 : i32
        %get3A_693 = arith.index_cast %add3A_692 : i32 to index
        %get3A_694 = arith.constant 48 : index
        %get3A_695 = tpu.vector_load %arg13[%get3A_693, %get3A_694] {strides = array<i32>} : memref<208x128xf32, #tpu.memory_space<vmem>>, vector<16xf32>,
        %mul3A_696 = arith.mulf %get3A_695, %get3A_250 : vector<16xf32>
        %add3A_697 = arith.addf %add3A_585, %mul3A_696 : vector<16xf32>
        %add3A_698 = arith.constant 10 : i32
        %add3A_699 = arith.addi %mul3A_307, %add3A_698 : i32
        %get3A_700 = arith.index_cast %add3A_699 : i32 to index
        %get3A_701 = arith.constant 48 : index
        %get3A_702 = tpu.vector_load %arg13[%get3A_700, %get3A_701] {strides = array<i32>} : memref<208x128xf32, #tpu.memory_space<vmem>>, vector<16xf32>,
        %mul3A_703 = arith.mulf %get3A_702, %get3A_250 : vector<16xf32>
        %add3A_704 = arith.addf %add3A_592, %mul3A_703 : vector<16xf32>
        %add3A_705 = arith.constant 11 : i32
        %add3A_706 = arith.addi %mul3A_307, %add3A_705 : i32
        %get3A_707 = arith.index_cast %add3A_706 : i32 to index
        %get3A_708 = arith.constant 48 : index
        %get3A_709 = tpu.vector_load %arg13[%get3A_707, %get3A_708] {strides = array<i32>} : memref<208x128xf32, #tpu.memory_space<vmem>>, vector<16xf32>,
        %mul3A_710 = arith.mulf %get3A_709, %get3A_250 : vector<16xf32>
        %add3A_711 = arith.addf %add3A_599, %mul3A_710 : vector<16xf32>
        %add3A_712 = arith.constant 12 : i32
        %add3A_713 = arith.addi %mul3A_307, %add3A_712 : i32
        %get3A_714 = arith.index_cast %add3A_713 : i32 to index
        %get3A_715 = arith.constant 48 : index
        %get3A_716 = tpu.vector_load %arg13[%get3A_714, %get3A_715] {strides = array<i32>} : memref<208x128xf32, #tpu.memory_space<vmem>>, vector<16xf32>,
        %mul3A_717 = arith.mulf %get3A_716, %get3A_250 : vector<16xf32>
        %add3A_718 = arith.addf %add3A_606, %mul3A_717 : vector<16xf32>
        %add3A_719 = arith.constant 13 : i32
        %add3A_720 = arith.addi %mul3A_307, %add3A_719 : i32
        %get3A_721 = arith.index_cast %add3A_720 : i32 to index
        %get3A_722 = arith.constant 48 : index
        %get3A_723 = tpu.vector_load %arg13[%get3A_721, %get3A_722] {strides = array<i32>} : memref<208x128xf32, #tpu.memory_space<vmem>>, vector<16xf32>,
        %mul3A_724 = arith.mulf %get3A_723, %get3A_250 : vector<16xf32>
        %add3A_725 = arith.addf %add3A_613, %mul3A_724 : vector<16xf32>
        %add3A_726 = arith.constant 14 : i32
        %add3A_727 = arith.addi %mul3A_307, %add3A_726 : i32
        %get3A_728 = arith.index_cast %add3A_727 : i32 to index
        %get3A_729 = arith.constant 48 : index
        %get3A_730 = tpu.vector_load %arg13[%get3A_728, %get3A_729] {strides = array<i32>} : memref<208x128xf32, #tpu.memory_space<vmem>>, vector<16xf32>,
        %mul3A_731 = arith.mulf %get3A_730, %get3A_250 : vector<16xf32>
        %add3A_732 = arith.addf %add3A_620, %mul3A_731 : vector<16xf32>
        %add3A_733 = arith.constant 15 : i32
        %add3A_734 = arith.addi %mul3A_307, %add3A_733 : i32
        %get3A_735 = arith.index_cast %add3A_734 : i32 to index
        %get3A_736 = arith.constant 48 : index
        %get3A_737 = tpu.vector_load %arg13[%get3A_735, %get3A_736] {strides = array<i32>} : memref<208x128xf32, #tpu.memory_space<vmem>>, vector<16xf32>,
        %mul3A_738 = arith.mulf %get3A_737, %get3A_250 : vector<16xf32>
        %add3A_739 = arith.addf %add3A_627, %mul3A_738 : vector<16xf32>
        %add3A_740 = arith.constant 0 : i32
        %add3A_741 = arith.addi %mul3A_307, %add3A_740 : i32
        %get3A_742 = arith.index_cast %add3A_741 : i32 to index
        %get3A_743 = arith.constant 64 : index
        %get3A_744 = tpu.vector_load %arg13[%get3A_742, %get3A_743] {strides = array<i32>} : memref<208x128xf32, #tpu.memory_space<vmem>>, vector<16xf32>,
        %mul3A_745 = arith.mulf %get3A_744, %get3A_256 : vector<16xf32>
        %add3A_746 = arith.addf %add3A_634, %mul3A_745 : vector<16xf32>
        %add3A_747 = arith.constant 1 : i32
        %add3A_748 = arith.addi %mul3A_307, %add3A_747 : i32
        %get3A_749 = arith.index_cast %add3A_748 : i32 to index
        %get3A_750 = arith.constant 64 : index
        %get3A_751 = tpu.vector_load %arg13[%get3A_749, %get3A_750] {strides = array<i32>} : memref<208x128xf32, #tpu.memory_space<vmem>>, vector<16xf32>,
        %mul3A_752 = arith.mulf %get3A_751, %get3A_256 : vector<16xf32>
        %add3A_753 = arith.addf %add3A_641, %mul3A_752 : vector<16xf32>
        %add3A_754 = arith.constant 2 : i32
        %add3A_755 = arith.addi %mul3A_307, %add3A_754 : i32
        %get3A_756 = arith.index_cast %add3A_755 : i32 to index
        %get3A_757 = arith.constant 64 : index
        %get3A_758 = tpu.vector_load %arg13[%get3A_756, %get3A_757] {strides = array<i32>} : memref<208x128xf32, #tpu.memory_space<vmem>>, vector<16xf32>,
        %mul3A_759 = arith.mulf %get3A_758, %get3A_256 : vector<16xf32>
        %add3A_760 = arith.addf %add3A_648, %mul3A_759 : vector<16xf32>
        %add3A_761 = arith.constant 3 : i32
        %add3A_762 = arith.addi %mul3A_307, %add3A_761 : i32
        %get3A_763 = arith.index_cast %add3A_762 : i32 to index
        %get3A_764 = arith.constant 64 : index
        %get3A_765 = tpu.vector_load %arg13[%get3A_763, %get3A_764] {strides = array<i32>} : memref<208x128xf32, #tpu.memory_space<vmem>>, vector<16xf32>,
        %mul3A_766 = arith.mulf %get3A_765, %get3A_256 : vector<16xf32>
        %add3A_767 = arith.addf %add3A_655, %mul3A_766 : vector<16xf32>
        %add3A_768 = arith.constant 4 : i32
        %add3A_769 = arith.addi %mul3A_307, %add3A_768 : i32
        %get3A_770 = arith.index_cast %add3A_769 : i32 to index
        %get3A_771 = arith.constant 64 : index
        %get3A_772 = tpu.vector_load %arg13[%get3A_770, %get3A_771] {strides = array<i32>} : memref<208x128xf32, #tpu.memory_space<vmem>>, vector<16xf32>,
        %mul3A_773 = arith.mulf %get3A_772, %get3A_256 : vector<16xf32>
        %add3A_774 = arith.addf %add3A_662, %mul3A_773 : vector<16xf32>
        %add3A_775 = arith.constant 5 : i32
        %add3A_776 = arith.addi %mul3A_307, %add3A_775 : i32
        %get3A_777 = arith.index_cast %add3A_776 : i32 to index
        %get3A_778 = arith.constant 64 : index
        %get3A_779 = tpu.vector_load %arg13[%get3A_777, %get3A_778] {strides = array<i32>} : memref<208x128xf32, #tpu.memory_space<vmem>>, vector<16xf32>,
        %mul3A_780 = arith.mulf %get3A_779, %get3A_256 : vector<16xf32>
        %add3A_781 = arith.addf %add3A_669, %mul3A_780 : vector<16xf32>
        %add3A_782 = arith.constant 6 : i32
        %add3A_783 = arith.addi %mul3A_307, %add3A_782 : i32
        %get3A_784 = arith.index_cast %add3A_783 : i32 to index
        %get3A_785 = arith.constant 64 : index
        %get3A_786 = tpu.vector_load %arg13[%get3A_784, %get3A_785] {strides = array<i32>} : memref<208x128xf32, #tpu.memory_space<vmem>>, vector<16xf32>,
        %mul3A_787 = arith.mulf %get3A_786, %get3A_256 : vector<16xf32>
        %add3A_788 = arith.addf %add3A_676, %mul3A_787 : vector<16xf32>
        %add3A_789 = arith.constant 7 : i32
        %add3A_790 = arith.addi %mul3A_307, %add3A_789 : i32
        %get3A_791 = arith.index_cast %add3A_790 : i32 to index
        %get3A_792 = arith.constant 64 : index
        %get3A_793 = tpu.vector_load %arg13[%get3A_791, %get3A_792] {strides = array<i32>} : memref<208x128xf32, #tpu.memory_space<vmem>>, vector<16xf32>,
        %mul3A_794 = arith.mulf %get3A_793, %get3A_256 : vector<16xf32>
        %add3A_795 = arith.addf %add3A_683, %mul3A_794 : vector<16xf32>
        %add3A_796 = arith.constant 8 : i32
        %add3A_797 = arith.addi %mul3A_307, %add3A_796 : i32
        %get3A_798 = arith.index_cast %add3A_797 : i32 to index
        %get3A_799 = arith.constant 64 : index
        %get3A_800 = tpu.vector_load %arg13[%get3A_798, %get3A_799] {strides = array<i32>} : memref<208x128xf32, #tpu.memory_space<vmem>>, vector<16xf32>,
        %mul3A_801 = arith.mulf %get3A_800, %get3A_256 : vector<16xf32>
        %add3A_802 = arith.addf %add3A_690, %mul3A_801 : vector<16xf32>
        %add3A_803 = arith.constant 9 : i32
        %add3A_804 = arith.addi %mul3A_307, %add3A_803 : i32
        %get3A_805 = arith.index_cast %add3A_804 : i32 to index
        %get3A_806 = arith.constant 64 : index
        %get3A_807 = tpu.vector_load %arg13[%get3A_805, %get3A_806] {strides = array<i32>} : memref<208x128xf32, #tpu.memory_space<vmem>>, vector<16xf32>,
        %mul3A_808 = arith.mulf %get3A_807, %get3A_256 : vector<16xf32>
        %add3A_809 = arith.addf %add3A_697, %mul3A_808 : vector<16xf32>
        %add3A_810 = arith.constant 10 : i32
        %add3A_811 = arith.addi %mul3A_307, %add3A_810 : i32
        %get3A_812 = arith.index_cast %add3A_811 : i32 to index
        %get3A_813 = arith.constant 64 : index
        %get3A_814 = tpu.vector_load %arg13[%get3A_812, %get3A_813] {strides = array<i32>} : memref<208x128xf32, #tpu.memory_space<vmem>>, vector<16xf32>,
        %mul3A_815 = arith.mulf %get3A_814, %get3A_256 : vector<16xf32>
        %add3A_816 = arith.addf %add3A_704, %mul3A_815 : vector<16xf32>
        %add3A_817 = arith.constant 11 : i32
        %add3A_818 = arith.addi %mul3A_307, %add3A_817 : i32
        %get3A_819 = arith.index_cast %add3A_818 : i32 to index
        %get3A_820 = arith.constant 64 : index
        %get3A_821 = tpu.vector_load %arg13[%get3A_819, %get3A_820] {strides = array<i32>} : memref<208x128xf32, #tpu.memory_space<vmem>>, vector<16xf32>,
        %mul3A_822 = arith.mulf %get3A_821, %get3A_256 : vector<16xf32>
        %add3A_823 = arith.addf %add3A_711, %mul3A_822 : vector<16xf32>
        %add3A_824 = arith.constant 12 : i32
        %add3A_825 = arith.addi %mul3A_307, %add3A_824 : i32
        %get3A_826 = arith.index_cast %add3A_825 : i32 to index
        %get3A_827 = arith.constant 64 : index
        %get3A_828 = tpu.vector_load %arg13[%get3A_826, %get3A_827] {strides = array<i32>} : memref<208x128xf32, #tpu.memory_space<vmem>>, vector<16xf32>,
        %mul3A_829 = arith.mulf %get3A_828, %get3A_256 : vector<16xf32>
        %add3A_830 = arith.addf %add3A_718, %mul3A_829 : vector<16xf32>
        %add3A_831 = arith.constant 13 : i32
        %add3A_832 = arith.addi %mul3A_307, %add3A_831 : i32
        %get3A_833 = arith.index_cast %add3A_832 : i32 to index
        %get3A_834 = arith.constant 64 : index
        %get3A_835 = tpu.vector_load %arg13[%get3A_833, %get3A_834] {strides = array<i32>} : memref<208x128xf32, #tpu.memory_space<vmem>>, vector<16xf32>,
        %mul3A_836 = arith.mulf %get3A_835, %get3A_256 : vector<16xf32>
        %add3A_837 = arith.addf %add3A_725, %mul3A_836 : vector<16xf32>
        %add3A_838 = arith.constant 14 : i32
        %add3A_839 = arith.addi %mul3A_307, %add3A_838 : i32
        %get3A_840 = arith.index_cast %add3A_839 : i32 to index
        %get3A_841 = arith.constant 64 : index
        %get3A_842 = tpu.vector_load %arg13[%get3A_840, %get3A_841] {strides = array<i32>} : memref<208x128xf32, #tpu.memory_space<vmem>>, vector<16xf32>,
        %mul3A_843 = arith.mulf %get3A_842, %get3A_256 : vector<16xf32>
        %add3A_844 = arith.addf %add3A_732, %mul3A_843 : vector<16xf32>
        %add3A_845 = arith.constant 15 : i32
        %add3A_846 = arith.addi %mul3A_307, %add3A_845 : i32
        %get3A_847 = arith.index_cast %add3A_846 : i32 to index
        %get3A_848 = arith.constant 64 : index
        %get3A_849 = tpu.vector_load %arg13[%get3A_847, %get3A_848] {strides = array<i32>} : memref<208x128xf32, #tpu.memory_space<vmem>>, vector<16xf32>,
        %mul3A_850 = arith.mulf %get3A_849, %get3A_256 : vector<16xf32>
        %add3A_851 = arith.addf %add3A_739, %mul3A_850 : vector<16xf32>
        %add3A_852 = arith.constant 0 : i32
        %add3A_853 = arith.addi %mul3A_307, %add3A_852 : i32
        %get3A_854 = arith.index_cast %add3A_853 : i32 to index
        %get3A_855 = arith.constant 80 : index
        %get3A_856 = tpu.vector_load %arg13[%get3A_854, %get3A_855] {strides = array<i32>} : memref<208x128xf32, #tpu.memory_space<vmem>>, vector<16xf32>,
        %mul3A_857 = arith.mulf %get3A_856, %get3A_262 : vector<16xf32>
        %add3A_858 = arith.addf %add3A_746, %mul3A_857 : vector<16xf32>
        %add3A_859 = arith.constant 1 : i32
        %add3A_860 = arith.addi %mul3A_307, %add3A_859 : i32
        %get3A_861 = arith.index_cast %add3A_860 : i32 to index
        %get3A_862 = arith.constant 80 : index
        %get3A_863 = tpu.vector_load %arg13[%get3A_861, %get3A_862] {strides = array<i32>} : memref<208x128xf32, #tpu.memory_space<vmem>>, vector<16xf32>,
        %mul3A_864 = arith.mulf %get3A_863, %get3A_262 : vector<16xf32>
        %add3A_865 = arith.addf %add3A_753, %mul3A_864 : vector<16xf32>
        %add3A_866 = arith.constant 2 : i32
        %add3A_867 = arith.addi %mul3A_307, %add3A_866 : i32
        %get3A_868 = arith.index_cast %add3A_867 : i32 to index
        %get3A_869 = arith.constant 80 : index
        %get3A_870 = tpu.vector_load %arg13[%get3A_868, %get3A_869] {strides = array<i32>} : memref<208x128xf32, #tpu.memory_space<vmem>>, vector<16xf32>,
        %mul3A_871 = arith.mulf %get3A_870, %get3A_262 : vector<16xf32>
        %add3A_872 = arith.addf %add3A_760, %mul3A_871 : vector<16xf32>
        %add3A_873 = arith.constant 3 : i32
        %add3A_874 = arith.addi %mul3A_307, %add3A_873 : i32
        %get3A_875 = arith.index_cast %add3A_874 : i32 to index
        %get3A_876 = arith.constant 80 : index
        %get3A_877 = tpu.vector_load %arg13[%get3A_875, %get3A_876] {strides = array<i32>} : memref<208x128xf32, #tpu.memory_space<vmem>>, vector<16xf32>,
        %mul3A_878 = arith.mulf %get3A_877, %get3A_262 : vector<16xf32>
        %add3A_879 = arith.addf %add3A_767, %mul3A_878 : vector<16xf32>
        %add3A_880 = arith.constant 4 : i32
        %add3A_881 = arith.addi %mul3A_307, %add3A_880 : i32
        %get3A_882 = arith.index_cast %add3A_881 : i32 to index
        %get3A_883 = arith.constant 80 : index
        %get3A_884 = tpu.vector_load %arg13[%get3A_882, %get3A_883] {strides = array<i32>} : memref<208x128xf32, #tpu.memory_space<vmem>>, vector<16xf32>,
        %mul3A_885 = arith.mulf %get3A_884, %get3A_262 : vector<16xf32>
        %add3A_886 = arith.addf %add3A_774, %mul3A_885 : vector<16xf32>
        %add3A_887 = arith.constant 5 : i32
        %add3A_888 = arith.addi %mul3A_307, %add3A_887 : i32
        %get3A_889 = arith.index_cast %add3A_888 : i32 to index
        %get3A_890 = arith.constant 80 : index
        %get3A_891 = tpu.vector_load %arg13[%get3A_889, %get3A_890] {strides = array<i32>} : memref<208x128xf32, #tpu.memory_space<vmem>>, vector<16xf32>,
        %mul3A_892 = arith.mulf %get3A_891, %get3A_262 : vector<16xf32>
        %add3A_893 = arith.addf %add3A_781, %mul3A_892 : vector<16xf32>
        %add3A_894 = arith.constant 6 : i32
        %add3A_895 = arith.addi %mul3A_307, %add3A_894 : i32
        %get3A_896 = arith.index_cast %add3A_895 : i32 to index
        %get3A_897 = arith.constant 80 : index
        %get3A_898 = tpu.vector_load %arg13[%get3A_896, %get3A_897] {strides = array<i32>} : memref<208x128xf32, #tpu.memory_space<vmem>>, vector<16xf32>,
        %mul3A_899 = arith.mulf %get3A_898, %get3A_262 : vector<16xf32>
        %add3A_900 = arith.addf %add3A_788, %mul3A_899 : vector<16xf32>
        %add3A_901 = arith.constant 7 : i32
        %add3A_902 = arith.addi %mul3A_307, %add3A_901 : i32
        %get3A_903 = arith.index_cast %add3A_902 : i32 to index
        %get3A_904 = arith.constant 80 : index
        %get3A_905 = tpu.vector_load %arg13[%get3A_903, %get3A_904] {strides = array<i32>} : memref<208x128xf32, #tpu.memory_space<vmem>>, vector<16xf32>,
        %mul3A_906 = arith.mulf %get3A_905, %get3A_262 : vector<16xf32>
        %add3A_907 = arith.addf %add3A_795, %mul3A_906 : vector<16xf32>
        %add3A_908 = arith.constant 8 : i32
        %add3A_909 = arith.addi %mul3A_307, %add3A_908 : i32
        %get3A_910 = arith.index_cast %add3A_909 : i32 to index
        %get3A_911 = arith.constant 80 : index
        %get3A_912 = tpu.vector_load %arg13[%get3A_910, %get3A_911] {strides = array<i32>} : memref<208x128xf32, #tpu.memory_space<vmem>>, vector<16xf32>,
        %mul3A_913 = arith.mulf %get3A_912, %get3A_262 : vector<16xf32>
        %add3A_914 = arith.addf %add3A_802, %mul3A_913 : vector<16xf32>
        %add3A_915 = arith.constant 9 : i32
        %add3A_916 = arith.addi %mul3A_307, %add3A_915 : i32
        %get3A_917 = arith.index_cast %add3A_916 : i32 to index
        %get3A_918 = arith.constant 80 : index
        %get3A_919 = tpu.vector_load %arg13[%get3A_917, %get3A_918] {strides = array<i32>} : memref<208x128xf32, #tpu.memory_space<vmem>>, vector<16xf32>,
        %mul3A_920 = arith.mulf %get3A_919, %get3A_262 : vector<16xf32>
        %add3A_921 = arith.addf %add3A_809, %mul3A_920 : vector<16xf32>
        %add3A_922 = arith.constant 10 : i32
        %add3A_923 = arith.addi %mul3A_307, %add3A_922 : i32
        %get3A_924 = arith.index_cast %add3A_923 : i32 to index
        %get3A_925 = arith.constant 80 : index
        %get3A_926 = tpu.vector_load %arg13[%get3A_924, %get3A_925] {strides = array<i32>} : memref<208x128xf32, #tpu.memory_space<vmem>>, vector<16xf32>,
        %mul3A_927 = arith.mulf %get3A_926, %get3A_262 : vector<16xf32>
        %add3A_928 = arith.addf %add3A_816, %mul3A_927 : vector<16xf32>
        %add3A_929 = arith.constant 11 : i32
        %add3A_930 = arith.addi %mul3A_307, %add3A_929 : i32
        %get3A_931 = arith.index_cast %add3A_930 : i32 to index
        %get3A_932 = arith.constant 80 : index
        %get3A_933 = tpu.vector_load %arg13[%get3A_931, %get3A_932] {strides = array<i32>} : memref<208x128xf32, #tpu.memory_space<vmem>>, vector<16xf32>,
        %mul3A_934 = arith.mulf %get3A_933, %get3A_262 : vector<16xf32>
        %add3A_935 = arith.addf %add3A_823, %mul3A_934 : vector<16xf32>
        %add3A_936 = arith.constant 12 : i32
        %add3A_937 = arith.addi %mul3A_307, %add3A_936 : i32
        %get3A_938 = arith.index_cast %add3A_937 : i32 to index
        %get3A_939 = arith.constant 80 : index
        %get3A_940 = tpu.vector_load %arg13[%get3A_938, %get3A_939] {strides = array<i32>} : memref<208x128xf32, #tpu.memory_space<vmem>>, vector<16xf32>,
        %mul3A_941 = arith.mulf %get3A_940, %get3A_262 : vector<16xf32>
        %add3A_942 = arith.addf %add3A_830, %mul3A_941 : vector<16xf32>
        %add3A_943 = arith.constant 13 : i32
        %add3A_944 = arith.addi %mul3A_307, %add3A_943 : i32
        %get3A_945 = arith.index_cast %add3A_944 : i32 to index
        %get3A_946 = arith.constant 80 : index
        %get3A_947 = tpu.vector_load %arg13[%get3A_945, %get3A_946] {strides = array<i32>} : memref<208x128xf32, #tpu.memory_space<vmem>>, vector<16xf32>,
        %mul3A_948 = arith.mulf %get3A_947, %get3A_262 : vector<16xf32>
        %add3A_949 = arith.addf %add3A_837, %mul3A_948 : vector<16xf32>
        %add3A_950 = arith.constant 14 : i32
        %add3A_951 = arith.addi %mul3A_307, %add3A_950 : i32
        %get3A_952 = arith.index_cast %add3A_951 : i32 to index
        %get3A_953 = arith.constant 80 : index
        %get3A_954 = tpu.vector_load %arg13[%get3A_952, %get3A_953] {strides = array<i32>} : memref<208x128xf32, #tpu.memory_space<vmem>>, vector<16xf32>,
        %mul3A_955 = arith.mulf %get3A_954, %get3A_262 : vector<16xf32>
        %add3A_956 = arith.addf %add3A_844, %mul3A_955 : vector<16xf32>
        %add3A_957 = arith.constant 15 : i32
        %add3A_958 = arith.addi %mul3A_307, %add3A_957 : i32
        %get3A_959 = arith.index_cast %add3A_958 : i32 to index
        %get3A_960 = arith.constant 80 : index
        %get3A_961 = tpu.vector_load %arg13[%get3A_959, %get3A_960] {strides = array<i32>} : memref<208x128xf32, #tpu.memory_space<vmem>>, vector<16xf32>,
        %mul3A_962 = arith.mulf %get3A_961, %get3A_262 : vector<16xf32>
        %add3A_963 = arith.addf %add3A_851, %mul3A_962 : vector<16xf32>
        %add3A_964 = arith.constant 0 : i32
        %add3A_965 = arith.addi %mul3A_307, %add3A_964 : i32
        %get3A_966 = arith.index_cast %add3A_965 : i32 to index
        %get3A_967 = arith.constant 96 : index
        %get3A_968 = tpu.vector_load %arg13[%get3A_966, %get3A_967] {strides = array<i32>} : memref<208x128xf32, #tpu.memory_space<vmem>>, vector<16xf32>,
        %mul3A_969 = arith.mulf %get3A_968, %get3A_268 : vector<16xf32>
        %add3A_970 = arith.addf %add3A_858, %mul3A_969 : vector<16xf32>
        %add3A_971 = arith.constant 1 : i32
        %add3A_972 = arith.addi %mul3A_307, %add3A_971 : i32
        %get3A_973 = arith.index_cast %add3A_972 : i32 to index
        %get3A_974 = arith.constant 96 : index
        %get3A_975 = tpu.vector_load %arg13[%get3A_973, %get3A_974] {strides = array<i32>} : memref<208x128xf32, #tpu.memory_space<vmem>>, vector<16xf32>,
        %mul3A_976 = arith.mulf %get3A_975, %get3A_268 : vector<16xf32>
        %add3A_977 = arith.addf %add3A_865, %mul3A_976 : vector<16xf32>
        %add3A_978 = arith.constant 2 : i32
        %add3A_979 = arith.addi %mul3A_307, %add3A_978 : i32
        %get3A_980 = arith.index_cast %add3A_979 : i32 to index
        %get3A_981 = arith.constant 96 : index
        %get3A_982 = tpu.vector_load %arg13[%get3A_980, %get3A_981] {strides = array<i32>} : memref<208x128xf32, #tpu.memory_space<vmem>>, vector<16xf32>,
        %mul3A_983 = arith.mulf %get3A_982, %get3A_268 : vector<16xf32>
        %add3A_984 = arith.addf %add3A_872, %mul3A_983 : vector<16xf32>
        %add3A_985 = arith.constant 3 : i32
        %add3A_986 = arith.addi %mul3A_307, %add3A_985 : i32
        %get3A_987 = arith.index_cast %add3A_986 : i32 to index
        %get3A_988 = arith.constant 96 : index
        %get3A_989 = tpu.vector_load %arg13[%get3A_987, %get3A_988] {strides = array<i32>} : memref<208x128xf32, #tpu.memory_space<vmem>>, vector<16xf32>,
        %mul3A_990 = arith.mulf %get3A_989, %get3A_268 : vector<16xf32>
        %add3A_991 = arith.addf %add3A_879, %mul3A_990 : vector<16xf32>
        %add3A_992 = arith.constant 4 : i32
        %add3A_993 = arith.addi %mul3A_307, %add3A_992 : i32
        %get3A_994 = arith.index_cast %add3A_993 : i32 to index
        %get3A_995 = arith.constant 96 : index
        %get3A_996 = tpu.vector_load %arg13[%get3A_994, %get3A_995] {strides = array<i32>} : memref<208x128xf32, #tpu.memory_space<vmem>>, vector<16xf32>,
        %mul3A_997 = arith.mulf %get3A_996, %get3A_268 : vector<16xf32>
        %add3A_998 = arith.addf %add3A_886, %mul3A_997 : vector<16xf32>
        %add3A_999 = arith.constant 5 : i32
        %add3A_1000 = arith.addi %mul3A_307, %add3A_999 : i32
        %get3A_1001 = arith.index_cast %add3A_1000 : i32 to index
        %get3A_1002 = arith.constant 96 : index
        %get3A_1003 = tpu.vector_load %arg13[%get3A_1001, %get3A_1002] {strides = array<i32>} : memref<208x128xf32, #tpu.memory_space<vmem>>, vector<16xf32>,
        %mul3A_1004 = arith.mulf %get3A_1003, %get3A_268 : vector<16xf32>
        %add3A_1005 = arith.addf %add3A_893, %mul3A_1004 : vector<16xf32>
        %add3A_1006 = arith.constant 6 : i32
        %add3A_1007 = arith.addi %mul3A_307, %add3A_1006 : i32
        %get3A_1008 = arith.index_cast %add3A_1007 : i32 to index
        %get3A_1009 = arith.constant 96 : index
        %get3A_1010 = tpu.vector_load %arg13[%get3A_1008, %get3A_1009] {strides = array<i32>} : memref<208x128xf32, #tpu.memory_space<vmem>>, vector<16xf32>,
        %mul3A_1011 = arith.mulf %get3A_1010, %get3A_268 : vector<16xf32>
        %add3A_1012 = arith.addf %add3A_900, %mul3A_1011 : vector<16xf32>
        %add3A_1013 = arith.constant 7 : i32
        %add3A_1014 = arith.addi %mul3A_307, %add3A_1013 : i32
        %get3A_1015 = arith.index_cast %add3A_1014 : i32 to index
        %get3A_1016 = arith.constant 96 : index
        %get3A_1017 = tpu.vector_load %arg13[%get3A_1015, %get3A_1016] {strides = array<i32>} : memref<208x128xf32, #tpu.memory_space<vmem>>, vector<16xf32>,
        %mul3A_1018 = arith.mulf %get3A_1017, %get3A_268 : vector<16xf32>
        %add3A_1019 = arith.addf %add3A_907, %mul3A_1018 : vector<16xf32>
        %add3A_1020 = arith.constant 8 : i32
        %add3A_1021 = arith.addi %mul3A_307, %add3A_1020 : i32
        %get3A_1022 = arith.index_cast %add3A_1021 : i32 to index
        %get3A_1023 = arith.constant 96 : index
        %get3A_1024 = tpu.vector_load %arg13[%get3A_1022, %get3A_1023] {strides = array<i32>} : memref<208x128xf32, #tpu.memory_space<vmem>>, vector<16xf32>,
        %mul3A_1025 = arith.mulf %get3A_1024, %get3A_268 : vector<16xf32>
        %add3A_1026 = arith.addf %add3A_914, %mul3A_1025 : vector<16xf32>
        %add3A_1027 = arith.constant 9 : i32
        %add3A_1028 = arith.addi %mul3A_307, %add3A_1027 : i32
        %get3A_1029 = arith.index_cast %add3A_1028 : i32 to index
        %get3A_1030 = arith.constant 96 : index
        %get3A_1031 = tpu.vector_load %arg13[%get3A_1029, %get3A_1030] {strides = array<i32>} : memref<208x128xf32, #tpu.memory_space<vmem>>, vector<16xf32>,
        %mul3A_1032 = arith.mulf %get3A_1031, %get3A_268 : vector<16xf32>
        %add3A_1033 = arith.addf %add3A_921, %mul3A_1032 : vector<16xf32>
        %add3A_1034 = arith.constant 10 : i32
        %add3A_1035 = arith.addi %mul3A_307, %add3A_1034 : i32
        %get3A_1036 = arith.index_cast %add3A_1035 : i32 to index
        %get3A_1037 = arith.constant 96 : index
        %get3A_1038 = tpu.vector_load %arg13[%get3A_1036, %get3A_1037] {strides = array<i32>} : memref<208x128xf32, #tpu.memory_space<vmem>>, vector<16xf32>,
        %mul3A_1039 = arith.mulf %get3A_1038, %get3A_268 : vector<16xf32>
        %add3A_1040 = arith.addf %add3A_928, %mul3A_1039 : vector<16xf32>
        %add3A_1041 = arith.constant 11 : i32
        %add3A_1042 = arith.addi %mul3A_307, %add3A_1041 : i32
        %get3A_1043 = arith.index_cast %add3A_1042 : i32 to index
        %get3A_1044 = arith.constant 96 : index
        %get3A_1045 = tpu.vector_load %arg13[%get3A_1043, %get3A_1044] {strides = array<i32>} : memref<208x128xf32, #tpu.memory_space<vmem>>, vector<16xf32>,
        %mul3A_1046 = arith.mulf %get3A_1045, %get3A_268 : vector<16xf32>
        %add3A_1047 = arith.addf %add3A_935, %mul3A_1046 : vector<16xf32>
        %add3A_1048 = arith.constant 12 : i32
        %add3A_1049 = arith.addi %mul3A_307, %add3A_1048 : i32
        %get3A_1050 = arith.index_cast %add3A_1049 : i32 to index
        %get3A_1051 = arith.constant 96 : index
        %get3A_1052 = tpu.vector_load %arg13[%get3A_1050, %get3A_1051] {strides = array<i32>} : memref<208x128xf32, #tpu.memory_space<vmem>>, vector<16xf32>,
        %mul3A_1053 = arith.mulf %get3A_1052, %get3A_268 : vector<16xf32>
        %add3A_1054 = arith.addf %add3A_942, %mul3A_1053 : vector<16xf32>
        %add3A_1055 = arith.constant 13 : i32
        %add3A_1056 = arith.addi %mul3A_307, %add3A_1055 : i32
        %get3A_1057 = arith.index_cast %add3A_1056 : i32 to index
        %get3A_1058 = arith.constant 96 : index
        %get3A_1059 = tpu.vector_load %arg13[%get3A_1057, %get3A_1058] {strides = array<i32>} : memref<208x128xf32, #tpu.memory_space<vmem>>, vector<16xf32>,
        %mul3A_1060 = arith.mulf %get3A_1059, %get3A_268 : vector<16xf32>
        %add3A_1061 = arith.addf %add3A_949, %mul3A_1060 : vector<16xf32>
        %add3A_1062 = arith.constant 14 : i32
        %add3A_1063 = arith.addi %mul3A_307, %add3A_1062 : i32
        %get3A_1064 = arith.index_cast %add3A_1063 : i32 to index
        %get3A_1065 = arith.constant 96 : index
        %get3A_1066 = tpu.vector_load %arg13[%get3A_1064, %get3A_1065] {strides = array<i32>} : memref<208x128xf32, #tpu.memory_space<vmem>>, vector<16xf32>,
        %mul3A_1067 = arith.mulf %get3A_1066, %get3A_268 : vector<16xf32>
        %add3A_1068 = arith.addf %add3A_956, %mul3A_1067 : vector<16xf32>
        %add3A_1069 = arith.constant 15 : i32
        %add3A_1070 = arith.addi %mul3A_307, %add3A_1069 : i32
        %get3A_1071 = arith.index_cast %add3A_1070 : i32 to index
        %get3A_1072 = arith.constant 96 : index
        %get3A_1073 = tpu.vector_load %arg13[%get3A_1071, %get3A_1072] {strides = array<i32>} : memref<208x128xf32, #tpu.memory_space<vmem>>, vector<16xf32>,
        %mul3A_1074 = arith.mulf %get3A_1073, %get3A_268 : vector<16xf32>
        %add3A_1075 = arith.addf %add3A_963, %mul3A_1074 : vector<16xf32>
        %add3A_1076 = arith.constant 0 : i32
        %add3A_1077 = arith.addi %mul3A_307, %add3A_1076 : i32
        %get3A_1078 = arith.index_cast %add3A_1077 : i32 to index
        %get3A_1079 = arith.constant 112 : index
        %get3A_1080 = tpu.vector_load %arg13[%get3A_1078, %get3A_1079] {strides = array<i32>} : memref<208x128xf32, #tpu.memory_space<vmem>>, vector<16xf32>,
        %mul3A_1081 = arith.mulf %get3A_1080, %get3A_274 : vector<16xf32>
        %add3A_1082 = arith.addf %add3A_970, %mul3A_1081 : vector<16xf32>
        %add3A_1083 = arith.constant 1 : i32
        %add3A_1084 = arith.addi %mul3A_307, %add3A_1083 : i32
        %get3A_1085 = arith.index_cast %add3A_1084 : i32 to index
        %get3A_1086 = arith.constant 112 : index
        %get3A_1087 = tpu.vector_load %arg13[%get3A_1085, %get3A_1086] {strides = array<i32>} : memref<208x128xf32, #tpu.memory_space<vmem>>, vector<16xf32>,
        %mul3A_1088 = arith.mulf %get3A_1087, %get3A_274 : vector<16xf32>
        %add3A_1089 = arith.addf %add3A_977, %mul3A_1088 : vector<16xf32>
        %add3A_1090 = arith.constant 2 : i32
        %add3A_1091 = arith.addi %mul3A_307, %add3A_1090 : i32
        %get3A_1092 = arith.index_cast %add3A_1091 : i32 to index
        %get3A_1093 = arith.constant 112 : index
        %get3A_1094 = tpu.vector_load %arg13[%get3A_1092, %get3A_1093] {strides = array<i32>} : memref<208x128xf32, #tpu.memory_space<vmem>>, vector<16xf32>,
        %mul3A_1095 = arith.mulf %get3A_1094, %get3A_274 : vector<16xf32>
        %add3A_1096 = arith.addf %add3A_984, %mul3A_1095 : vector<16xf32>
        %add3A_1097 = arith.constant 3 : i32
        %add3A_1098 = arith.addi %mul3A_307, %add3A_1097 : i32
        %get3A_1099 = arith.index_cast %add3A_1098 : i32 to index
        %get3A_1100 = arith.constant 112 : index
        %get3A_1101 = tpu.vector_load %arg13[%get3A_1099, %get3A_1100] {strides = array<i32>} : memref<208x128xf32, #tpu.memory_space<vmem>>, vector<16xf32>,
        %mul3A_1102 = arith.mulf %get3A_1101, %get3A_274 : vector<16xf32>
        %add3A_1103 = arith.addf %add3A_991, %mul3A_1102 : vector<16xf32>
        %add3A_1104 = arith.constant 4 : i32
        %add3A_1105 = arith.addi %mul3A_307, %add3A_1104 : i32
        %get3A_1106 = arith.index_cast %add3A_1105 : i32 to index
        %get3A_1107 = arith.constant 112 : index
        %get3A_1108 = tpu.vector_load %arg13[%get3A_1106, %get3A_1107] {strides = array<i32>} : memref<208x128xf32, #tpu.memory_space<vmem>>, vector<16xf32>,
        %mul3A_1109 = arith.mulf %get3A_1108, %get3A_274 : vector<16xf32>
        %add3A_1110 = arith.addf %add3A_998, %mul3A_1109 : vector<16xf32>
        %add3A_1111 = arith.constant 5 : i32
        %add3A_1112 = arith.addi %mul3A_307, %add3A_1111 : i32
        %get3A_1113 = arith.index_cast %add3A_1112 : i32 to index
        %get3A_1114 = arith.constant 112 : index
        %get3A_1115 = tpu.vector_load %arg13[%get3A_1113, %get3A_1114] {strides = array<i32>} : memref<208x128xf32, #tpu.memory_space<vmem>>, vector<16xf32>,
        %mul3A_1116 = arith.mulf %get3A_1115, %get3A_274 : vector<16xf32>
        %add3A_1117 = arith.addf %add3A_1005, %mul3A_1116 : vector<16xf32>
        %add3A_1118 = arith.constant 6 : i32
        %add3A_1119 = arith.addi %mul3A_307, %add3A_1118 : i32
        %get3A_1120 = arith.index_cast %add3A_1119 : i32 to index
        %get3A_1121 = arith.constant 112 : index
        %get3A_1122 = tpu.vector_load %arg13[%get3A_1120, %get3A_1121] {strides = array<i32>} : memref<208x128xf32, #tpu.memory_space<vmem>>, vector<16xf32>,
        %mul3A_1123 = arith.mulf %get3A_1122, %get3A_274 : vector<16xf32>
        %add3A_1124 = arith.addf %add3A_1012, %mul3A_1123 : vector<16xf32>
        %add3A_1125 = arith.constant 7 : i32
        %add3A_1126 = arith.addi %mul3A_307, %add3A_1125 : i32
        %get3A_1127 = arith.index_cast %add3A_1126 : i32 to index
        %get3A_1128 = arith.constant 112 : index
        %get3A_1129 = tpu.vector_load %arg13[%get3A_1127, %get3A_1128] {strides = array<i32>} : memref<208x128xf32, #tpu.memory_space<vmem>>, vector<16xf32>,
        %mul3A_1130 = arith.mulf %get3A_1129, %get3A_274 : vector<16xf32>
        %add3A_1131 = arith.addf %add3A_1019, %mul3A_1130 : vector<16xf32>
        %add3A_1132 = arith.constant 8 : i32
        %add3A_1133 = arith.addi %mul3A_307, %add3A_1132 : i32
        %get3A_1134 = arith.index_cast %add3A_1133 : i32 to index
        %get3A_1135 = arith.constant 112 : index
        %get3A_1136 = tpu.vector_load %arg13[%get3A_1134, %get3A_1135] {strides = array<i32>} : memref<208x128xf32, #tpu.memory_space<vmem>>, vector<16xf32>,
        %mul3A_1137 = arith.mulf %get3A_1136, %get3A_274 : vector<16xf32>
        %add3A_1138 = arith.addf %add3A_1026, %mul3A_1137 : vector<16xf32>
        %add3A_1139 = arith.constant 9 : i32
        %add3A_1140 = arith.addi %mul3A_307, %add3A_1139 : i32
        %get3A_1141 = arith.index_cast %add3A_1140 : i32 to index
        %get3A_1142 = arith.constant 112 : index
        %get3A_1143 = tpu.vector_load %arg13[%get3A_1141, %get3A_1142] {strides = array<i32>} : memref<208x128xf32, #tpu.memory_space<vmem>>, vector<16xf32>,
        %mul3A_1144 = arith.mulf %get3A_1143, %get3A_274 : vector<16xf32>
        %add3A_1145 = arith.addf %add3A_1033, %mul3A_1144 : vector<16xf32>
        %add3A_1146 = arith.constant 10 : i32
        %add3A_1147 = arith.addi %mul3A_307, %add3A_1146 : i32
        %get3A_1148 = arith.index_cast %add3A_1147 : i32 to index
        %get3A_1149 = arith.constant 112 : index
        %get3A_1150 = tpu.vector_load %arg13[%get3A_1148, %get3A_1149] {strides = array<i32>} : memref<208x128xf32, #tpu.memory_space<vmem>>, vector<16xf32>,
        %mul3A_1151 = arith.mulf %get3A_1150, %get3A_274 : vector<16xf32>
        %add3A_1152 = arith.addf %add3A_1040, %mul3A_1151 : vector<16xf32>
        %add3A_1153 = arith.constant 11 : i32
        %add3A_1154 = arith.addi %mul3A_307, %add3A_1153 : i32
        %get3A_1155 = arith.index_cast %add3A_1154 : i32 to index
        %get3A_1156 = arith.constant 112 : index
        %get3A_1157 = tpu.vector_load %arg13[%get3A_1155, %get3A_1156] {strides = array<i32>} : memref<208x128xf32, #tpu.memory_space<vmem>>, vector<16xf32>,
        %mul3A_1158 = arith.mulf %get3A_1157, %get3A_274 : vector<16xf32>
        %add3A_1159 = arith.addf %add3A_1047, %mul3A_1158 : vector<16xf32>
        %add3A_1160 = arith.constant 12 : i32
        %add3A_1161 = arith.addi %mul3A_307, %add3A_1160 : i32
        %get3A_1162 = arith.index_cast %add3A_1161 : i32 to index
        %get3A_1163 = arith.constant 112 : index
        %get3A_1164 = tpu.vector_load %arg13[%get3A_1162, %get3A_1163] {strides = array<i32>} : memref<208x128xf32, #tpu.memory_space<vmem>>, vector<16xf32>,
        %mul3A_1165 = arith.mulf %get3A_1164, %get3A_274 : vector<16xf32>
        %add3A_1166 = arith.addf %add3A_1054, %mul3A_1165 : vector<16xf32>
        %add3A_1167 = arith.constant 13 : i32
        %add3A_1168 = arith.addi %mul3A_307, %add3A_1167 : i32
        %get3A_1169 = arith.index_cast %add3A_1168 : i32 to index
        %get3A_1170 = arith.constant 112 : index
        %get3A_1171 = tpu.vector_load %arg13[%get3A_1169, %get3A_1170] {strides = array<i32>} : memref<208x128xf32, #tpu.memory_space<vmem>>, vector<16xf32>,
        %mul3A_1172 = arith.mulf %get3A_1171, %get3A_274 : vector<16xf32>
        %add3A_1173 = arith.addf %add3A_1061, %mul3A_1172 : vector<16xf32>
        %add3A_1174 = arith.constant 14 : i32
        %add3A_1175 = arith.addi %mul3A_307, %add3A_1174 : i32
        %get3A_1176 = arith.index_cast %add3A_1175 : i32 to index
        %get3A_1177 = arith.constant 112 : index
        %get3A_1178 = tpu.vector_load %arg13[%get3A_1176, %get3A_1177] {strides = array<i32>} : memref<208x128xf32, #tpu.memory_space<vmem>>, vector<16xf32>,
        %mul3A_1179 = arith.mulf %get3A_1178, %get3A_274 : vector<16xf32>
        %add3A_1180 = arith.addf %add3A_1068, %mul3A_1179 : vector<16xf32>
        %add3A_1181 = arith.constant 15 : i32
        %add3A_1182 = arith.addi %mul3A_307, %add3A_1181 : i32
        %get3A_1183 = arith.index_cast %add3A_1182 : i32 to index
        %get3A_1184 = arith.constant 112 : index
        %get3A_1185 = tpu.vector_load %arg13[%get3A_1183, %get3A_1184] {strides = array<i32>} : memref<208x128xf32, #tpu.memory_space<vmem>>, vector<16xf32>,
        %mul3A_1186 = arith.mulf %get3A_1185, %get3A_274 : vector<16xf32>
        %add3A_1187 = arith.addf %add3A_1075, %mul3A_1186 : vector<16xf32>
        %broadcast_in_dim3A = arith.constant true
        %broadcast_in_dim3A_1188 = vector.broadcast %broadcast_in_dim3A : i1 to vector<16xi1>
        %masked_cumsum3A = tpu.scan <sum>, %add3A_1082 masked %broadcast_in_dim3A_1188 : vector<16xf32>, vector<16xi1> -> vector<16xf32>
        %mul3A_1189 = arith.constant 208 : i32
        %mul3A_1190 = arith.muli %add3A_226, %mul3A_1189 : i32
        %add3A_1191 = arith.addi %mul3A_1190, %mul3A_307 : i32
        %add3A_1192 = arith.constant 0 : i32
        %add3A_1193 = arith.addi %add3A_1191, %add3A_1192 : i32
        %broadcast_in_dim3A_1194 = vector.broadcast %add3A_1193 : i32 to vector<16xi32>
        tpu.vector_store_idx %arg14[%broadcast_in_dim3A_1194], %masked_cumsum3A masked %eq3A_12 : memref<6656xf32, #tpu.memory_space<vmem>>[vector<16xi32>], vector<16xf32>, vector<16xi1>
        %broadcast_in_dim3A_1195 = arith.constant true
        %broadcast_in_dim3A_1196 = vector.broadcast %broadcast_in_dim3A_1195 : i1 to vector<16xi1>
        %masked_cumsum3A_1197 = tpu.scan <sum>, %add3A_1089 masked %broadcast_in_dim3A_1196 : vector<16xf32>, vector<16xi1> -> vector<16xf32>
        %mul3A_1198 = arith.constant 208 : i32
        %mul3A_1199 = arith.muli %add3A_226, %mul3A_1198 : i32
        %add3A_1200 = arith.addi %mul3A_1199, %mul3A_307 : i32
        %add3A_1201 = arith.constant 1 : i32
        %add3A_1202 = arith.addi %add3A_1200, %add3A_1201 : i32
        %broadcast_in_dim3A_1203 = vector.broadcast %add3A_1202 : i32 to vector<16xi32>
        tpu.vector_store_idx %arg14[%broadcast_in_dim3A_1203], %masked_cumsum3A_1197 masked %eq3A_12 : memref<6656xf32, #tpu.memory_space<vmem>>[vector<16xi32>], vector<16xf32>, vector<16xi1>
        %broadcast_in_dim3A_1204 = arith.constant true
        %broadcast_in_dim3A_1205 = vector.broadcast %broadcast_in_dim3A_1204 : i1 to vector<16xi1>
        %masked_cumsum3A_1206 = tpu.scan <sum>, %add3A_1096 masked %broadcast_in_dim3A_1205 : vector<16xf32>, vector<16xi1> -> vector<16xf32>
        %mul3A_1207 = arith.constant 208 : i32
        %mul3A_1208 = arith.muli %add3A_226, %mul3A_1207 : i32
        %add3A_1209 = arith.addi %mul3A_1208, %mul3A_307 : i32
        %add3A_1210 = arith.constant 2 : i32
        %add3A_1211 = arith.addi %add3A_1209, %add3A_1210 : i32
        %broadcast_in_dim3A_1212 = vector.broadcast %add3A_1211 : i32 to vector<16xi32>
        tpu.vector_store_idx %arg14[%broadcast_in_dim3A_1212], %masked_cumsum3A_1206 masked %eq3A_12 : memref<6656xf32, #tpu.memory_space<vmem>>[vector<16xi32>], vector<16xf32>, vector<16xi1>
        %broadcast_in_dim3A_1213 = arith.constant true
        %broadcast_in_dim3A_1214 = vector.broadcast %broadcast_in_dim3A_1213 : i1 to vector<16xi1>
        %masked_cumsum3A_1215 = tpu.scan <sum>, %add3A_1103 masked %broadcast_in_dim3A_1214 : vector<16xf32>, vector<16xi1> -> vector<16xf32>
        %mul3A_1216 = arith.constant 208 : i32
        %mul3A_1217 = arith.muli %add3A_226, %mul3A_1216 : i32
        %add3A_1218 = arith.addi %mul3A_1217, %mul3A_307 : i32
        %add3A_1219 = arith.constant 3 : i32
        %add3A_1220 = arith.addi %add3A_1218, %add3A_1219 : i32
        %broadcast_in_dim3A_1221 = vector.broadcast %add3A_1220 : i32 to vector<16xi32>
        tpu.vector_store_idx %arg14[%broadcast_in_dim3A_1221], %masked_cumsum3A_1215 masked %eq3A_12 : memref<6656xf32, #tpu.memory_space<vmem>>[vector<16xi32>], vector<16xf32>, vector<16xi1>
        %broadcast_in_dim3A_1222 = arith.constant true
        %broadcast_in_dim3A_1223 = vector.broadcast %broadcast_in_dim3A_1222 : i1 to vector<16xi1>
        %masked_cumsum3A_1224 = tpu.scan <sum>, %add3A_1110 masked %broadcast_in_dim3A_1223 : vector<16xf32>, vector<16xi1> -> vector<16xf32>
        %mul3A_1225 = arith.constant 208 : i32
        %mul3A_1226 = arith.muli %add3A_226, %mul3A_1225 : i32
        %add3A_1227 = arith.addi %mul3A_1226, %mul3A_307 : i32
        %add3A_1228 = arith.constant 4 : i32
        %add3A_1229 = arith.addi %add3A_1227, %add3A_1228 : i32
        %broadcast_in_dim3A_1230 = vector.broadcast %add3A_1229 : i32 to vector<16xi32>
        tpu.vector_store_idx %arg14[%broadcast_in_dim3A_1230], %masked_cumsum3A_1224 masked %eq3A_12 : memref<6656xf32, #tpu.memory_space<vmem>>[vector<16xi32>], vector<16xf32>, vector<16xi1>
        %broadcast_in_dim3A_1231 = arith.constant true
        %broadcast_in_dim3A_1232 = vector.broadcast %broadcast_in_dim3A_1231 : i1 to vector<16xi1>
        %masked_cumsum3A_1233 = tpu.scan <sum>, %add3A_1117 masked %broadcast_in_dim3A_1232 : vector<16xf32>, vector<16xi1> -> vector<16xf32>
        %mul3A_1234 = arith.constant 208 : i32
        %mul3A_1235 = arith.muli %add3A_226, %mul3A_1234 : i32
        %add3A_1236 = arith.addi %mul3A_1235, %mul3A_307 : i32
        %add3A_1237 = arith.constant 5 : i32
        %add3A_1238 = arith.addi %add3A_1236, %add3A_1237 : i32
        %broadcast_in_dim3A_1239 = vector.broadcast %add3A_1238 : i32 to vector<16xi32>
        tpu.vector_store_idx %arg14[%broadcast_in_dim3A_1239], %masked_cumsum3A_1233 masked %eq3A_12 : memref<6656xf32, #tpu.memory_space<vmem>>[vector<16xi32>], vector<16xf32>, vector<16xi1>
        %broadcast_in_dim3A_1240 = arith.constant true
        %broadcast_in_dim3A_1241 = vector.broadcast %broadcast_in_dim3A_1240 : i1 to vector<16xi1>
        %masked_cumsum3A_1242 = tpu.scan <sum>, %add3A_1124 masked %broadcast_in_dim3A_1241 : vector<16xf32>, vector<16xi1> -> vector<16xf32>
        %mul3A_1243 = arith.constant 208 : i32
        %mul3A_1244 = arith.muli %add3A_226, %mul3A_1243 : i32
        %add3A_1245 = arith.addi %mul3A_1244, %mul3A_307 : i32
        %add3A_1246 = arith.constant 6 : i32
        %add3A_1247 = arith.addi %add3A_1245, %add3A_1246 : i32
        %broadcast_in_dim3A_1248 = vector.broadcast %add3A_1247 : i32 to vector<16xi32>
        tpu.vector_store_idx %arg14[%broadcast_in_dim3A_1248], %masked_cumsum3A_1242 masked %eq3A_12 : memref<6656xf32, #tpu.memory_space<vmem>>[vector<16xi32>], vector<16xf32>, vector<16xi1>
        %broadcast_in_dim3A_1249 = arith.constant true
        %broadcast_in_dim3A_1250 = vector.broadcast %broadcast_in_dim3A_1249 : i1 to vector<16xi1>
        %masked_cumsum3A_1251 = tpu.scan <sum>, %add3A_1131 masked %broadcast_in_dim3A_1250 : vector<16xf32>, vector<16xi1> -> vector<16xf32>
        %mul3A_1252 = arith.constant 208 : i32
        %mul3A_1253 = arith.muli %add3A_226, %mul3A_1252 : i32
        %add3A_1254 = arith.addi %mul3A_1253, %mul3A_307 : i32
        %add3A_1255 = arith.constant 7 : i32
        %add3A_1256 = arith.addi %add3A_1254, %add3A_1255 : i32
        %broadcast_in_dim3A_1257 = vector.broadcast %add3A_1256 : i32 to vector<16xi32>
        tpu.vector_store_idx %arg14[%broadcast_in_dim3A_1257], %masked_cumsum3A_1251 masked %eq3A_12 : memref<6656xf32, #tpu.memory_space<vmem>>[vector<16xi32>], vector<16xf32>, vector<16xi1>
        %broadcast_in_dim3A_1258 = arith.constant true
        %broadcast_in_dim3A_1259 = vector.broadcast %broadcast_in_dim3A_1258 : i1 to vector<16xi1>
        %masked_cumsum3A_1260 = tpu.scan <sum>, %add3A_1138 masked %broadcast_in_dim3A_1259 : vector<16xf32>, vector<16xi1> -> vector<16xf32>
        %mul3A_1261 = arith.constant 208 : i32
        %mul3A_1262 = arith.muli %add3A_226, %mul3A_1261 : i32
        %add3A_1263 = arith.addi %mul3A_1262, %mul3A_307 : i32
        %add3A_1264 = arith.constant 8 : i32
        %add3A_1265 = arith.addi %add3A_1263, %add3A_1264 : i32
        %broadcast_in_dim3A_1266 = vector.broadcast %add3A_1265 : i32 to vector<16xi32>
        tpu.vector_store_idx %arg14[%broadcast_in_dim3A_1266], %masked_cumsum3A_1260 masked %eq3A_12 : memref<6656xf32, #tpu.memory_space<vmem>>[vector<16xi32>], vector<16xf32>, vector<16xi1>
        %broadcast_in_dim3A_1267 = arith.constant true
        %broadcast_in_dim3A_1268 = vector.broadcast %broadcast_in_dim3A_1267 : i1 to vector<16xi1>
        %masked_cumsum3A_1269 = tpu.scan <sum>, %add3A_1145 masked %broadcast_in_dim3A_1268 : vector<16xf32>, vector<16xi1> -> vector<16xf32>
        %mul3A_1270 = arith.constant 208 : i32
        %mul3A_1271 = arith.muli %add3A_226, %mul3A_1270 : i32
        %add3A_1272 = arith.addi %mul3A_1271, %mul3A_307 : i32
        %add3A_1273 = arith.constant 9 : i32
        %add3A_1274 = arith.addi %add3A_1272, %add3A_1273 : i32
        %broadcast_in_dim3A_1275 = vector.broadcast %add3A_1274 : i32 to vector<16xi32>
        tpu.vector_store_idx %arg14[%broadcast_in_dim3A_1275], %masked_cumsum3A_1269 masked %eq3A_12 : memref<6656xf32, #tpu.memory_space<vmem>>[vector<16xi32>], vector<16xf32>, vector<16xi1>
        %broadcast_in_dim3A_1276 = arith.constant true
        %broadcast_in_dim3A_1277 = vector.broadcast %broadcast_in_dim3A_1276 : i1 to vector<16xi1>
        %masked_cumsum3A_1278 = tpu.scan <sum>, %add3A_1152 masked %broadcast_in_dim3A_1277 : vector<16xf32>, vector<16xi1> -> vector<16xf32>
        %mul3A_1279 = arith.constant 208 : i32
        %mul3A_1280 = arith.muli %add3A_226, %mul3A_1279 : i32
        %add3A_1281 = arith.addi %mul3A_1280, %mul3A_307 : i32
        %add3A_1282 = arith.constant 10 : i32
        %add3A_1283 = arith.addi %add3A_1281, %add3A_1282 : i32
        %broadcast_in_dim3A_1284 = vector.broadcast %add3A_1283 : i32 to vector<16xi32>
        tpu.vector_store_idx %arg14[%broadcast_in_dim3A_1284], %masked_cumsum3A_1278 masked %eq3A_12 : memref<6656xf32, #tpu.memory_space<vmem>>[vector<16xi32>], vector<16xf32>, vector<16xi1>
        %broadcast_in_dim3A_1285 = arith.constant true
        %broadcast_in_dim3A_1286 = vector.broadcast %broadcast_in_dim3A_1285 : i1 to vector<16xi1>
        %masked_cumsum3A_1287 = tpu.scan <sum>, %add3A_1159 masked %broadcast_in_dim3A_1286 : vector<16xf32>, vector<16xi1> -> vector<16xf32>
        %mul3A_1288 = arith.constant 208 : i32
        %mul3A_1289 = arith.muli %add3A_226, %mul3A_1288 : i32
        %add3A_1290 = arith.addi %mul3A_1289, %mul3A_307 : i32
        %add3A_1291 = arith.constant 11 : i32
        %add3A_1292 = arith.addi %add3A_1290, %add3A_1291 : i32
        %broadcast_in_dim3A_1293 = vector.broadcast %add3A_1292 : i32 to vector<16xi32>
        tpu.vector_store_idx %arg14[%broadcast_in_dim3A_1293], %masked_cumsum3A_1287 masked %eq3A_12 : memref<6656xf32, #tpu.memory_space<vmem>>[vector<16xi32>], vector<16xf32>, vector<16xi1>
        %broadcast_in_dim3A_1294 = arith.constant true
        %broadcast_in_dim3A_1295 = vector.broadcast %broadcast_in_dim3A_1294 : i1 to vector<16xi1>
        %masked_cumsum3A_1296 = tpu.scan <sum>, %add3A_1166 masked %broadcast_in_dim3A_1295 : vector<16xf32>, vector<16xi1> -> vector<16xf32>
        %mul3A_1297 = arith.constant 208 : i32
        %mul3A_1298 = arith.muli %add3A_226, %mul3A_1297 : i32
        %add3A_1299 = arith.addi %mul3A_1298, %mul3A_307 : i32
        %add3A_1300 = arith.constant 12 : i32
        %add3A_1301 = arith.addi %add3A_1299, %add3A_1300 : i32
        %broadcast_in_dim3A_1302 = vector.broadcast %add3A_1301 : i32 to vector<16xi32>
        tpu.vector_store_idx %arg14[%broadcast_in_dim3A_1302], %masked_cumsum3A_1296 masked %eq3A_12 : memref<6656xf32, #tpu.memory_space<vmem>>[vector<16xi32>], vector<16xf32>, vector<16xi1>
        %broadcast_in_dim3A_1303 = arith.constant true
        %broadcast_in_dim3A_1304 = vector.broadcast %broadcast_in_dim3A_1303 : i1 to vector<16xi1>
        %masked_cumsum3A_1305 = tpu.scan <sum>, %add3A_1173 masked %broadcast_in_dim3A_1304 : vector<16xf32>, vector<16xi1> -> vector<16xf32>
        %mul3A_1306 = arith.constant 208 : i32
        %mul3A_1307 = arith.muli %add3A_226, %mul3A_1306 : i32
        %add3A_1308 = arith.addi %mul3A_1307, %mul3A_307 : i32
        %add3A_1309 = arith.constant 13 : i32
        %add3A_1310 = arith.addi %add3A_1308, %add3A_1309 : i32
        %broadcast_in_dim3A_1311 = vector.broadcast %add3A_1310 : i32 to vector<16xi32>
        tpu.vector_store_idx %arg14[%broadcast_in_dim3A_1311], %masked_cumsum3A_1305 masked %eq3A_12 : memref<6656xf32, #tpu.memory_space<vmem>>[vector<16xi32>], vector<16xf32>, vector<16xi1>
        %broadcast_in_dim3A_1312 = arith.constant true
        %broadcast_in_dim3A_1313 = vector.broadcast %broadcast_in_dim3A_1312 : i1 to vector<16xi1>
        %masked_cumsum3A_1314 = tpu.scan <sum>, %add3A_1180 masked %broadcast_in_dim3A_1313 : vector<16xf32>, vector<16xi1> -> vector<16xf32>
        %mul3A_1315 = arith.constant 208 : i32
        %mul3A_1316 = arith.muli %add3A_226, %mul3A_1315 : i32
        %add3A_1317 = arith.addi %mul3A_1316, %mul3A_307 : i32
        %add3A_1318 = arith.constant 14 : i32
        %add3A_1319 = arith.addi %add3A_1317, %add3A_1318 : i32
        %broadcast_in_dim3A_1320 = vector.broadcast %add3A_1319 : i32 to vector<16xi32>
        tpu.vector_store_idx %arg14[%broadcast_in_dim3A_1320], %masked_cumsum3A_1314 masked %eq3A_12 : memref<6656xf32, #tpu.memory_space<vmem>>[vector<16xi32>], vector<16xf32>, vector<16xi1>
        %broadcast_in_dim3A_1321 = arith.constant true
        %broadcast_in_dim3A_1322 = vector.broadcast %broadcast_in_dim3A_1321 : i1 to vector<16xi1>
        %masked_cumsum3A_1323 = tpu.scan <sum>, %add3A_1187 masked %broadcast_in_dim3A_1322 : vector<16xf32>, vector<16xi1> -> vector<16xf32>
        %mul3A_1324 = arith.constant 208 : i32
        %mul3A_1325 = arith.muli %add3A_226, %mul3A_1324 : i32
        %add3A_1326 = arith.addi %mul3A_1325, %mul3A_307 : i32
        %add3A_1327 = arith.constant 15 : i32
        %add3A_1328 = arith.addi %add3A_1326, %add3A_1327 : i32
        %broadcast_in_dim3A_1329 = vector.broadcast %add3A_1328 : i32 to vector<16xi32>
        tpu.vector_store_idx %arg14[%broadcast_in_dim3A_1329], %masked_cumsum3A_1323 masked %eq3A_12 : memref<6656xf32, #tpu.memory_space<vmem>>[vector<16xi32>], vector<16xf32>, vector<16xi1>
        %mul3A_1330 = arith.constant 200 : i32
        %mul3A_1331 = arith.muli %add3A_226, %mul3A_1330 : i32
        %add3A_1332 = arith.addi %mul3A_1331, %mul3A_307 : i32
        %get3A_1333 = arith.index_cast %add3A_1332 : i32 to index
        %get3A_1334 = tpu.vector_load %arg9[%get3A_1333] {strides = array<i32>} : memref<6464xi32, #tpu.memory_space<vmem>>, vector<16xi32>,
        %max3A = arith.constant 0 : i32
        %max3A_1335 = vector.broadcast %max3A : i32 to vector<16xi32>
        %max3A_1336 = arith.maxsi %get3A_1334, %max3A_1335 : vector<16xi32>
        %min3A = arith.constant 399 : i32
        %min3A_1337 = vector.broadcast %min3A : i32 to vector<16xi32>
        %min3A_1338 = arith.minsi %max3A_1336, %min3A_1337 : vector<16xi32>
        %mul3A_1339 = arith.constant 400 : i32
        %mul3A_1340 = arith.muli %add3A_226, %mul3A_1339 : i32
        %add3A_1341 = vector.broadcast %mul3A_1340 : i32 to vector<16xi32>
        %add3A_1342 = arith.addi %add3A_1341, %min3A_1338 : vector<16xi32>
        %gather3A = tpu.vector_load_idx %arg11[%add3A_1342] : memref<12800xf32, #tpu.memory_space<vmem>>[vector<16xi32>], vector<16xf32>,
        %mul3A_1343 = arith.constant 208 : i32
        %mul3A_1344 = arith.muli %add3A_226, %mul3A_1343 : i32
        %add3A_1345 = arith.addi %mul3A_1344, %mul3A_307 : i32
        %get3A_1346 = arith.index_cast %add3A_1345 : i32 to index
        %get3A_1347 = tpu.vector_load %arg14[%get3A_1346] {strides = array<i32>} : memref<6656xf32, #tpu.memory_space<vmem>>, vector<16xf32>,
        %add3A_1348 = arith.addf %get3A_1347, %gather3A : vector<16xf32>
        %swap3A = arith.index_cast %add3A_1345 : i32 to index
        %swap3A_1349 = tpu.vector_load %arg14[%swap3A] {strides = array<i32>} : memref<6656xf32, #tpu.memory_space<vmem>>, vector<16xf32>,
        tpu.vector_store %arg14[%swap3A], %add3A_1348 {strides = array<i32>} : memref<6656xf32, #tpu.memory_space<vmem>>, vector<16xf32>,
      }
      %scan3A_280 = arith.constant 13 : i32
      %add3A_281 = arith.constant 3 : i32
      %add3A_282 = arith.addi %mul3A_100, %add3A_281 : i32
      %rem3A_283 = arith.constant 32 : i32
      %rem3A_284 = arith.remsi %add3A_282, %rem3A_283 : i32
      %mul3A_285 = arith.constant 200 : i32
      %mul3A_286 = arith.muli %rem3A_284, %mul3A_285 : i32
      %dma_start3A_287 = arith.constant 0 : i32
      %dma_start3A_288 = arith.constant 0 : i32
      %dma_start3A_289 = tpu.memref_slice %arg13[%dma_start3A_287, %dma_start3A_288] : memref<208x128xf32, #tpu.memory_space<vmem>> -> memref<104x128xf32, #tpu.memory_space<vmem>>
      %dma_start3A_290 = tpu.memref_slice %arg8[%mul3A_286] : memref<6400xi32, #tpu.memory_space<vmem>> -> memref<104xi32, #tpu.memory_space<vmem>>
      %dma_start3A_291 = arith.constant 0 : i32
      %dma_start3A_292 = arith.constant 0 : i32
      %dma_start3A_293 = tpu.memref_slice %arg6[%dma_start3A_291, %dma_start3A_292] : memref<100000x128xf32, #tpu.memory_space<hbm>> -> memref<100000x128xf32, #tpu.memory_space<hbm>>
      tpu.enqueue_indirect_dma source(%dma_start3A_293 : memref<100000x128xf32, #tpu.memory_space<hbm>>) target(%dma_start3A_289 : memref<104x128xf32, #tpu.memory_space<vmem>>) offsets(%dma_start3A_290 : memref<104xi32, #tpu.memory_space<vmem>>) semaphore(%arg16 : memref<!tpu.dma_semaphore, #tpu.memory_space<semaphore_mem>>)
      %mul3A_294 = arith.constant 200 : i32
      %mul3A_295 = arith.muli %rem3A_284, %mul3A_294 : i32
      %add3A_296 = arith.constant 104 : i32
      %add3A_297 = arith.addi %mul3A_295, %add3A_296 : i32
      %dma_start3A_298 = arith.constant 104 : i32
      %dma_start3A_299 = arith.constant 0 : i32
      %dma_start3A_300 = tpu.memref_slice %arg13[%dma_start3A_298, %dma_start3A_299] : memref<208x128xf32, #tpu.memory_space<vmem>> -> memref<96x128xf32, #tpu.memory_space<vmem>>
      %dma_start3A_301 = tpu.memref_slice %arg8[%add3A_297] : memref<6400xi32, #tpu.memory_space<vmem>> -> memref<96xi32, #tpu.memory_space<vmem>>
      %dma_start3A_302 = arith.constant 0 : i32
      %dma_start3A_303 = arith.constant 0 : i32
      %dma_start3A_304 = tpu.memref_slice %arg6[%dma_start3A_302, %dma_start3A_303] : memref<100000x128xf32, #tpu.memory_space<hbm>> -> memref<100000x128xf32, #tpu.memory_space<hbm>>
      tpu.enqueue_indirect_dma source(%dma_start3A_304 : memref<100000x128xf32, #tpu.memory_space<hbm>>) target(%dma_start3A_300 : memref<96x128xf32, #tpu.memory_space<vmem>>) offsets(%dma_start3A_301 : memref<96xi32, #tpu.memory_space<vmem>>) semaphore(%arg16 : memref<!tpu.dma_semaphore, #tpu.memory_space<semaphore_mem>>)
    }
    %scan3A_48 = arith.constant 16 : i32
    %dma_wait3A = arith.constant 0 : i32
    %dma_wait3A_49 = arith.constant 0 : i32
    %dma_wait3A_50 = tpu.memref_slice %arg12[%dma_wait3A, %dma_wait3A_49] : memref<208x128xf32, #tpu.memory_space<vmem>> -> memref<104x128xf32, #tpu.memory_space<vmem>>
    %dma_wait3A_51 = arith.constant 0 : i32
    %dma_wait3A_52 = arith.constant 0 : i32
    %dma_wait3A_53 = tpu.memref_slice %arg6[%dma_wait3A_51, %dma_wait3A_52] : memref<100000x128xf32, #tpu.memory_space<hbm>> -> memref<104x128xf32, #tpu.memory_space<hbm>>
    %dma_wait3A_54 = arith.constant 0 : i32
    %dma_wait3A_55 = arith.constant 0 : i32
    %dma_wait3A_56 = tpu.memref_slice %arg12[%dma_wait3A_54, %dma_wait3A_55] : memref<208x128xf32, #tpu.memory_space<vmem>> -> memref<104x128xf32, #tpu.memory_space<vmem>>
    %dma_wait3A_57 = arith.constant 0 : i32
    %dma_wait3A_58 = arith.constant 0 : i32
    %dma_wait3A_59 = tpu.memref_slice %arg6[%dma_wait3A_57, %dma_wait3A_58] : memref<100000x128xf32, #tpu.memory_space<hbm>> -> memref<104x128xf32, #tpu.memory_space<hbm>>
    tpu.wait_dma2 semaphore(%arg15 : memref<!tpu.dma_semaphore, #tpu.memory_space<semaphore_mem>>) src(%dma_wait3A_59 : memref<104x128xf32, #tpu.memory_space<hbm>>) dst(%dma_wait3A_56 : memref<104x128xf32, #tpu.memory_space<vmem>>)
    %dma_wait3A_60 = arith.constant 104 : i32
    %dma_wait3A_61 = arith.constant 0 : i32
    %dma_wait3A_62 = tpu.memref_slice %arg12[%dma_wait3A_60, %dma_wait3A_61] : memref<208x128xf32, #tpu.memory_space<vmem>> -> memref<96x128xf32, #tpu.memory_space<vmem>>
    %dma_wait3A_63 = arith.constant 0 : i32
    %dma_wait3A_64 = arith.constant 0 : i32
    %dma_wait3A_65 = tpu.memref_slice %arg6[%dma_wait3A_63, %dma_wait3A_64] : memref<100000x128xf32, #tpu.memory_space<hbm>> -> memref<96x128xf32, #tpu.memory_space<hbm>>
    %dma_wait3A_66 = arith.constant 104 : i32
    %dma_wait3A_67 = arith.constant 0 : i32
    %dma_wait3A_68 = tpu.memref_slice %arg12[%dma_wait3A_66, %dma_wait3A_67] : memref<208x128xf32, #tpu.memory_space<vmem>> -> memref<96x128xf32, #tpu.memory_space<vmem>>
    %dma_wait3A_69 = arith.constant 0 : i32
    %dma_wait3A_70 = arith.constant 0 : i32
    %dma_wait3A_71 = tpu.memref_slice %arg6[%dma_wait3A_69, %dma_wait3A_70] : memref<100000x128xf32, #tpu.memory_space<hbm>> -> memref<96x128xf32, #tpu.memory_space<hbm>>
    tpu.wait_dma2 semaphore(%arg15 : memref<!tpu.dma_semaphore, #tpu.memory_space<semaphore_mem>>) src(%dma_wait3A_71 : memref<96x128xf32, #tpu.memory_space<hbm>>) dst(%dma_wait3A_68 : memref<96x128xf32, #tpu.memory_space<vmem>>)
    %dma_wait3A_72 = arith.constant 0 : i32
    %dma_wait3A_73 = arith.constant 0 : i32
    %dma_wait3A_74 = tpu.memref_slice %arg13[%dma_wait3A_72, %dma_wait3A_73] : memref<208x128xf32, #tpu.memory_space<vmem>> -> memref<104x128xf32, #tpu.memory_space<vmem>>
    %dma_wait3A_75 = arith.constant 0 : i32
    %dma_wait3A_76 = arith.constant 0 : i32
    %dma_wait3A_77 = tpu.memref_slice %arg6[%dma_wait3A_75, %dma_wait3A_76] : memref<100000x128xf32, #tpu.memory_space<hbm>> -> memref<104x128xf32, #tpu.memory_space<hbm>>
    %dma_wait3A_78 = arith.constant 0 : i32
    %dma_wait3A_79 = arith.constant 0 : i32
    %dma_wait3A_80 = tpu.memref_slice %arg13[%dma_wait3A_78, %dma_wait3A_79] : memref<208x128xf32, #tpu.memory_space<vmem>> -> memref<104x128xf32, #tpu.memory_space<vmem>>
    %dma_wait3A_81 = arith.constant 0 : i32
    %dma_wait3A_82 = arith.constant 0 : i32
    %dma_wait3A_83 = tpu.memref_slice %arg6[%dma_wait3A_81, %dma_wait3A_82] : memref<100000x128xf32, #tpu.memory_space<hbm>> -> memref<104x128xf32, #tpu.memory_space<hbm>>
    tpu.wait_dma2 semaphore(%arg16 : memref<!tpu.dma_semaphore, #tpu.memory_space<semaphore_mem>>) src(%dma_wait3A_83 : memref<104x128xf32, #tpu.memory_space<hbm>>) dst(%dma_wait3A_80 : memref<104x128xf32, #tpu.memory_space<vmem>>)
    %dma_wait3A_84 = arith.constant 104 : i32
    %dma_wait3A_85 = arith.constant 0 : i32
    %dma_wait3A_86 = tpu.memref_slice %arg13[%dma_wait3A_84, %dma_wait3A_85] : memref<208x128xf32, #tpu.memory_space<vmem>> -> memref<96x128xf32, #tpu.memory_space<vmem>>
    %dma_wait3A_87 = arith.constant 0 : i32
    %dma_wait3A_88 = arith.constant 0 : i32
    %dma_wait3A_89 = tpu.memref_slice %arg6[%dma_wait3A_87, %dma_wait3A_88] : memref<100000x128xf32, #tpu.memory_space<hbm>> -> memref<96x128xf32, #tpu.memory_space<hbm>>
    %dma_wait3A_90 = arith.constant 104 : i32
    %dma_wait3A_91 = arith.constant 0 : i32
    %dma_wait3A_92 = tpu.memref_slice %arg13[%dma_wait3A_90, %dma_wait3A_91] : memref<208x128xf32, #tpu.memory_space<vmem>> -> memref<96x128xf32, #tpu.memory_space<vmem>>
    %dma_wait3A_93 = arith.constant 0 : i32
    %dma_wait3A_94 = arith.constant 0 : i32
    %dma_wait3A_95 = tpu.memref_slice %arg6[%dma_wait3A_93, %dma_wait3A_94] : memref<100000x128xf32, #tpu.memory_space<hbm>> -> memref<96x128xf32, #tpu.memory_space<hbm>>
    tpu.wait_dma2 semaphore(%arg16 : memref<!tpu.dma_semaphore, #tpu.memory_space<semaphore_mem>>) src(%dma_wait3A_95 : memref<96x128xf32, #tpu.memory_space<hbm>>) dst(%dma_wait3A_92 : memref<96x128xf32, #tpu.memory_space<vmem>>)
    %mul3A_96 = arith.constant 208 : i32
    %mul3A_97 = arith.muli %mul3A_2, %mul3A_96 : i32
    "tpu.region"() ({
      %run_scoped3A = tpu.sem_alloc : memref<!tpu.dma_semaphore, #tpu.memory_space<semaphore_mem>>
      %dma_start3A_98 = tpu.memref_slice %arg7[%mul3A_97] : memref<212992xf32, #tpu.memory_space<hbm>> -> memref<6656xf32, #tpu.memory_space<hbm>>
      %dma_start3A_99 = tpu.memref_slice %arg7[%mul3A_97] : memref<212992xf32, #tpu.memory_space<hbm>> -> memref<6656xf32, #tpu.memory_space<hbm>>
      tpu.enqueue_dma source(%arg14 : memref<6656xf32, #tpu.memory_space<vmem>>) target(%dma_start3A_99 : memref<6656xf32, #tpu.memory_space<hbm>>) target_semaphore(%run_scoped3A : memref<!tpu.dma_semaphore, #tpu.memory_space<semaphore_mem>>)
      %dma_wait3A_100 = tpu.memref_slice %arg7[%mul3A_97] : memref<212992xf32, #tpu.memory_space<hbm>> -> memref<6656xf32, #tpu.memory_space<hbm>>
      %dma_wait3A_101 = tpu.memref_slice %arg7[%mul3A_97] : memref<212992xf32, #tpu.memory_space<hbm>> -> memref<6656xf32, #tpu.memory_space<hbm>>
      tpu.wait_dma2 semaphore(%run_scoped3A : memref<!tpu.dma_semaphore, #tpu.memory_space<semaphore_mem>>) src(%arg14 : memref<6656xf32, #tpu.memory_space<vmem>>) dst(%dma_wait3A_101 : memref<6656xf32, #tpu.memory_space<hbm>>)
      tpu.yield
    }) : () -> ()
    return
  }
}

module attributes {stable_mosaic.version = 14 : i64} {
  func.func @body(%arg0: i32, %arg1: memref<256x128xf32, #tpu.memory_space<vmem>>, %arg2: memref<256x256xf32, #tpu.memory_space<vmem>>, %arg3: memref<256x128xf32, #tpu.memory_space<vmem>>, %arg4: memref<128x256xf32, #tpu.memory_space<vmem>>, %arg5: memref<256x256xf32, #tpu.memory_space<vmem>>, %arg6: memref<128x256xf32, #tpu.memory_space<vmem>>, %arg7: memref<1x256xf32, #tpu.memory_space<vmem>>, %arg8: memref<256x128xf32, #tpu.memory_space<vmem>>, %arg9: memref<256x128xf32, #tpu.memory_space<vmem>>, %arg10: memref<1x128xf32, #tpu.memory_space<vmem>>, %arg11: memref<1x128xf32, #tpu.memory_space<vmem>>, %arg12: memref<128x400xf32, #tpu.memory_space<vmem>>, %arg13: memref<256x128xf32, #tpu.memory_space<vmem>>, %arg14: memref<256x400xf32, #tpu.memory_space<vmem>>) attributes {dimension_semantics = [#tpu.dimension_semantics<arbitrary>], iteration_bounds = array<i64: 4>, scalar_prefetch = 0 : i64, scratch_operands = 0 : i64, tpu.core_type = #tpu.core_type<tc>, window_params = [{transform_indices = @transform_0, window_bounds = array<i64: 256, 128>}, {transform_indices = @transform_1, window_bounds = array<i64: 256, 256>}, {transform_indices = @transform_2, window_bounds = array<i64: 256, 128>}, {pipeline_mode = #tpu.pipeline_mode<synchronous>, transform_indices = @transform_3, window_bounds = array<i64: 128, 256>}, {pipeline_mode = #tpu.pipeline_mode<synchronous>, transform_indices = @transform_4, window_bounds = array<i64: 256, 256>}, {pipeline_mode = #tpu.pipeline_mode<synchronous>, transform_indices = @transform_5, window_bounds = array<i64: 128, 256>}, {pipeline_mode = #tpu.pipeline_mode<synchronous>, transform_indices = @transform_6, window_bounds = array<i64: 1, 256>}, {pipeline_mode = #tpu.pipeline_mode<synchronous>, transform_indices = @transform_7, window_bounds = array<i64: 256, 128>}, {pipeline_mode = #tpu.pipeline_mode<synchronous>, transform_indices = @transform_8, window_bounds = array<i64: 256, 128>}, {pipeline_mode = #tpu.pipeline_mode<synchronous>, transform_indices = @transform_9, window_bounds = array<i64: 1, 128>}, {pipeline_mode = #tpu.pipeline_mode<synchronous>, transform_indices = @transform_10, window_bounds = array<i64: 1, 128>}, {pipeline_mode = #tpu.pipeline_mode<synchronous>, transform_indices = @transform_11, window_bounds = array<i64: 128, 400>}, {transform_indices = @transform_12, window_bounds = array<i64: 256, 128>}, {transform_indices = @transform_13, window_bounds = array<i64: 256, 400>}]} {
    %get3A = arith.constant 0 : index
    %get3A_0 = arith.constant 0 : index
    %get3A_1 = vector.load %arg1[%get3A, %get3A_0] : memref<256x128xf32, #tpu.memory_space<vmem>>, vector<256x128xf32>
    %get3A_2 = arith.constant 0 : index
    %get3A_3 = arith.constant 0 : index
    %get3A_4 = vector.load %arg4[%get3A_2, %get3A_3] : memref<128x256xf32, #tpu.memory_space<vmem>>, vector<128x256xf32>
    %dot_general3A = arith.constant dense<0.000000e+00> : vector<256x256xf32>
    %dot_general3A_5 = tpu.matmul %get3A_1, %get3A_4, %dot_general3A {dimension_numbers = #tpu.dot_dimension_numbers<[1], [0], [0], [1], [0, 0, 1, 1], [], []>, precision = #tpu.contract_precision<fp32>, transpose_lhs_hint = false} : vector<256x128xf32>, vector<128x256xf32>, vector<256x256xf32> -> vector<256x256xf32>
    %get3A_6 = arith.constant 0 : index
    %get3A_7 = arith.constant 0 : index
    %get3A_8 = vector.load %arg2[%get3A_6, %get3A_7] : memref<256x256xf32, #tpu.memory_space<vmem>>, vector<256x256xf32>
    %get3A_9 = arith.constant 0 : index
    %get3A_10 = arith.constant 0 : index
    %get3A_11 = vector.load %arg5[%get3A_9, %get3A_10] : memref<256x256xf32, #tpu.memory_space<vmem>>, vector<256x256xf32>
    %dot_general3A_12 = arith.constant dense<0.000000e+00> : vector<256x256xf32>
    %dot_general3A_13 = tpu.matmul %get3A_8, %get3A_11, %dot_general3A_12 {dimension_numbers = #tpu.dot_dimension_numbers<[1], [0], [0], [1], [0, 0, 1, 1], [], []>, precision = #tpu.contract_precision<fp32>, transpose_lhs_hint = false} : vector<256x256xf32>, vector<256x256xf32>, vector<256x256xf32> -> vector<256x256xf32>
    %add3A = arith.addf %dot_general3A_5, %dot_general3A_13 : vector<256x256xf32>
    %get3A_14 = arith.constant 0 : index
    %get3A_15 = arith.constant 0 : index
    %get3A_16 = vector.load %arg3[%get3A_14, %get3A_15] : memref<256x128xf32, #tpu.memory_space<vmem>>, vector<256x128xf32>
    %get3A_17 = arith.constant 0 : index
    %get3A_18 = arith.constant 0 : index
    %get3A_19 = vector.load %arg6[%get3A_17, %get3A_18] : memref<128x256xf32, #tpu.memory_space<vmem>>, vector<128x256xf32>
    %dot_general3A_20 = arith.constant dense<0.000000e+00> : vector<256x256xf32>
    %dot_general3A_21 = tpu.matmul %get3A_16, %get3A_19, %dot_general3A_20 {dimension_numbers = #tpu.dot_dimension_numbers<[1], [0], [0], [1], [0, 0, 1, 1], [], []>, precision = #tpu.contract_precision<fp32>, transpose_lhs_hint = false} : vector<256x128xf32>, vector<128x256xf32>, vector<256x256xf32> -> vector<256x256xf32>
    %add3A_22 = arith.addf %add3A, %dot_general3A_21 : vector<256x256xf32>
    %get3A_23 = arith.constant 0 : index
    %get3A_24 = arith.constant 0 : index
    %get3A_25 = vector.load %arg7[%get3A_23, %get3A_24] : memref<1x256xf32, #tpu.memory_space<vmem>>, vector<1x256xf32>
    %add3A_26 = vector.broadcast %get3A_25 : vector<1x256xf32> to vector<256x256xf32>
    %add3A_27 = arith.addf %add3A_22, %add3A_26 : vector<256x256xf32>
    %max3A = arith.constant 0.000000e+00 : f32
    %max3A_28 = vector.broadcast %max3A : f32 to vector<256x256xf32>
    %max3A_29 = arith.maximumf %add3A_27, %max3A_28 : vector<256x256xf32>
    %get3A_30 = arith.constant 0 : index
    %get3A_31 = arith.constant 0 : index
    %get3A_32 = vector.load %arg8[%get3A_30, %get3A_31] : memref<256x128xf32, #tpu.memory_space<vmem>>, vector<256x128xf32>
    %dot_general3A_33 = arith.constant dense<0.000000e+00> : vector<256x128xf32>
    %dot_general3A_34 = tpu.matmul %max3A_29, %get3A_32, %dot_general3A_33 {dimension_numbers = #tpu.dot_dimension_numbers<[1], [0], [0], [1], [0, 0, 1, 1], [], []>, precision = #tpu.contract_precision<fp32>, transpose_lhs_hint = false} : vector<256x256xf32>, vector<256x128xf32>, vector<256x128xf32> -> vector<256x128xf32>
    %get3A_35 = arith.constant 0 : index
    %get3A_36 = arith.constant 0 : index
    %get3A_37 = vector.load %arg10[%get3A_35, %get3A_36] : memref<1x128xf32, #tpu.memory_space<vmem>>, vector<1x128xf32>
    %add3A_38 = vector.broadcast %get3A_37 : vector<1x128xf32> to vector<256x128xf32>
    %add3A_39 = arith.addf %dot_general3A_34, %add3A_38 : vector<256x128xf32>
    %swap3A = arith.constant 0 : index
    %swap3A_40 = arith.constant 0 : index
    %swap3A_41 = vector.load %arg13[%swap3A, %swap3A_40] : memref<256x128xf32, #tpu.memory_space<vmem>>, vector<256x128xf32>
    tpu.vector_store %arg13[%swap3A, %swap3A_40], %add3A_39 {strides = array<i32>} : memref<256x128xf32, #tpu.memory_space<vmem>>, vector<256x128xf32>,
    %get3A_42 = arith.constant 0 : index
    %get3A_43 = arith.constant 0 : index
    %get3A_44 = vector.load %arg9[%get3A_42, %get3A_43] : memref<256x128xf32, #tpu.memory_space<vmem>>, vector<256x128xf32>
    %dot_general3A_45 = arith.constant dense<0.000000e+00> : vector<256x128xf32>
    %dot_general3A_46 = tpu.matmul %max3A_29, %get3A_44, %dot_general3A_45 {dimension_numbers = #tpu.dot_dimension_numbers<[1], [0], [0], [1], [0, 0, 1, 1], [], []>, precision = #tpu.contract_precision<fp32>, transpose_lhs_hint = false} : vector<256x256xf32>, vector<256x128xf32>, vector<256x128xf32> -> vector<256x128xf32>
    %get3A_47 = arith.constant 0 : index
    %get3A_48 = arith.constant 0 : index
    %get3A_49 = vector.load %arg11[%get3A_47, %get3A_48] : memref<1x128xf32, #tpu.memory_space<vmem>>, vector<1x128xf32>
    %add3A_50 = vector.broadcast %get3A_49 : vector<1x128xf32> to vector<256x128xf32>
    %add3A_51 = arith.addf %dot_general3A_46, %add3A_50 : vector<256x128xf32>
    %get3A_52 = arith.constant 0 : index
    %get3A_53 = arith.constant 0 : index
    %get3A_54 = vector.load %arg12[%get3A_52, %get3A_53] : memref<128x400xf32, #tpu.memory_space<vmem>>, vector<128x400xf32>
    %dot_general3A_55 = arith.constant dense<0.000000e+00> : vector<256x400xf32>
    %dot_general3A_56 = tpu.matmul %add3A_51, %get3A_54, %dot_general3A_55 {dimension_numbers = #tpu.dot_dimension_numbers<[1], [0], [0], [1], [0, 0, 1, 1], [], []>, precision = #tpu.contract_precision<fp32>, transpose_lhs_hint = false} : vector<256x128xf32>, vector<128x400xf32>, vector<256x400xf32> -> vector<256x400xf32>
    %swap3A_57 = arith.constant 0 : index
    %swap3A_58 = arith.constant 0 : index
    %swap3A_59 = vector.load %arg14[%swap3A_57, %swap3A_58] : memref<256x400xf32, #tpu.memory_space<vmem>>, vector<256x400xf32>
    tpu.vector_store %arg14[%swap3A_57, %swap3A_58], %dot_general3A_56 {strides = array<i32>} : memref<256x400xf32, #tpu.memory_space<vmem>>, vector<256x400xf32>,
    return
  }
  func.func @transform_0(%arg0: i32) -> (i32, i32) {
    %c0_i32 = arith.constant 0 : i32
    %c0_i32_0 = arith.constant 0 : i32
    return %arg0, %c0_i32 : i32, i32
  }
  func.func @transform_1(%arg0: i32) -> (i32, i32) {
    %c0_i32 = arith.constant 0 : i32
    %c0_i32_0 = arith.constant 0 : i32
    return %arg0, %c0_i32 : i32, i32
  }
  func.func @transform_2(%arg0: i32) -> (i32, i32) {
    %c0_i32 = arith.constant 0 : i32
    %c0_i32_0 = arith.constant 0 : i32
    return %arg0, %c0_i32 : i32, i32
  }
  func.func @transform_3(%arg0: i32) -> (i32, i32) {
    %c0_i32 = arith.constant 0 : i32
    %c0_i32_0 = arith.constant 0 : i32
    %c0_i32_1 = arith.constant 0 : i32
    return %c0_i32, %c0_i32_0 : i32, i32
  }
  func.func @transform_4(%arg0: i32) -> (i32, i32) {
    %c0_i32 = arith.constant 0 : i32
    %c0_i32_0 = arith.constant 0 : i32
    %c0_i32_1 = arith.constant 0 : i32
    return %c0_i32, %c0_i32_0 : i32, i32
  }
  func.func @transform_5(%arg0: i32) -> (i32, i32) {
    %c0_i32 = arith.constant 0 : i32
    %c0_i32_0 = arith.constant 0 : i32
    %c0_i32_1 = arith.constant 0 : i32
    return %c0_i32, %c0_i32_0 : i32, i32
  }
  func.func @transform_6(%arg0: i32) -> (i32, i32) {
    %c0_i32 = arith.constant 0 : i32
    %c0_i32_0 = arith.constant 0 : i32
    %c0_i32_1 = arith.constant 0 : i32
    return %c0_i32, %c0_i32_0 : i32, i32
  }
  func.func @transform_7(%arg0: i32) -> (i32, i32) {
    %c0_i32 = arith.constant 0 : i32
    %c0_i32_0 = arith.constant 0 : i32
    %c0_i32_1 = arith.constant 0 : i32
    return %c0_i32, %c0_i32_0 : i32, i32
  }
  func.func @transform_8(%arg0: i32) -> (i32, i32) {
    %c0_i32 = arith.constant 0 : i32
    %c0_i32_0 = arith.constant 0 : i32
    %c0_i32_1 = arith.constant 0 : i32
    return %c0_i32, %c0_i32_0 : i32, i32
  }
  func.func @transform_9(%arg0: i32) -> (i32, i32) {
    %c0_i32 = arith.constant 0 : i32
    %c0_i32_0 = arith.constant 0 : i32
    %c0_i32_1 = arith.constant 0 : i32
    return %c0_i32, %c0_i32_0 : i32, i32
  }
  func.func @transform_10(%arg0: i32) -> (i32, i32) {
    %c0_i32 = arith.constant 0 : i32
    %c0_i32_0 = arith.constant 0 : i32
    %c0_i32_1 = arith.constant 0 : i32
    return %c0_i32, %c0_i32_0 : i32, i32
  }
  func.func @transform_11(%arg0: i32) -> (i32, i32) {
    %c0_i32 = arith.constant 0 : i32
    %c0_i32_0 = arith.constant 0 : i32
    %c0_i32_1 = arith.constant 0 : i32
    return %c0_i32, %c0_i32_0 : i32, i32
  }
  func.func @transform_12(%arg0: i32) -> (i32, i32) {
    %c0_i32 = arith.constant 0 : i32
    %c0_i32_0 = arith.constant 0 : i32
    return %arg0, %c0_i32 : i32, i32
  }
  func.func @transform_13(%arg0: i32) -> (i32, i32) {
    %c0_i32 = arith.constant 0 : i32
    %c0_i32_0 = arith.constant 0 : i32
    return %arg0, %c0_i32 : i32, i32
  }
}

module attributes {stable_mosaic.version = 14 : i64} {
  func.func @body(%arg0: i32, %arg1: memref<256x208xf32, #tpu.memory_space<vmem>>, %arg2: memref<256x200xf32, #tpu.memory_space<vmem>>, %arg3: memref<256x200xf32, #tpu.memory_space<vmem>>, %arg4: memref<256x1xf32, #tpu.memory_space<vmem>>) attributes {dimension_semantics = [#tpu.dimension_semantics<arbitrary>], iteration_bounds = array<i64: 4>, scalar_prefetch = 0 : i64, scratch_operands = 0 : i64, tpu.core_type = #tpu.core_type<tc>, window_params = [{transform_indices = @transform_0, window_bounds = array<i64: 256, 208>}, {transform_indices = @transform_1, window_bounds = array<i64: 256, 200>}, {transform_indices = @transform_2, window_bounds = array<i64: 256, 200>}, {transform_indices = @transform_3, window_bounds = array<i64: 256, 1>}]} {
    %get3A = arith.constant 0 : index
    %get3A_0 = arith.constant 0 : index
    %get3A_1 = vector.load %arg1[%get3A, %get3A_0] : memref<256x208xf32, #tpu.memory_space<vmem>>, vector<256x208xf32>
    %slice3A = vector.extract_strided_slice %get3A_1 {offsets = [0, 0], sizes = [256, 200], strides = [1, 1]} : vector<256x208xf32> to vector<256x200xf32>
    %get3A_2 = arith.constant 0 : index
    %get3A_3 = arith.constant 0 : index
    %get3A_4 = vector.load %arg2[%get3A_2, %get3A_3] : memref<256x200xf32, #tpu.memory_space<vmem>>, vector<256x200xf32>
    %sub3A = arith.constant 1.000000e+00 : f32
    %sub3A_5 = vector.broadcast %sub3A : f32 to vector<256x200xf32>
    %sub3A_6 = arith.subf %sub3A_5, %get3A_4 : vector<256x200xf32>
    %mul3A = arith.constant 1.000000e+31 : f32
    %mul3A_7 = vector.broadcast %mul3A : f32 to vector<256x200xf32>
    %mul3A_8 = arith.mulf %sub3A_6, %mul3A_7 : vector<256x200xf32>
    %sub3A_9 = arith.subf %slice3A, %mul3A_8 : vector<256x200xf32>
    %reduce_max3A = arith.constant dense<0xFF800000> : vector<256xf32>
    %reduce_max3A_10 = vector.multi_reduction <maximumf>, %sub3A_9, %reduce_max3A [1] : vector<256x200xf32> to vector<256xf32>
    %broadcast_in_dim3A = vector.shape_cast %reduce_max3A_10 : vector<256xf32> to vector<256x1xf32>
    %sub3A_11 = vector.broadcast %broadcast_in_dim3A : vector<256x1xf32> to vector<256x200xf32>
    %sub3A_12 = arith.subf %sub3A_9, %sub3A_11 : vector<256x200xf32>
    %exp3A = math.exp %sub3A_12 : vector<256x200xf32>
    %reduce_sum3A = arith.constant dense<0.000000e+00> : vector<256xf32>
    %reduce_sum3A_13 = vector.multi_reduction <add>, %exp3A, %reduce_sum3A [1] : vector<256x200xf32> to vector<256xf32>
    %broadcast_in_dim3A_14 = vector.shape_cast %reduce_sum3A_13 : vector<256xf32> to vector<256x1xf32>
    %div3A = vector.broadcast %broadcast_in_dim3A_14 : vector<256x1xf32> to vector<256x200xf32>
    %div3A_15 = arith.divf %exp3A, %div3A : vector<256x200xf32>
    %swap3A = arith.constant 0 : index
    %swap3A_16 = arith.constant 0 : index
    %swap3A_17 = vector.load %arg3[%swap3A, %swap3A_16] : memref<256x200xf32, #tpu.memory_space<vmem>>, vector<256x200xf32>
    tpu.vector_store %arg3[%swap3A, %swap3A_16], %div3A_15 {strides = array<i32>} : memref<256x200xf32, #tpu.memory_space<vmem>>, vector<256x200xf32>,
    %add3A = arith.constant 9.99999968E-21 : f32
    %add3A_18 = vector.broadcast %add3A : f32 to vector<256x200xf32>
    %add3A_19 = arith.addf %div3A_15, %add3A_18 : vector<256x200xf32>
    %log3A = math.log %add3A_19 : vector<256x200xf32>
    %mul3A_20 = arith.mulf %div3A_15, %log3A : vector<256x200xf32>
    %reduce_sum3A_21 = arith.constant dense<0.000000e+00> : vector<256xf32>
    %reduce_sum3A_22 = vector.multi_reduction <add>, %mul3A_20, %reduce_sum3A_21 [1] : vector<256x200xf32> to vector<256xf32>
    %broadcast_in_dim3A_23 = vector.shape_cast %reduce_sum3A_22 : vector<256xf32> to vector<256x1xf32>
    %neg3A = arith.constant 0.000000e+00 : f32
    %neg3A_24 = vector.broadcast %neg3A : f32 to vector<256x1xf32>
    %neg3A_25 = arith.subf %neg3A_24, %broadcast_in_dim3A_23 : vector<256x1xf32>
    %swap3A_26 = arith.constant 0 : index
    %swap3A_27 = arith.constant 0 : index
    %swap3A_28 = vector.load %arg4[%swap3A_26, %swap3A_27] : memref<256x1xf32, #tpu.memory_space<vmem>>, vector<256x1xf32>
    tpu.vector_store %arg4[%swap3A_26, %swap3A_27], %neg3A_25 {strides = array<i32>} : memref<256x1xf32, #tpu.memory_space<vmem>>, vector<256x1xf32>,
    return
  }
  func.func @transform_0(%arg0: i32) -> (i32, i32) {
    %c0_i32 = arith.constant 0 : i32
    %c0_i32_0 = arith.constant 0 : i32
    return %arg0, %c0_i32 : i32, i32
  }
  func.func @transform_1(%arg0: i32) -> (i32, i32) {
    %c0_i32 = arith.constant 0 : i32
    %c0_i32_0 = arith.constant 0 : i32
    return %arg0, %c0_i32 : i32, i32
  }
  func.func @transform_2(%arg0: i32) -> (i32, i32) {
    %c0_i32 = arith.constant 0 : i32
    %c0_i32_0 = arith.constant 0 : i32
    return %arg0, %c0_i32 : i32, i32
  }
  func.func @transform_3(%arg0: i32) -> (i32, i32) {
    %c0_i32 = arith.constant 0 : i32
    %c0_i32_0 = arith.constant 0 : i32
    return %arg0, %c0_i32 : i32, i32
  }
}

</mosaic_0001>

<sc_bundles>
// kernel: kernel.6.cloned.1.call-start
scs
__scs_entry_jumppad:
0x0: {  	(pc) =	sbr.rel $0x88, $3  }
0x1: {  	(tag) =	ssettag $0x0;
	lr =	simm.s32 $0x1  }
0x2: {  	[smem:$0x3F95] =	sst lr;
	_ =	strace $0xD0000000  }
0x3: {  	_ = 	snop  }
0x4: {  	_ = 	snop  }
0x5: {  	_ = 	snop  }
0x6: {  	_ = 	snop  }
0x7: {  	_ = 	snop  }
__scs_overlays_trampoline_lowered:
0x8: {  	[smem:$0x3FA4] =	sst s0  }
0x9: {  	[smem:$0x3FA5] =	sst s1  }
0xa: {  	[smem:$0x3FA6] =	sst s2  }
0xb: {  	[smem:$0x3FA7] =	sst s3  }
0xc: {  	[smem:$0x3FA8] =	sst s4  }
0xd: {  	[smem:$0x3FA9] =	sst s5  }
0xe: {  	[smem:$0x3FAA] =	sst s6  }
0xf: {  	[smem:$0x3FAB] =	sst s7  }
0x10: {  	[smem:$0x3FAC] =	sst s8  }
0x11: {  	[smem:$0x3FAD] =	sst s9;
	s0 =	simm.s32 @!p0 $0x0  }
0x12: {  	s1 =	sld [smem:$0x3F93];
	s0 =	simm.s32 @p0 $0x1  }
0x13: {  	[smem:$0x3FAE] =	sst s0;
	s0 =	simm.s32 @!p1 $0x0  }
0x14: {  	s2 =	sld [smem:$0x3F92];
	s0 =	simm.s32 @p1 $0x1  }
0x15: {  	[smem:$0x3FAF] =	sst s0;
	s0 =	simm.s32 @!p2 $0x0  }
0x16: {  	s3 =	sld [smem:$0x3FDB];
	s0 =	simm.s32 @p2 $0x1  }
0x17: {  	s4 =	simm.s32 $0x1BF5;
	[smem:$0x3FB1] =	sst s0  }
0x18: {  	s0 =	sld [smem:$0x3F94];
	_ =	swait.ge [sflag:s4], $0x0  }
0x19: {  	s7 =	sld [smem:$0x3F95]  }
0x1a: {  	s8 =	sadd.s32 $0xFFFFE003, lr  }
0x1b: {  	s9 =	sadd.s32 $0xFFFFFEF7, lr;
	s5 =	simm.s32 $0xFFFFFFFF;
	p2 =	slt.u32 s8, $0xFFFFF086  }
0x1c: {  	p1 =	slt.u32 s9, $0xF7A;
	s5 =	simm.s32 @!p2 $0x0  }
0x1d: {  	s5 =	simm.s32 @p1 $0x1;
	p0 =	seq.s32 s7, s2  }
0x1e: {  	s7 =	smul.u32 @!p0 $0xF7A, s2;
	p2 =	seq.s32 @!p0 s5, $0x0  }
0x1f: {  	s9 =	smul.u32 $0xF7A, s1;
	s8 =	simm.s32 @!p0 $0x1BF5;
	p2 =	por !p2, p0  }
0x20: {  	[sflag:s8] =	ssyncset.s32 @!p0 $0xFFFFF086;
	s6 =	sadd.s32 @!p0 s3, s7;
	s7 =	simm.s32 @!p0 $0x108  }
0x21: {  	s3 =	sadd.s32 s3, s9;
	s6 =	sadd.s32 @!p0 $0x88, s6;
	s7 =	simm.s32 @p2 $0x1082  }
0x22: {  	[simem:s7], [sflag:s8] =	dma.local @!p0 [hbm:s6], $0xF7A  }
0x23: {  	s9 =	sor.u32 $0xD0000000, s2;
	s6 =	simm.s32 $0x108;
	_ =	swait.ge @!p0 [sflag:s8], $0x0  }
0x24: {  	s3 =	sadd.s32 $0x88, s3;
	s6 =	simm.s32 @!p1 $0x1082;
	[sflag:s4] =	ssyncset.s32 $0xFFFFF086  }
0x25: {  	[simem:s6], [sflag:s4] =	dma.local [hbm:s3], $0xF7A  }
0x26: {  	[smem:$0x3F95] =	sst s1;
	(tag) =	ssettag s2;
	_ =	strace s9  }
0x27: {  	s1 =	sld [smem:$0x3FA5]  }
0x28: {  	s2 =	sld [smem:$0x3FA6]  }
0x29: {  	s4 =	sld [smem:$0x3FA8]  }
0x2a: {  	p0 =	seq.s32 s5, $0x0;
	s5 =	sld [smem:$0x3FA9]  }
0x2b: {  	s6 =	sld [smem:$0x3FAA]  }
0x2c: {  	s7 =	sld [smem:$0x3FAB]  }
0x2d: {  	s3 =	simm.s32 $0x108;
	s8 =	sld [smem:$0x3FAC]  }
0x2e: {  	s3 =	simm.s32 @!p0 $0x1082;
	s9 =	sld [smem:$0x3FAD]  }
0x2f: {  	lr =	sadd.s32 s0, s3;
	s0 =	sld [smem:$0x3FA4]  }
0x30: {  	s3 =	sld [smem:$0x3FA7]  }
0x31: {  	[smem:$0x3FB0] =	sst s10  }
0x32: {  	s10 =	sld [smem:$0x3FAE];
	_ =	sdelay $0x3  }
0x33: {  	p0 =	seq.s32 s10, $0x1;
	s10 =	sld [smem:$0x3FB0];
	_ =	sdelay $0x3  }
0x34: {  	[smem:$0x3FB0] =	sst s10  }
0x35: {  	s10 =	sld [smem:$0x3FAF];
	_ =	sdelay $0x3  }
0x36: {  	p1 =	seq.s32 s10, $0x1;
	s10 =	sld [smem:$0x3FB0];
	_ =	sdelay $0x3  }
0x37: {  	[smem:$0x3FB0] =	sst s10  }
0x38: {  	s10 =	sld [smem:$0x3FB1]  }
0x39: {  	_ = 	snop;
	(pc) =	sbr.ind lr, $3  }
0x3a: {  	_ = 	snop  }
0x3b: {  	_ = 	snop  }
0x3c: {  	p2 =	seq.s32 s10, $0x1;
	s10 =	sld [smem:$0x3FB0]  }
0x3d: {  	_ =	shalt  }
0x3e: {  	_ =	shalt  }
0x3f: {  	_ =	shalt  }
0x40: {  	_ =	shalt  }
0x41: {  	_ =	shalt  }
0x42: {  	_ =	shalt  }
0x43: {  	_ =	shalt  }
0x44: {  	_ =	shalt  }
0x45: {  	_ =	shalt  }
0x46: {  	_ =	shalt  }
0x47: {  	_ =	shalt  }
0x48: {  	_ =	shalt  }
0x49: {  	_ =	shalt  }
0x4a: {  	_ =	shalt  }
0x4b: {  	_ =	shalt  }
0x4c: {  	_ =	shalt  }
0x4d: {  	_ =	shalt  }
0x4e: {  	_ =	shalt  }
0x4f: {  	_ =	shalt  }
0x50: {  	_ =	shalt  }
0x51: {  	_ =	shalt  }
0x52: {  	_ =	shalt  }
0x53: {  	_ =	shalt  }
0x54: {  	_ =	shalt  }
0x55: {  	_ =	shalt  }
0x56: {  	_ =	shalt  }
0x57: {  	_ =	shalt  }
0x58: {  	_ =	shalt  }
0x59: {  	_ =	shalt  }
0x5a: {  	_ =	shalt  }
0x5b: {  	_ =	shalt  }
0x5c: {  	_ =	shalt  }
0x5d: {  	_ =	shalt  }
0x5e: {  	_ =	shalt  }
0x5f: {  	_ =	shalt  }
0x60: {  	_ =	shalt  }
0x61: {  	_ =	shalt  }
0x62: {  	_ =	shalt  }
0x63: {  	_ =	shalt  }
0x64: {  	_ =	shalt  }
0x65: {  	_ =	shalt  }
0x66: {  	_ =	shalt  }
0x67: {  	_ =	shalt  }
0x68: {  	_ =	shalt  }
0x69: {  	_ =	shalt  }
0x6a: {  	_ =	shalt  }
0x6b: {  	_ =	shalt  }
0x6c: {  	_ =	shalt  }
0x6d: {  	_ =	shalt  }
0x6e: {  	_ =	shalt  }
0x6f: {  	_ =	shalt  }
0x70: {  	_ =	shalt  }
0x71: {  	_ =	shalt  }
0x72: {  	_ =	shalt  }
0x73: {  	_ =	shalt  }
0x74: {  	_ =	shalt  }
0x75: {  	_ =	shalt  }
0x76: {  	_ =	shalt  }
0x77: {  	_ =	shalt  }
0x78: {  	_ =	shalt  }
0x79: {  	_ =	shalt  }
0x7a: {  	_ =	shalt  }
0x7b: {  	_ =	shalt  }
0x7c: {  	_ =	shalt  }
0x7d: {  	_ =	shalt  }
0x7e: {  	_ =	shalt  }
0x7f: {  	_ =	shalt  }
0x80: {  	_ =	shalt  }
0x81: {  	_ =	shalt  }
0x82: {  	_ =	shalt  }
0x83: {  	_ =	shalt  }
0x84: {  	_ =	shalt  }
0x85: {  	_ =	shalt  }
0x86: {  	_ =	shalt  }
0x87: {  	_ =	shalt  }
.Lfunc_end0:
.L_simem_size_0:
called_computation_lowered:
.L_overlay_start_0:
0x88: {  	s2 =	sld [smem:$0x3FD9]  }
0x89: {  	s3 =	sld [smem:$0x3FFE];
	_ =	sdelay $0x1  }
0x8a: {  	s1 =	srdreg.scid  }
0x8b: {  	s0 =	sand.u32 $0x1, s1  }
0x8c: {  	s17 =	sshll.u32 s0, $0xA;
	s2 =	sadd.s32 s3, s2  }
0x8d: {  	s2 =	sadd.s32 s2, s17  }
0x8e: {  	[smem:$0x3FBC] =	sst s2  }
0x8f: {  	_ = 	snop  }
0x90: {  	s2 =	sld [smem:$0x3FC9]  }
0x91: {  	s18 =	sld [smem:$0x3FC8]  }
0x92: {  	s4 =	sld [smem:$0x3FC3]  }
0x93: {  	s5 =	sld [smem:$0x3FC2];
	(tm) =	ssettm $0x1  }
0x94: {  	s6 =	sld [smem:$0x3FFB];
	_ =	sdelay $0x3  }
0x95: {  	_ =	strace s6  }
0x96: {  	s6 =	sld [smem:$0x3FFC];
	_ =	sdelay $0x3  }
0x97: {  	_ =	strace s6  }
0x98: {  	s6 =	sld [smem:$0x3FFD];
	_ =	sdelay $0x3  }
0x99: {  	_ =	strace s6  }
0x9a: {  	_ =	strace $0x8FFFFFFF  }
0x9b: {  	s19 =	sld [smem:$0x3FDB];
	_ =	sdelay $0x1  }
0x9c: {  	s7 =	simm.s32 $_scs_section_size  }
0x9d: {  	s8 =	simm.s32 $_size__tile_overlayer_lowered;
	s9 =	simm.s32 $_tile_overlayer_lowered  }
0x9e: {  	s22 =	simm.s32 $0x1BFF;
	s21 =	sshll.u32 s9, $0x1;
	s6 =	sadd.s32 s7, s19  }
0x9f: {  	s10 =	simm.s32 $0x0;
	s20 =	sshll.u32 s8, $0x1;
	s8 =	sadd.s32 s21, s6  }
0xa0: {  	[timem:s10], [sflag:s22] =	dma.local [hbm:s8], s20  }
0xa1: {  	_ =	swait.ge [sflag:s22], s20  }
0xa2: {  	s7 =	ssub.s32 $0x0, s20;
	[sflag:s22] =	ssyncset.done $0x0  }
0xa3: {  	[sflag:s22] =	ssyncadd.s32 s7;
	_ =	sdelay $0x1  }
0xa4: {  	s23 =	simm.s32 $0x1B8B  }
0xa5: {  	_ =	swait.ge [sflag:s23], $0x1  }
0xa6: {  	[sflag:s23] =	ssyncset.done $0x0  }
0xa7: {  	s25 =	simm.s32 $0x1B8E;
	s24 =	sld [smem:$0x3FFE];
	[sflag:s23] =	ssyncadd.s32 $0xFFFFFFFF  }
0xa8: {  	s26 =	simm.s32 $execute0_lowered;
	[smem:$0x3FD2] =	sst s25  }
0xa9: {  	s8 =	sshll.u32 s26, $0x1;
	_ =	strace $0x80000046;
	[dreg:$0x1] =	wrdreg $0xFFFFFFFF  }
0xaa: {  	s28 =	simm.s32 $_size_execute0_lowered;
	s6 =	sadd.s32 s6, s8;
	[dreg:$0x0] =	wrdreg $0x0  }
0xab: {  	s8 =	sshll.u32 s28, $0x1;
	[dreg:$0x2] =	wrdreg s6  }
0xac: {  	[dreg:$0x3] =	wrdreg s8  }
0xad: {  	[dreg:$0x4] =	wrdreg $0xC0  }
0xae: {  	_ =	task [dreg:s10], $0x5FFFF  }
0xaf: {  	[dreg:$0x1] =	wrdreg $0xFFFFFFFF  }
0xb0: {  	[dreg:$0x0] =	wrdreg $0x60  }
0xb1: {  	[dreg:$0x2] =	wrdreg s2  }
0xb2: {  	[dreg:$0x3] =	wrdreg s18  }
0xb3: {  	[dreg:$0x4] =	wrdreg s4  }
0xb4: {  	[dreg:$0x5] =	wrdreg s5  }
0xb5: {  	[dreg:$0x6] =	wrdreg s24  }
0xb6: {  	[dreg:$0x7] =	wrdreg $0x9  }
0xb7: {  	_ =	task.clear_ibuf [dreg:s10], $0x8FFFF;
	_ =	strace $0x90000046  }
0xb8: {  	s29 =	simm.s32 $0x9;
	_ =	strace $0x80000048  }
0xb9: {  	_ =	swait.ge [sflag:s29], $0x1  }
0xba: {  	[sflag:s29] =	ssyncadd.s32 $0xFFFFFFFF  }
0xbb: {  	_ =	strace $0x90000048  }
0xbc: {  	_ =	sfence  }
0xbd: {  	s30 =	sld [smem:$0x0];
	_ =	sdelay $0x2  }
0xbe: {  	s31 =	sshll.u32 s1, $0xD;
	s1 =	sshrl.u32 s1, $0x2  }
0xbf: {  	s3 =	sand.u32 $0x4000, s31;
	s1 =	sadd.s32 s1, s30  }
0xc0: {  	s0 =	sor.u32 s3, s0;
	s1 =	sshll.u32 s1, $0x11  }
0xc1: {  	s0 =	sor.u32 s1, s0  }
0xc2: {  	s0 =	sadd.s32 $0x8F2B, s0  }
0xc3: {  	[sflag:s0] =	ssyncadd.remote.s32 $0x1  }
0xc4: {  	_ =	sfence.sel $0xFFFF  }
0xc5: {  	[dreg:$0x0] =	wrdreg $0xFFFFFFFF;
	(pc) =	sbr.abs _section_cstart, $3  }
0xc6: {  	[dreg:$0x1] =	wrdreg $0xFFFFFFFF  }
0xc7: {  	_ =	task.clear_ibuf [dreg:s10], $0x2FFFF;
	_ =	strace $0x9FFFFFFF  }
0xc8: {  	(tm) =	ssettm $0x7FFFFFFF  }
0xc9: {  	_ =	shalt  }
tec
execute0_lowered:
.L_overlay_start_1:
0x0: {  	(tag) =	ssettag $0x1  }
0x1: {  	s5 =	rddreg [dreg:$0x0]  }
0x2: {  	s7 =	rddreg [dreg:$0x1]  }
0x3: {  	s1 =	rddreg [dreg:$0x2];
	s2 =	srdreg.scid  }
0x4: {  	s3 =	rddreg [dreg:$0x3];
	s0 =	stileid.u32;
	s14 =	sand.u32 $0x1, s2  }
0x5: {  	s15 =	rddreg [dreg:$0x4];
	s6 =	sshll.u32 s0, $0x6;
	s8 =	sshll.u32 s14, $0x5  }
0x6: {  	s4 =	simm.s32 $0x0;
	s2 =	rddreg [dreg:$0x5];
	s16 =	sor.u32 s8, s6  }
0x7: {  	[smem:$0x7FF] =	sst s4;
	s8 =	sshrl.u32 s16, $0x3  }
0x8: {  	_ =	strace $0x80000047;
	s6 =	sadd.s32 s5, s8;
	s5 =	simm.s32 $0x3  }
0x9: {  	[tilespmem:s4], [sflag:$0x3] =	stream.linear.gather [hbm4b:s6+s4], $0x20, $0x38;
	[tilespmem:$0x2100] =	vst v63  }
0xa: {  	_ =	swait.ge [sflag:s5], $0x20  }
0xb: {  	[sflag:s5] =	ssyncset.done $0x0  }
0xc: {  	s7 =	sadd.s32 s7, s8;
	s8 =	simm.s32 $0x1080;
	[sflag:s5] =	ssyncadd.s32 $0xFFFFFFE0  }
0xd: {  	[tilespmem:s8], [sflag:$0x3] =	stream.linear.gather [hbm4b:s7+s4], $0x20, $0x38;
	[tilespmem:$0x2100] =	vst v63  }
0xe: {  	_ =	swait.ge [sflag:s5], $0x20  }
0xf: {  	[sflag:s5] =	ssyncset.done $0x0  }
0x10: {  	s9 =	simm.s32 $0x20;
	s10 =	simm.s32 $0x80;
	[sflag:s5] =	ssyncadd.s32 $0xFFFFFFE0  }
0x11: {  	[tilespmem:s10], [sflag:$0x1] =	stream.indirect.gather [hbm4b:s1+s9], $0x80, s4, s9, $0xb8;
	[tilespmem:$0x2100] =	vst v63  }
0x12: {  	s11 =	simm.s32 $0x1100;
	s12 =	simm.s32 $0x1  }
0x13: {  	[tilespmem:s11], [sflag:$0x2] =	stream.indirect.gather [hbm4b:s3+s9], $0x80, s8, s9, $0xb8;
	[tilespmem:$0x2100] =	vst v63  }
0x14: {  	_ =	swait.ge [sflag:s12], $0x1000  }
0x15: {  	[sflag:s12] =	ssyncset.done $0x0  }
0x16: {  	s13 =	simm.s32 $0x2;
	s31 =	ssub.s32 $0x2, s14;
	[sflag:s12] =	ssyncadd.s32 $0xFFFFF000  }
0x17: {  	s17 =	sshrl.u32 s31, $0x1;
	s16 =	sshll.u32 s16, $0x4;
	_ =	swait.ge [sflag:s13], $0x1000  }
0x18: {  	s15 =	sadd.s32 s16, s15;
	s16 =	ssub.s32 s31, s17;
	[sflag:s13] =	ssyncset.done $0x0  }
0x19: {  	s14 =	sadd.s32 $0x2A00, s15;
	s16 =	smax.u32 s16, $0x1;
	[sflag:s13] =	ssyncadd.s32 $0xFFFFF000  }
0x1a: {  	[hbm4b:s14+s4] =	stream.linear.scatter [tilespmem:s10], [sflag:$0x3], $0x1000, $0x38;
	[tilespmem:$0x2100] =	vst v63  }
0x1b: {  	p0 =	sne.s32 s16, $0x1;
	_ =	swait.ge [sflag:s5], $0x1000  }
.Ltmp0:
0x1c: {  	[sflag:s5] =	ssyncset.done $0x0;
	(pc) =	sbr.rel @!p0 .LBB2_2-.Ltmp0, $4  }
0x1d: {  	s15 =	sadd.s32 $0x6A00, s15;
	[sflag:s5] =	ssyncadd.s32 $0xFFFFF000  }
0x1e: {  	[hbm4b:s15+s4] =	stream.linear.scatter [tilespmem:s11], [sflag:$0x3], $0x1000, $0x38;
	[tilespmem:$0x2100] =	vst v63  }
0x1f: {  	_ =	swait.ge [sflag:s5], $0x1000  }
0x20: {  	s16 =	sadd.s32 $0xFFFFFFFF, s16;
	[sflag:s5] =	ssyncset.done $0x0  }
.LBB2_1:
0x21: {  	p0 =	sne.s32 s16, $0x1;
	s16 =	sadd.s32 $0xFFFFFFFF, s16;
	[sflag:s5] =	ssyncadd.s32 $0xFFFFF000  }
0x22: {  	[tilespmem:s4], [sflag:$0x3] =	stream.linear.gather [hbm4b:s6+s4], $0x20, $0x38;
	[tilespmem:$0x2100] =	vst v63  }
0x23: {  	_ =	swait.ge [sflag:s5], $0x20  }
0x24: {  	[sflag:s5] =	ssyncset.done $0x0  }
0x25: {  	[sflag:s5] =	ssyncadd.s32 $0xFFFFFFE0  }
0x26: {  	[tilespmem:s8], [sflag:$0x3] =	stream.linear.gather [hbm4b:s7+s4], $0x20, $0x38;
	[tilespmem:$0x2100] =	vst v63  }
0x27: {  	_ =	swait.ge [sflag:s5], $0x20  }
0x28: {  	[sflag:s5] =	ssyncset.done $0x0  }
0x29: {  	[sflag:s5] =	ssyncadd.s32 $0xFFFFFFE0  }
0x2a: {  	[tilespmem:s10], [sflag:$0x1] =	stream.indirect.gather [hbm4b:s1+s9], $0x80, s4, s9, $0xb8;
	[tilespmem:$0x2100] =	vst v63  }
0x2b: {  	_ = 	snop  }
0x2c: {  	[tilespmem:s11], [sflag:$0x2] =	stream.indirect.gather [hbm4b:s3+s9], $0x80, s8, s9, $0xb8;
	[tilespmem:$0x2100] =	vst v63  }
0x2d: {  	_ =	swait.ge [sflag:s12], $0x1000  }
0x2e: {  	[sflag:s12] =	ssyncset.done $0x0  }
0x2f: {  	[sflag:s12] =	ssyncadd.s32 $0xFFFFF000  }
0x30: {  	_ =	swait.ge [sflag:s13], $0x1000  }
0x31: {  	[sflag:s13] =	ssyncset.done $0x0  }
0x32: {  	[sflag:s13] =	ssyncadd.s32 $0xFFFFF000  }
0x33: {  	[hbm4b:s14+s4] =	stream.linear.scatter [tilespmem:s10], [sflag:$0x3], $0x1000, $0x38;
	[tilespmem:$0x2100] =	vst v63  }
0x34: {  	_ =	swait.ge [sflag:s5], $0x1000  }
.Ltmp1:
0x35: {  	[sflag:s5] =	ssyncset.done $0x0;
	(pc) =	sbr.rel @p0 .LBB2_1-.Ltmp1, $4  }
0x36: {  	[sflag:s5] =	ssyncadd.s32 $0xFFFFF000  }
0x37: {  	[hbm4b:s15+s4] =	stream.linear.scatter [tilespmem:s11], [sflag:$0x3], $0x1000, $0x38;
	[tilespmem:$0x2100] =	vst v63  }
0x38: {  	_ =	swait.ge [sflag:s5], $0x1000  }
0x39: {  	[sflag:s5] =	ssyncset.done $0x0  }
.LBB2_2:
0x3a: {  	[sflag:s5] =	ssyncadd.s32 $0xFFFFF000  }
0x3b: {  	_ =	sfence.sel $0x180000  }
0x3c: {  	[bflag:$0x0] =	sbarrier.arrive $0xFFFF  }
0x3d: {  	p0 =	sne.s32 s0, $0x0;
	_ =	strace $0x90000047  }
0x3e: {  	s0 =	sadd.s32 @!p0 $0x100000, s2;
	[bflag:$0x2] =	sbarrier.arrive $0xFFFF  }
0x3f: {  	[sflag:s0] =	ssyncadd.tile.s32 @!p0 $0x1;
	_ =	shalt  }
.Lfunc_end2:
_tile_overlayer_lowered:
.L_overlay_start_2:
0x40: {  	(tag) =	ssettag $0x2  }
0x41: {  	s0 =	rddreg [dreg:$0x0];
	s2 =	stileid.u32  }
0x42: {  	s1 =	rddreg [dreg:$0x1];
	p0 =	sne.s32 s2, $0x0  }
0x43: {  	s3 =	rddreg [dreg:$0x2];
	[bflag:$0x3] =	sbarrier.arrive $0xFFFF;
	s2 =	simm.s32 @!p0 $0x1C03  }
0x44: {  	[timem:s3], [sflag:s2] =	dma.local @!p0 [hbm:s0], s1  }
0x45: {  	s0 =	simm.s32 @!p0 $0x3  }
0x46: {  	_ =	swait.ge @!p0 [sflag:s0], s1  }
0x47: {  	s1 =	ssub.s32 @!p0 $0x0, s1;
	[sflag:s0] =	ssyncset.done @!p0 $0x0  }
0x48: {  	[sflag:s0] =	ssyncadd.s32 @!p0 s1  }
0x49: {  	[bflag:$0x3] =	sbarrier.arrive $0xFFFF  }
0x4a: {  	_ =	shalt  }

// kernel: kernel.9.cloned.1.call-start
scs
__scs_entry_jumppad:
0x0: {  	(pc) =	sbr.rel $0x88, $3  }
0x1: {  	(tag) =	ssettag $0x0;
	lr =	simm.s32 $0x1  }
0x2: {  	[smem:$0x3F95] =	sst lr;
	_ =	strace $0xD0000000  }
0x3: {  	_ = 	snop  }
0x4: {  	_ = 	snop  }
0x5: {  	_ = 	snop  }
0x6: {  	_ = 	snop  }
0x7: {  	_ = 	snop  }
__scs_overlays_trampoline_lowered:
0x8: {  	[smem:$0x3FA4] =	sst s0  }
0x9: {  	[smem:$0x3FA5] =	sst s1  }
0xa: {  	[smem:$0x3FA6] =	sst s2  }
0xb: {  	[smem:$0x3FA7] =	sst s3  }
0xc: {  	[smem:$0x3FA8] =	sst s4  }
0xd: {  	[smem:$0x3FA9] =	sst s5  }
0xe: {  	[smem:$0x3FAA] =	sst s6  }
0xf: {  	[smem:$0x3FAB] =	sst s7  }
0x10: {  	[smem:$0x3FAC] =	sst s8  }
0x11: {  	[smem:$0x3FAD] =	sst s9;
	s0 =	simm.s32 @!p0 $0x0  }
0x12: {  	s1 =	sld [smem:$0x3F93];
	s0 =	simm.s32 @p0 $0x1  }
0x13: {  	[smem:$0x3FAE] =	sst s0;
	s0 =	simm.s32 @!p1 $0x0  }
0x14: {  	s2 =	sld [smem:$0x3F92];
	s0 =	simm.s32 @p1 $0x1  }
0x15: {  	[smem:$0x3FAF] =	sst s0;
	s0 =	simm.s32 @!p2 $0x0  }
0x16: {  	s3 =	sld [smem:$0x3FDB];
	s0 =	simm.s32 @p2 $0x1  }
0x17: {  	s4 =	simm.s32 $0x1BF5;
	[smem:$0x3FB1] =	sst s0  }
0x18: {  	s0 =	sld [smem:$0x3F94];
	_ =	swait.ge [sflag:s4], $0x0  }
0x19: {  	s7 =	sld [smem:$0x3F95]  }
0x1a: {  	s8 =	sadd.s32 $0xFFFFE003, lr  }
0x1b: {  	s9 =	sadd.s32 $0xFFFFFEF7, lr;
	s5 =	simm.s32 $0xFFFFFFFF;
	p2 =	slt.u32 s8, $0xFFFFF086  }
0x1c: {  	p1 =	slt.u32 s9, $0xF7A;
	s5 =	simm.s32 @!p2 $0x0  }
0x1d: {  	s5 =	simm.s32 @p1 $0x1;
	p0 =	seq.s32 s7, s2  }
0x1e: {  	s7 =	smul.u32 @!p0 $0xF7A, s2;
	p2 =	seq.s32 @!p0 s5, $0x0  }
0x1f: {  	s9 =	smul.u32 $0xF7A, s1;
	s8 =	simm.s32 @!p0 $0x1BF5;
	p2 =	por !p2, p0  }
0x20: {  	[sflag:s8] =	ssyncset.s32 @!p0 $0xFFFFF086;
	s6 =	sadd.s32 @!p0 s3, s7;
	s7 =	simm.s32 @!p0 $0x108  }
0x21: {  	s3 =	sadd.s32 s3, s9;
	s6 =	sadd.s32 @!p0 $0x88, s6;
	s7 =	simm.s32 @p2 $0x1082  }
0x22: {  	[simem:s7], [sflag:s8] =	dma.local @!p0 [hbm:s6], $0xF7A  }
0x23: {  	s9 =	sor.u32 $0xD0000000, s2;
	s6 =	simm.s32 $0x108;
	_ =	swait.ge @!p0 [sflag:s8], $0x0  }
0x24: {  	s3 =	sadd.s32 $0x88, s3;
	s6 =	simm.s32 @!p1 $0x1082;
	[sflag:s4] =	ssyncset.s32 $0xFFFFF086  }
0x25: {  	[simem:s6], [sflag:s4] =	dma.local [hbm:s3], $0xF7A  }
0x26: {  	[smem:$0x3F95] =	sst s1;
	(tag) =	ssettag s2;
	_ =	strace s9  }
0x27: {  	s1 =	sld [smem:$0x3FA5]  }
0x28: {  	s2 =	sld [smem:$0x3FA6]  }
0x29: {  	s4 =	sld [smem:$0x3FA8]  }
0x2a: {  	p0 =	seq.s32 s5, $0x0;
	s5 =	sld [smem:$0x3FA9]  }
0x2b: {  	s6 =	sld [smem:$0x3FAA]  }
0x2c: {  	s7 =	sld [smem:$0x3FAB]  }
0x2d: {  	s3 =	simm.s32 $0x108;
	s8 =	sld [smem:$0x3FAC]  }
0x2e: {  	s3 =	simm.s32 @!p0 $0x1082;
	s9 =	sld [smem:$0x3FAD]  }
0x2f: {  	lr =	sadd.s32 s0, s3;
	s0 =	sld [smem:$0x3FA4]  }
0x30: {  	s3 =	sld [smem:$0x3FA7]  }
0x31: {  	[smem:$0x3FB0] =	sst s10  }
0x32: {  	s10 =	sld [smem:$0x3FAE];
	_ =	sdelay $0x3  }
0x33: {  	p0 =	seq.s32 s10, $0x1;
	s10 =	sld [smem:$0x3FB0];
	_ =	sdelay $0x3  }
0x34: {  	[smem:$0x3FB0] =	sst s10  }
0x35: {  	s10 =	sld [smem:$0x3FAF];
	_ =	sdelay $0x3  }
0x36: {  	p1 =	seq.s32 s10, $0x1;
	s10 =	sld [smem:$0x3FB0];
	_ =	sdelay $0x3  }
0x37: {  	[smem:$0x3FB0] =	sst s10  }
0x38: {  	s10 =	sld [smem:$0x3FB1]  }
0x39: {  	_ = 	snop;
	(pc) =	sbr.ind lr, $3  }
0x3a: {  	_ = 	snop  }
0x3b: {  	_ = 	snop  }
0x3c: {  	p2 =	seq.s32 s10, $0x1;
	s10 =	sld [smem:$0x3FB0]  }
0x3d: {  	_ =	shalt  }
0x3e: {  	_ =	shalt  }
0x3f: {  	_ =	shalt  }
0x40: {  	_ =	shalt  }
0x41: {  	_ =	shalt  }
0x42: {  	_ =	shalt  }
0x43: {  	_ =	shalt  }
0x44: {  	_ =	shalt  }
0x45: {  	_ =	shalt  }
0x46: {  	_ =	shalt  }
0x47: {  	_ =	shalt  }
0x48: {  	_ =	shalt  }
0x49: {  	_ =	shalt  }
0x4a: {  	_ =	shalt  }
0x4b: {  	_ =	shalt  }
0x4c: {  	_ =	shalt  }
0x4d: {  	_ =	shalt  }
0x4e: {  	_ =	shalt  }
0x4f: {  	_ =	shalt  }
0x50: {  	_ =	shalt  }
0x51: {  	_ =	shalt  }
0x52: {  	_ =	shalt  }
0x53: {  	_ =	shalt  }
0x54: {  	_ =	shalt  }
0x55: {  	_ =	shalt  }
0x56: {  	_ =	shalt  }
0x57: {  	_ =	shalt  }
0x58: {  	_ =	shalt  }
0x59: {  	_ =	shalt  }
0x5a: {  	_ =	shalt  }
0x5b: {  	_ =	shalt  }
0x5c: {  	_ =	shalt  }
0x5d: {  	_ =	shalt  }
0x5e: {  	_ =	shalt  }
0x5f: {  	_ =	shalt  }
0x60: {  	_ =	shalt  }
0x61: {  	_ =	shalt  }
0x62: {  	_ =	shalt  }
0x63: {  	_ =	shalt  }
0x64: {  	_ =	shalt  }
0x65: {  	_ =	shalt  }
0x66: {  	_ =	shalt  }
0x67: {  	_ =	shalt  }
0x68: {  	_ =	shalt  }
0x69: {  	_ =	shalt  }
0x6a: {  	_ =	shalt  }
0x6b: {  	_ =	shalt  }
0x6c: {  	_ =	shalt  }
0x6d: {  	_ =	shalt  }
0x6e: {  	_ =	shalt  }
0x6f: {  	_ =	shalt  }
0x70: {  	_ =	shalt  }
0x71: {  	_ =	shalt  }
0x72: {  	_ =	shalt  }
0x73: {  	_ =	shalt  }
0x74: {  	_ =	shalt  }
0x75: {  	_ =	shalt  }
0x76: {  	_ =	shalt  }
0x77: {  	_ =	shalt  }
0x78: {  	_ =	shalt  }
0x79: {  	_ =	shalt  }
0x7a: {  	_ =	shalt  }
0x7b: {  	_ =	shalt  }
0x7c: {  	_ =	shalt  }
0x7d: {  	_ =	shalt  }
0x7e: {  	_ =	shalt  }
0x7f: {  	_ =	shalt  }
0x80: {  	_ =	shalt  }
0x81: {  	_ =	shalt  }
0x82: {  	_ =	shalt  }
0x83: {  	_ =	shalt  }
0x84: {  	_ =	shalt  }
0x85: {  	_ =	shalt  }
0x86: {  	_ =	shalt  }
0x87: {  	_ =	shalt  }
.Lfunc_end0:
.L_simem_size_0:
called_computation.1_lowered:
.L_overlay_start_0:
0x88: {  	s2 =	sld [smem:$0x3FD9]  }
0x89: {  	s3 =	sld [smem:$0x3FFE];
	_ =	sdelay $0x1  }
0x8a: {  	s1 =	srdreg.scid  }
0x8b: {  	s0 =	sand.u32 $0x1, s1  }
0x8c: {  	s14 =	sshll.u32 s0, $0xA;
	s2 =	sadd.s32 s3, s2  }
0x8d: {  	s2 =	sadd.s32 s2, s14  }
0x8e: {  	[smem:$0x3FBC] =	sst s2  }
0x8f: {  	_ = 	snop  }
0x90: {  	s2 =	sld [smem:$0x3FD0];
	_ =	sdelay $0x2  }
0x91: {  	s4 =	simm.s32 $0xA;
	s5 =	simm.s32 $0x10;
	s15 =	sld [smem:$0x3FC3]  }
0x92: {  	[smem:s5], [sflag:s4] =	dma.local [hbm:s2], $0x1  }
0x93: {  	_ =	swait.eq [sflag:s4], $0x1  }
0x94: {  	[sflag:s4] =	ssyncset.done $0x0  }
0x95: {  	[sflag:s4] =	ssyncadd.s32 $0xFFFFFFFF  }
0x96: {  	s16 =	sld [smem:$0x10];
	(tm) =	ssettm $0x1  }
0x97: {  	s17 =	sld [smem:$0x3FFB];
	_ =	sdelay $0x3  }
0x98: {  	_ =	strace s17  }
0x99: {  	s4 =	sld [smem:$0x3FFC];
	_ =	sdelay $0x3  }
0x9a: {  	_ =	strace s4  }
0x9b: {  	s4 =	sld [smem:$0x3FFD];
	_ =	sdelay $0x3  }
0x9c: {  	_ =	strace s4  }
0x9d: {  	_ =	strace $0x8FFFFFFF  }
0x9e: {  	s18 =	sld [smem:$0x3FDB];
	_ =	sdelay $0x1  }
0x9f: {  	s19 =	simm.s32 $_scs_section_size  }
0xa0: {  	s6 =	simm.s32 $_size__tile_overlayer_lowered;
	s7 =	simm.s32 $_tile_overlayer_lowered  }
0xa1: {  	s22 =	simm.s32 $0x1BFF;
	s21 =	sshll.u32 s7, $0x1;
	s4 =	sadd.s32 s19, s18  }
0xa2: {  	s8 =	simm.s32 $0x0;
	s20 =	sshll.u32 s6, $0x1;
	s6 =	sadd.s32 s21, s4  }
0xa3: {  	[timem:s8], [sflag:s22] =	dma.local [hbm:s6], s20  }
0xa4: {  	_ =	swait.ge [sflag:s22], s20  }
0xa5: {  	s5 =	ssub.s32 $0x0, s20;
	[sflag:s22] =	ssyncset.done $0x0  }
0xa6: {  	[sflag:s22] =	ssyncadd.s32 s5;
	_ =	sdelay $0x1  }
0xa7: {  	s23 =	simm.s32 $0x1B8B  }
0xa8: {  	_ =	swait.ge [sflag:s23], $0x1  }
0xa9: {  	[sflag:s23] =	ssyncset.done $0x0  }
0xaa: {  	s25 =	simm.s32 $0x1B8E;
	s24 =	sld [smem:$0x3FFE];
	[sflag:s23] =	ssyncadd.s32 $0xFFFFFFFF  }
0xab: {  	s26 =	simm.s32 $execute0_lowered;
	[smem:$0x3FD2] =	sst s25  }
0xac: {  	s6 =	sshll.u32 s26, $0x1;
	_ =	strace $0x80000049;
	[dreg:$0x1] =	wrdreg $0xFFFFFFFF  }
0xad: {  	s28 =	simm.s32 $_size_execute0_lowered;
	s4 =	sadd.s32 s4, s6;
	[dreg:$0x0] =	wrdreg $0x0  }
0xae: {  	s6 =	sshll.u32 s28, $0x1;
	[dreg:$0x2] =	wrdreg s4  }
0xaf: {  	[dreg:$0x3] =	wrdreg s6  }
0xb0: {  	[dreg:$0x4] =	wrdreg $0xC0  }
0xb1: {  	_ =	task [dreg:s8], $0x5FFFF  }
0xb2: {  	[dreg:$0x1] =	wrdreg $0xFFFFFFFF  }
0xb3: {  	[dreg:$0x0] =	wrdreg $0x60  }
0xb4: {  	[dreg:$0x2] =	wrdreg s16  }
0xb5: {  	[dreg:$0x3] =	wrdreg s24  }
0xb6: {  	[dreg:$0x4] =	wrdreg s15  }
0xb7: {  	[dreg:$0x5] =	wrdreg $0x9  }
0xb8: {  	_ =	task.clear_ibuf [dreg:s8], $0x6FFFF;
	_ =	strace $0x90000049  }
0xb9: {  	s29 =	simm.s32 $0x9;
	_ =	strace $0x8000004B  }
0xba: {  	_ =	swait.ge [sflag:s29], $0x1  }
0xbb: {  	[sflag:s29] =	ssyncadd.s32 $0xFFFFFFFF  }
0xbc: {  	_ =	strace $0x9000004B  }
0xbd: {  	_ =	sfence  }
0xbe: {  	s30 =	sld [smem:$0x0];
	_ =	sdelay $0x2  }
0xbf: {  	s31 =	sshll.u32 s1, $0xD;
	s1 =	sshrl.u32 s1, $0x2  }
0xc0: {  	s3 =	sand.u32 $0x4000, s31;
	s1 =	sadd.s32 s1, s30  }
0xc1: {  	s0 =	sor.u32 s3, s0;
	s1 =	sshll.u32 s1, $0x11  }
0xc2: {  	s0 =	sor.u32 s1, s0  }
0xc3: {  	s0 =	sadd.s32 $0x8F2B, s0  }
0xc4: {  	[sflag:s0] =	ssyncadd.remote.s32 $0x1  }
0xc5: {  	_ =	sfence.sel $0xFFFF  }
0xc6: {  	[dreg:$0x0] =	wrdreg $0xFFFFFFFF;
	(pc) =	sbr.abs _section_cstart, $3  }
0xc7: {  	[dreg:$0x1] =	wrdreg $0xFFFFFFFF  }
0xc8: {  	_ =	task.clear_ibuf [dreg:s8], $0x2FFFF;
	_ =	strace $0x9FFFFFFF  }
0xc9: {  	(tm) =	ssettm $0x7FFFFFFF  }
tec
execute0_lowered:
.L_overlay_start_1:
0x0: {  	(tag) =	ssettag $0x1  }
0x1: {  	s0 =	rddreg [dreg:$0x0]  }
0x2: {  	s1 =	rddreg [dreg:$0x1];
	s3 =	srdreg.scid  }
0x3: {  	s5 =	stileid.u32;
	s2 =	rddreg [dreg:$0x2];
	s12 =	simm.s32 $0x4280  }
0x4: {  	s13 =	simm.s32 $0x68;
	s14 =	simm.s32 $0x7480;
	s15 =	simm.s32 $0x60  }
0x5: {  	s16 =	simm.s32 $0xA880;
	s18 =	simm.s32 $0xDC80;
	s20 =	simm.s32 $0x11080  }
0x6: {  	s21 =	simm.s32 $0x1;
	s22 =	simm.s32 $0x14480;
	s23 =	simm.s32 $0x2  }
0x7: {  	s4 =	sand.u32 $0x1, s3;
	s5 =	sshll.u32 s5, $0x1;
	s3 =	simm.s32 $0x0  }
0x8: {  	s24 =	simm.s32 $0x0;
	s5 =	sor.u32 s4, s5;
	[smem:$0x7FF] =	sst s3  }
0x9: {  	s4 =	ssub.s32 $0x2, s4;
	s6 =	smul.u32 $0x320, s5;
	_ =	strace $0x8000004A  }
0xa: {  	s7 =	smul.u32 $0x640, s5;
	s8 =	sshll.u32 s5, $0x9;
	s10 =	sshrl.u32 s4, $0x1  }
0xb: {  	s5 =	smul.u32 $0x340, s5;
	s8 =	sadd.s32 s8, s1;
	s4 =	ssub.s32 s4, s10  }
0xc: {  	s10 =	simm.s32 $0x3;
	s9 =	sadd.s32 s6, s1;
	s7 =	sadd.s32 s7, s1  }
0xd: {  	s1 =	sadd.s32 s5, s1;
	s0 =	sadd.s32 s0, s6;
	s6 =	sadd.s32 $0x2A00, s8  }
0xe: {  	[dreg:$0x4] =	wrdreg s0;
	s31 =	sadd.s32 $0xAA00, s9;
	s7 =	sadd.s32 $0x10E00, s7  }
0xf: {  	vm0 =	vcmask $0x3F3C;
	s8 =	sadd.s32 $0x1D600, s1;
	s9 =	smax.u32 s4, $0x1;
	[dreg:$0x5] =	wrdreg s31  }
.LBB2_1:
0x10: {  	s0 =	rddreg [dreg:$0x4]  }
0x11: {  	[tilespmem:s3], [sflag:$0x3] =	stream.linear.gather [hbm4b:s0+s3], $0x1900, $0x38;
	[tilespmem:$0x15E80] =	vst v63  }
0x12: {  	_ =	swait.ge [sflag:s10], $0x1900  }
0x13: {  	[sflag:s10] =	ssyncset.done $0x0  }
0x14: {  	s25 =	simm.s32 $0x1900;
	s17 =	rddreg [dreg:$0x5];
	[sflag:s10] =	ssyncadd.s32 $0xFFFFE700  }
0x15: {  	[tilespmem:s25], [sflag:$0x3] =	stream.linear.gather [hbm4b:s17+s3], $0x1900, $0x38;
	[tilespmem:$0x15E80] =	vst v63  }
0x16: {  	_ =	swait.ge [sflag:s10], $0x1900  }
0x17: {  	[sflag:s10] =	ssyncset.done $0x0  }
0x18: {  	s19 =	simm.s32 $0x3280;
	[sflag:s10] =	ssyncadd.s32 $0xFFFFE700  }
0x19: {  	[tilespmem:s19], [sflag:$0x3] =	stream.linear.gather [hbm4b:s6+s3], $0x1000, $0x38;
	[tilespmem:$0x15E80] =	vst v63  }
0x1a: {  	_ =	swait.ge [sflag:s10], $0x1000  }
0x1b: {  	[sflag:s10] =	ssyncset.done $0x0  }
0x1c: {  	[sflag:s10] =	ssyncadd.s32 $0xFFFFF000  }
0x1d: {  	[tilespmem:s12], [sflag:$0x3] =	stream.linear.gather [hbm4b:s7+s3], $0x3200, $0x38;
	[tilespmem:$0x15E80] =	vst v63  }
0x1e: {  	_ =	swait.ge [sflag:s10], $0x3200  }
0x1f: {  	[sflag:s10] =	ssyncset.done $0x0  }
0x20: {  	[sflag:s10] =	ssyncadd.s32 $0xFFFFCE00  }
0x21: {  	[tilespmem:s14], [sflag:$0x1] =	stream.indirect.gather [hbm4b:s2+s13], $0x80, s3, s13, $0xb8;
	[tilespmem:$0x15E80] =	vst v63  }
0x22: {  	s26 =	simm.s32 $0xC8  }
0x23: {  	[tilespmem:s16], [sflag:$0x1] =	stream.indirect.gather [hbm4b:s2+s15], $0x80, s13, s15, $0xb8;
	[tilespmem:$0x15E80] =	vst v63  }
0x24: {  	s28 =	simm.s32 $0x130;
	s29 =	simm.s32 $0x0;
	s30 =	simm.s32 $0x14480  }
0x25: {  	[tilespmem:s18], [sflag:$0x2] =	stream.indirect.gather [hbm4b:s2+s13], $0x80, s26, s13, $0xb8;
	[tilespmem:$0x15E80] =	vst v63  }
0x26: {  	s31 =	simm.s32 $0x0;
	s17 =	simm.s32 $0x14550;
	s19 =	simm.s32 $0x19C8  }
0x27: {  	[tilespmem:s20], [sflag:$0x2] =	stream.indirect.gather [hbm4b:s2+s15], $0x80, s28, s15, $0xb8;
	[tilespmem:$0x15E80] =	vst v63  }
.LBB2_2:
0x28: {  	_ =	swait.ge [sflag:s21], $0x3400  }
0x29: {  	[sflag:s21] =	ssyncset.done $0x0  }
0x2a: {  	[sflag:s21] =	ssyncadd.s32 $0xFFFFCC00  }
0x2b: {  	_ =	swait.ge [sflag:s21], $0x3000  }
0x2c: {  	s0 =	sshll.u32 s31, $0x8;
	[sflag:s21] =	ssyncset.done $0x0  }
0x2d: {  	s0 =	sand.u32 $0x3FFFFF00, s0;
	[sflag:s21] =	ssyncadd.s32 $0xFFFFD000  }
0x2e: {  	v0 =	vld [tilespmem:s0+$0x3280]  }
0x2f: {  	v1 =	vld [tilespmem:s0+$0x3290]  }
0x30: {  	v2 =	vld [tilespmem:s0+$0x32A0]  }
0x31: {  	v3 =	vld [tilespmem:s0+$0x32B0]  }
0x32: {  	v4 =	vld [tilespmem:s0+$0x32C0]  }
0x33: {  	s1 =	smul.u32 $0x320, s31;
	v5 =	vld [tilespmem:s0+$0x32D0]  }
0x34: {  	s11 =	smov.u32 s30;
	v6 =	vld [tilespmem:s0+$0x32E0]  }
0x35: {  	s26 =	smov.u32 s25;
	v8 =	vmov s1;
	s1 =	simm.s32 $0x7880;
	v7 =	vld [tilespmem:s0+$0x32F0];
	s0 =	simm.s32 $0x0  }
.LBB2_3:
0x36: {  	v9 =	vld [tilespmem:s1+$0xFFFFFC00]  }
0x37: {  	v10 =	vld [tilespmem:s1+$0xFFFFFC80]  }
0x38: {  	v11 =	vld [tilespmem:s1+$0xFFFFFD00]  }
0x39: {  	v12 =	vld [tilespmem:s1+$0xFFFFFD80]  }
0x3a: {  	v13 =	vld [tilespmem:s1+$0xFFFFFE00]  }
0x3b: {  	v14 =	vld [tilespmem:s1+$0xFFFFFE80]  }
0x3c: {  	v15 =	vld [tilespmem:s1+$0xFFFFFF00]  }
0x3d: {  	v16 =	vld [tilespmem:s1+$0xFFFFFF80]  }
0x3e: {  	v17 =	vld [tilespmem:s1+$0x0]  }
0x3f: {  	v18 =	vld [tilespmem:s1+$0x80]  }
0x40: {  	v19 =	vld [tilespmem:s1+$0x100]  }
0x41: {  	v20 =	vld [tilespmem:s1+$0x180]  }
0x42: {  	v21 =	vld [tilespmem:s1+$0x200]  }
0x43: {  	v22 =	vld [tilespmem:s1+$0x280]  }
0x44: {  	v23 =	vld [tilespmem:s1+$0x300]  }
0x45: {  	v24 =	vld [tilespmem:s1+$0x380]  }
0x46: {  	v25 =	vld [tilespmem:s1+$0xFFFFFC10]  }
0x47: {  	v26 =	vld [tilespmem:s1+$0xFFFFFC90]  }
0x48: {  	v27 =	vld [tilespmem:s1+$0xFFFFFD10]  }
0x49: {  	v28 =	vld [tilespmem:s1+$0xFFFFFD90]  }
0x4a: {  	v29 =	vld [tilespmem:s1+$0xFFFFFE10]  }
0x4b: {  	v30 =	vld [tilespmem:s1+$0xFFFFFE90]  }
0x4c: {  	v31 =	vld [tilespmem:s1+$0xFFFFFF10]  }
0x4d: {  	v32 =	vld [tilespmem:s1+$0xFFFFFF90]  }
0x4e: {  	v33 =	vld [tilespmem:s1+$0x10]  }
0x4f: {  	v34 =	vld [tilespmem:s1+$0x90]  }
0x50: {  	v35 =	vld [tilespmem:s1+$0x110]  }
0x51: {  	v36 =	vld [tilespmem:s1+$0x190]  }
0x52: {  	v37 =	vld [tilespmem:s1+$0x210]  }
0x53: {  	v38 =	vld [tilespmem:s1+$0x290]  }
0x54: {  	v39 =	vld [tilespmem:s1+$0x310]  }
0x55: {  	v40 =	vld [tilespmem:s1+$0x390]  }
0x56: {  	v41 =	vld [tilespmem:s1+$0xFFFFFC20]  }
0x57: {  	v42 =	vld [tilespmem:s1+$0xFFFFFCA0]  }
0x58: {  	v43 =	vld [tilespmem:s1+$0xFFFFFD20]  }
0x59: {  	v44 =	vld [tilespmem:s1+$0xFFFFFDA0]  }
0x5a: {  	v45 =	vld [tilespmem:s1+$0xFFFFFE20]  }
0x5b: {  	v46 =	vld [tilespmem:s1+$0xFFFFFEA0]  }
0x5c: {  	v47 =	vld [tilespmem:s1+$0xFFFFFF20]  }
0x5d: {  	v48 =	vld [tilespmem:s1+$0xFFFFFFA0]  }
0x5e: {  	v49 =	vld [tilespmem:s1+$0x20]  }
0x5f: {  	v50 =	vld [tilespmem:s1+$0xA0]  }
0x60: {  	v51 =	vld [tilespmem:s1+$0x120]  }
0x61: {  	v52 =	vld [tilespmem:s1+$0x1A0]  }
0x62: {  	v53 =	vld [tilespmem:s1+$0x220]  }
0x63: {  	v54 =	vld [tilespmem:s1+$0x2A0]  }
0x64: {  	v55 =	vld [tilespmem:s1+$0x320]  }
0x65: {  	v56 =	vld [tilespmem:s1+$0x3A0]  }
0x66: {  	v57 =	vld [tilespmem:s1+$0xFFFFFC30]  }
0x67: {  	v58 =	vld [tilespmem:s1+$0xFFFFFCB0];
	v9 =	vmul.f32 v9, v0  }
0x68: {  	v59 =	vld [tilespmem:s1+$0xFFFFFD30];
	v10 =	vmul.f32 v10, v0;
	v11 =	vmul.f32 v11, v0  }
0x69: {  	v60 =	vld [tilespmem:s1+$0xFFFFFDB0];
	v12 =	vmul.f32 v12, v0;
	v25 =	vmul.f32 v25, v1  }
0x6a: {  	v61 =	vld [tilespmem:s1+$0xFFFFFE30];
	v13 =	vmul.f32 v13, v0;
	v26 =	vmul.f32 v26, v1  }
0x6b: {  	v14 =	vmul.f32 v14, v0;
	v63 =	vmul.f32 v27, v1;
	v27 =	vld [tilespmem:s1+$0xFFFFFEB0]  }
0x6c: {  	v15 =	vmul.f32 v15, v0;
	v62 =	vmul.f32 v28, v1;
	v28 =	vld [tilespmem:s1+$0xFFFFFF30]  }
0x6d: {  	v16 =	vmul.f32 v16, v0;
	v11 =	vadd.f32 v63, v11;
	v63 =	vmul.f32 v29, v1;
	v29 =	vld [tilespmem:s1+$0xFFFFFFB0]  }
0x6e: {  	v17 =	vmul.f32 v17, v0;
	v12 =	vadd.f32 v62, v12;
	v62 =	vmul.f32 v30, v1;
	v30 =	vld [tilespmem:s1+$0x30]  }
0x6f: {  	v18 =	vmul.f32 v18, v0;
	v10 =	vadd.f32 v26, v10;
	v26 =	vmul.f32 v38, v1;
	v38 =	vld [tilespmem:s1+$0xFFFFFD40]  }
0x70: {  	v19 =	vmul.f32 v19, v0;
	v9 =	vadd.f32 v25, v9;
	v25 =	vmul.f32 v40, v1;
	v40 =	vld [tilespmem:s1+$0xFFFFFDC0]  }
0x71: {  	v22 =	vmul.f32 v22, v0;
	v13 =	vadd.f32 v63, v13;
	v63 =	vmul.f32 v31, v1;
	v31 =	vld [tilespmem:s1+$0xB0]  }
0x72: {  	v20 =	vmul.f32 v20, v0;
	v14 =	vadd.f32 v62, v14;
	v62 =	vmul.f32 v32, v1;
	v32 =	vld [tilespmem:s1+$0x130]  }
0x73: {  	v21 =	vmul.f32 v21, v0;
	v22 =	vadd.f32 v26, v22;
	v26 =	vmul.f32 v44, v2;
	v44 =	vld [tilespmem:s1+$0xFFFFFFC0]  }
0x74: {  	v23 =	vmul.f32 v23, v0;
	v15 =	vadd.f32 v63, v15;
	v63 =	vmul.f32 v33, v1;
	v33 =	vld [tilespmem:s1+$0x1B0]  }
0x75: {  	v48 =	vmul.f32 v48, v2;
	v16 =	vadd.f32 v62, v16;
	v62 =	vmul.f32 v34, v1;
	v34 =	vld [tilespmem:s1+$0x230]  }
0x76: {  	v54 =	vmul.f32 v54, v2;
	v17 =	vadd.f32 v63, v17;
	v63 =	vmul.f32 v35, v1;
	v35 =	vld [tilespmem:s1+$0x2B0]  }
0x77: {  	v24 =	vmul.f32 v24, v0;
	v18 =	vadd.f32 v62, v18;
	v62 =	vmul.f32 v36, v1;
	v36 =	vld [tilespmem:s1+$0x330]  }
0x78: {  	v49 =	vmul.f32 v49, v2;
	v22 =	vadd.f32 v54, v22;
	v16 =	vadd.f32 v48, v16;
	v48 =	vld [tilespmem:s1+$0x1C0]  }
0x79: {  	v54 =	vmul.f32 v31, v3;
	v31 =	vld [tilespmem:s1+$0xFFFFFF50];
	v19 =	vadd.f32 v63, v19;
	v63 =	vmul.f32 v37, v1  }
0x7a: {  	v52 =	vmul.f32 v52, v2;
	v37 =	vld [tilespmem:s1+$0x3B0];
	v20 =	vadd.f32 v62, v20;
	v62 =	vmul.f32 v39, v1  }
0x7b: {  	v53 =	vmul.f32 v53, v2;
	v39 =	vld [tilespmem:s1+$0xFFFFFC40];
	v17 =	vadd.f32 v49, v17;
	v21 =	vadd.f32 v63, v21  }
0x7c: {  	v49 =	vld [tilespmem:s1+$0xC0];
	v63 =	vmul.f32 v41, v2;
	v23 =	vadd.f32 v62, v23;
	v62 =	vmul.f32 v42, v2  }
0x7d: {  	v55 =	vmul.f32 v55, v2;
	v42 =	vmul.f32 v45, v2;
	v45 =	vld [tilespmem:s1+$0xFFFFFEC0];
	v20 =	vadd.f32 v52, v20  }
0x7e: {  	v41 =	vld [tilespmem:s1+$0xFFFFFCC0];
	v9 =	vadd.f32 v63, v9;
	v63 =	vmul.f32 v43, v2;
	v10 =	vadd.f32 v62, v10  }
0x7f: {  	v52 =	vld [tilespmem:s1+$0x3C0];
	v62 =	vmul.f32 v46, v2;
	v13 =	vadd.f32 v42, v13;
	v21 =	vadd.f32 v53, v21  }
0x80: {  	v43 =	vld [tilespmem:s1+$0xFFFFFE40];
	v23 =	vadd.f32 v55, v23;
	v11 =	vadd.f32 v63, v11;
	v63 =	vmul.f32 v47, v2  }
0x81: {  	v42 =	vld [tilespmem:s1+$0xFFFFFF40];
	v55 =	vmul.f32 v32, v3;
	v14 =	vadd.f32 v62, v14;
	v62 =	vmul.f32 v50, v2  }
0x82: {  	v46 =	vld [tilespmem:s1+$0x140];
	v31 =	vmul.f32 v31, v5;
	v45 =	vmul.f32 v45, v4;
	v15 =	vadd.f32 v63, v15  }
0x83: {  	v53 =	vld [tilespmem:s1+$0x2C0];
	v63 =	vmul.f32 v51, v2;
	v18 =	vadd.f32 v62, v18;
	v62 =	vmul.f32 v56, v2  }
0x84: {  	v24 =	vadd.f32 v25, v24;
	v32 =	vld [tilespmem:s1+$0xFFFFFE50];
	v56 =	vmul.f32 v58, v3;
	v58 =	vmul.f32 v60, v3  }
0x85: {  	v12 =	vadd.f32 v26, v12;
	v47 =	vld [tilespmem:s1+$0x40];
	v60 =	vmul.f32 v27, v3;
	v43 =	vmul.f32 v43, v4  }
0x86: {  	v50 =	vld [tilespmem:s1+$0x340];
	v19 =	vadd.f32 v63, v19;
	v63 =	vmul.f32 v57, v3;
	v57 =	vmul.f32 v59, v3  }
0x87: {  	v51 =	vld [tilespmem:s1+$0x240];
	v24 =	vadd.f32 v62, v24;
	v10 =	vadd.f32 v56, v10;
	v59 =	vmul.f32 v61, v3  }
0x88: {  	v27 =	vld [tilespmem:s1+$0xFFFFFD50];
	v12 =	vadd.f32 v58, v12;
	v61 =	vmul.f32 v28, v3;
	v62 =	vmul.f32 v29, v3  }
0x89: {  	v28 =	vld [tilespmem:s1+$0xFFFFFC50];
	v14 =	vadd.f32 v60, v14;
	v18 =	vadd.f32 v54, v18;
	v56 =	vmul.f32 v33, v3  }
0x8a: {  	v29 =	vld [tilespmem:s1+$0xFFFFFDD0];
	v58 =	vmul.f32 v35, v3;
	v60 =	vmul.f32 v37, v3;
	v9 =	vadd.f32 v63, v9  }
0x8b: {  	v33 =	vld [tilespmem:s1+$0xFFFFFFD0];
	v54 =	vmul.f32 v42, v4;
	v11 =	vadd.f32 v57, v11;
	v13 =	vadd.f32 v59, v13  }
0x8c: {  	v35 =	vld [tilespmem:s1+$0x150];
	v63 =	vmul.f32 v30, v3;
	v15 =	vadd.f32 v61, v15;
	v16 =	vadd.f32 v62, v16  }
0x8d: {  	v37 =	vld [tilespmem:s1+$0x1D0];
	v57 =	vmul.f32 v34, v3;
	v19 =	vadd.f32 v55, v19;
	v59 =	vmul.f32 v36, v3  }
0x8e: {  	v42 =	vld [tilespmem:s1+$0x2D0];
	v20 =	vadd.f32 v56, v20;
	v22 =	vadd.f32 v58, v22;
	v61 =	vmul.f32 v39, v4  }
0x8f: {  	v30 =	vld [tilespmem:s1+$0xFFFFFCD0];
	v24 =	vadd.f32 v60, v24;
	v62 =	vmul.f32 v41, v4;
	v41 =	vmul.f32 v40, v4  }
0x90: {  	v34 =	vld [tilespmem:s1+$0xFFFFFED0];
	v14 =	vadd.f32 v45, v14;
	v55 =	vmul.f32 v44, v4;
	v56 =	vmul.f32 v47, v4  }
0x91: {  	v36 =	vld [tilespmem:s1+$0x50];
	v58 =	vmul.f32 v46, v4;
	v60 =	vmul.f32 v51, v4;
	v17 =	vadd.f32 v63, v17  }
0x92: {  	v40 =	vld [tilespmem:s1+$0x250];
	v46 =	vmul.f32 v27, v5;
	v21 =	vadd.f32 v57, v21;
	v23 =	vadd.f32 v59, v23  }
0x93: {  	v39 =	vld [tilespmem:s1+$0x350];
	v63 =	vmul.f32 v38, v4;
	v9 =	vadd.f32 v61, v9;
	v10 =	vadd.f32 v62, v10  }
0x94: {  	v44 =	vld [tilespmem:s1+$0xFFFFFC60];
	v12 =	vadd.f32 v41, v12;
	v13 =	vadd.f32 v43, v13;
	v57 =	vmul.f32 v49, v4  }
0x95: {  	v45 =	vld [tilespmem:s1+$0xFFFFFCE0];
	v15 =	vadd.f32 v54, v15;
	v59 =	vmul.f32 v48, v4;
	v61 =	vmul.f32 v53, v4  }
0x96: {  	v27 =	vld [tilespmem:s1+$0xFFFFFDE0];
	v16 =	vadd.f32 v55, v16;
	v62 =	vmul.f32 v50, v4;
	v48 =	vmul.f32 v32, v5  }
0x97: {  	v38 =	vld [tilespmem:s1+$0xD0];
	v19 =	vadd.f32 v58, v19;
	v28 =	vmul.f32 v28, v5;
	v47 =	vmul.f32 v29, v5  }
0x98: {  	v41 =	vld [tilespmem:s1+$0x3D0];
	v51 =	vmul.f32 v33, v5;
	v11 =	vadd.f32 v63, v11;
	v17 =	vadd.f32 v56, v17  }
0x99: {  	v49 =	vld [tilespmem:s1+$0xFFFFFE60];
	v55 =	vmul.f32 v35, v5;
	v18 =	vadd.f32 v57, v18;
	v20 =	vadd.f32 v59, v20  }
0x9a: {  	v32 =	vld [tilespmem:s1+$0xFFFFFEE0];
	v21 =	vadd.f32 v60, v21;
	v63 =	vmul.f32 v52, v4;
	v22 =	vadd.f32 v61, v22  }
0x9b: {  	v53 =	vld [tilespmem:s1+$0xFFFFFFE0];
	v23 =	vadd.f32 v62, v23;
	v13 =	vadd.f32 v48, v13;
	v57 =	vmul.f32 v37, v5  }
0x9c: {  	v15 =	vadd.f32 v31, v15;
	v56 =	vld [tilespmem:s1+$0x60];
	v60 =	vmul.f32 v42, v5;
	v43 =	vmul.f32 v30, v5  }
0x9d: {  	v59 =	vld [tilespmem:s1+$0xE0];
	v9 =	vadd.f32 v28, v9;
	v50 =	vmul.f32 v34, v5;
	v12 =	vadd.f32 v47, v12  }
0x9e: {  	v61 =	vld [tilespmem:s1+$0x160];
	v52 =	vmul.f32 v36, v5;
	v16 =	vadd.f32 v51, v16;
	v58 =	vmul.f32 v40, v5  }
0x9f: {  	v48 =	vld [tilespmem:s1+$0xFFFFFC70];
	v19 =	vadd.f32 v55, v19;
	v62 =	vmul.f32 v39, v5;
	v24 =	vadd.f32 v63, v24  }
0xa0: {  	v37 =	vld [tilespmem:s1+$0xFFFFFEF0];
	v45 =	vmul.f32 v45, v6;
	v11 =	vadd.f32 v46, v11;
	v20 =	vadd.f32 v57, v20  }
0xa1: {  	v30 =	vld [tilespmem:s1+$0xFFFFFD60];
	v22 =	vadd.f32 v60, v22;
	v47 =	vmul.f32 v27, v6;
	v10 =	vadd.f32 v43, v10  }
0xa2: {  	v28 =	vld [tilespmem:s1+$0xFFFFFF60];
	v14 =	vadd.f32 v50, v14;
	v54 =	vmul.f32 v38, v5;
	v17 =	vadd.f32 v52, v17  }
0xa3: {  	v55 =	vld [tilespmem:s1+$0xFFFFFD70];
	v21 =	vadd.f32 v58, v21;
	v42 =	vmul.f32 v41, v5;
	v43 =	vmul.f32 v44, v6  }
0xa4: {  	v39 =	vld [tilespmem:s1+$0xFFFFFF70];
	v23 =	vadd.f32 v62, v23;
	v49 =	vmul.f32 v49, v6;
	v12 =	vadd.f32 v47, v12  }
0xa5: {  	v63 =	vld [tilespmem:s1+$0x1E0];
	v51 =	vmul.f32 v32, v6;
	v18 =	vadd.f32 v54, v18;
	v24 =	vadd.f32 v42, v24  }
0xa6: {  	v46 =	vld [tilespmem:s1+$0x2E0];
	v53 =	vmul.f32 v53, v6;
	v9 =	vadd.f32 v43, v9;
	v10 =	vadd.f32 v45, v10  }
0xa7: {  	v57 =	vld [tilespmem:s1+$0xFFFFFDF0];
	v13 =	vadd.f32 v49, v13;
	v54 =	vmul.f32 v56, v6;
	v14 =	vadd.f32 v51, v14  }
0xa8: {  	s4 =	sadd.s32 s0, s29;
	v44 =	vld [tilespmem:s1+$0x260];
	v56 =	vmul.f32 v59, v6;
	v16 =	vadd.f32 v53, v16;
	v58 =	vmul.f32 v48, v7  }
0xa9: {  	s28 =	sadd.s32 $0x1, s4;
	v50 =	vld [tilespmem:s1+$0xFFFFFCF0];
	v60 =	vmul.f32 v61, v6;
	v45 =	vmov s4;
	v30 =	vmul.f32 v30, v6  }
0xaa: {  	v52 =	vld [tilespmem:s1+$0x360];
	v48 =	vmov s28;
	v28 =	vmul.f32 v28, v6;
	v38 =	vmul.f32 v55, v7  }
0xab: {  	v47 =	vld [tilespmem:s1+$0xF0];
	v25 =	vand.u32 $0xFFFFFFF0, v45;
	v49 =	vmul.f32 v39, v7;
	v17 =	vadd.f32 v54, v17  }
0xac: {  	v59 =	vld [tilespmem:s1+$0xFFFFFE70];
	v18 =	vadd.f32 v56, v18;
	v9 =	vadd.f32 v58, v9;
	v62 =	vmul.f32 v63, v6  }
0xad: {  	s5 =	sadd.s32 $0x2, s4;
	v61 =	vld [tilespmem:s1+$0x3E0];
	v19 =	vadd.f32 v60, v19;
	v36 =	vmul.f32 v46, v6;
	v40 =	vmul.f32 v57, v7  }
0xae: {  	v42 =	vld [tilespmem:s1+$0xFFFFFFF0];
	v46 =	vmul.f32 v37, v7;
	v25 =	vbroadcast v25, $0x0;
	v57 =	vmov s5  }
0xaf: {  	v54 =	vld [tilespmem:s1+$0x270];
	v11 =	vadd.f32 v30, v11;
	v15 =	vadd.f32 v28, v15;
	v29 =	vmul.f32 v50, v7  }
0xb0: {  	v56 =	vld [tilespmem:s1+$0x2F0];
	v63 =	vmul.f32 v44, v6;
	v20 =	vadd.f32 v62, v20;
	(xrf2) =	vadd.scan.msk.f32 $0xffff, v9;
	v9 =	vadd.f32 v36, v22  }
0xb1: {  	v58 =	vld [tilespmem:s1+$0x370];
	v30 =	vand.u32 $0xFFFFFFF1, v48;
	v12 =	vadd.f32 v40, v12;
	v10 =	vadd.f32 v29, v10  }
0xb2: {  	v60 =	vld [tilespmem:s1+$0x3F0];
	v14 =	vadd.f32 v46, v14;
	v41 =	vmul.f32 v59, v7;
	v11 =	vadd.f32 v38, v11  }
0xb3: {  	s5 =	sadd.s32 $0x3, s4;
	v44 =	vld [tilespmem:s1+$0x70];
	v21 =	vadd.f32 v63, v21;
	v43 =	vmul.f32 v61, v6;
	v55 =	vadd.f32 v49, v15;
	(xrf2) =	vadd.scan.msk.f32 $0xffff, v10  }
0xb4: {  	v50 =	vld [tilespmem:s1+$0x170];
	v59 =	vmov s5;
	v63 =	vmul.f32 v47, v7;
	v13 =	vadd.f32 v41, v13;
	(xrf2) =	vadd.scan.msk.f32 $0xffff, v11  }
0xb5: {  	v28 =	vand.u32 $0xFFFFFFF3, v59;
	v10 =	vmul.f32 v52, v6;
	v52 =	vbroadcast v30, $0x0;
	(xrf2) =	vadd.scan.msk.f32 $0xffff, v12  }
0xb6: {  	v51 =	vld [tilespmem:s1+$0x1F0];
	s5 =	sadd.s32 $0x4, s4;
	v53 =	vadd.f32 v43, v24;
	v28 =	vbroadcast v28, $0x0;
	v24 =	vmul.f32 v54, v7;
	(xrf2) =	vadd.scan.msk.f32 $0xffff, v13  }
0xb7: {  	v62 =	vmov s5;
	v38 =	vmul.f32 v56, v7;
	v39 =	vmul.f32 v58, v7  }
0xb8: {  	v35 =	vand.u32 $0xFFFFFFF4, v62;
	v40 =	vmul.f32 v60, v7;
	v11 =	vmul.f32 v42, v7  }
0xb9: {  	s5 =	sadd.s32 $0x5, s4;
	v18 =	vadd.f32 v63, v18;
	v22 =	vmul.f32 v44, v7;
	v36 =	vmul.f32 v50, v7  }
0xba: {  	v37 =	vbroadcast v35, $0x0;
	v44 =	vmov s5;
	v10 =	vadd.f32 v10, v23  }
0xbb: {  	s5 =	sadd.s32 $0x6, s4;
	v23 =	vmul.f32 v51, v7;
	v21 =	vadd.f32 v24, v21;
	v9 =	vadd.f32 v38, v9  }
0xbc: {  	v45 =	vand.u32 $0xFFFFFFF5, v44;
	v46 =	vmov s5;
	v11 =	vadd.f32 v11, v16;
	v61, _, _ =	vpop (xrf2);
	(xrf2) =	vadd.scan.msk.f32 $0xffff, v14  }
0xbd: {  	s5 =	sadd.s32 $0x7, s4;
	v16 =	vand.u32 $0xFFFFFFF2, v57;
	v17 =	vadd.f32 v22, v17;
	v19 =	vadd.f32 v36, v19;
	v34, _, _ =	vpop (xrf2);
	(xrf2) =	vadd.scan.msk.f32 $0xffff, v55  }
0xbe: {  	v12 =	vbroadcast v45, $0x0;
	v47 =	vmov s5;
	s5 =	sadd.s32 $0x8, s4;
	v16 =	vbroadcast v16, $0x0;
	v41, _, _ =	vpop (xrf2);
	(xrf2) =	vadd.scan.msk.f32 $0xffff, v11  }
0xbf: {  	v13 =	vand.u32 $0xFFFFFFF6, v46;
	v20 =	vadd.f32 v23, v20;
	v48 =	vmov s5;
	s5 =	sadd.s32 $0x9, s4;
	v42, _, _ =	vpop (xrf2);
	(xrf2) =	vadd.scan.msk.f32 $0xffff, v17  }
0xc0: {  	v10 =	vadd.f32 v39, v10;
	v15 =	vand.u32 $0xFFFFFFF8, v48;
	v49 =	vmov s5;
	s5 =	sadd.s32 $0xA, s4;
	v43, _, _ =	vpop (xrf2);
	(xrf2) =	vadd.scan.msk.f32 $0xffff, v18  }
0xc1: {  	v13 =	vbroadcast v13, $0x0;
	v15 =	vbroadcast v15, $0x0;
	v50 =	vmov s5;
	(xrf2) =	vadd.scan.msk.f32 $0xffff, v19  }
0xc2: {  	v14 =	vand.u32 $0xFFFFFFF7, v47;
	v51 =	vand.u32 $0xFFFFFFFA, v50;
	[tilespmem:v25+s22+$0x0] =	vst.idx.msk vm0, v61;
	(xrf2) =	vadd.scan.msk.f32 $0xffff, v20  }
0xc3: {  	s5 =	sadd.s32 $0xB, s4;
	v14 =	vbroadcast v14, $0x0;
	[tilespmem:v52+s22+$0x0] =	vst.idx.msk vm0, v34;
	v11 =	vadd.f32 v40, v53;
	(xrf2) =	vadd.scan.msk.f32 $0xffff, v21  }
0xc4: {  	v52 =	vmov s5;
	[tilespmem:v16+s22+$0x0] =	vst.idx.msk vm0, v41;
	v16 =	vand.u32 $0xFFFFFFF9, v49;
	(xrf2) =	vadd.scan.msk.f32 $0xffff, v9  }
0xc5: {  	s5 =	sadd.s32 $0xC, s4;
	v17 =	vand.u32 $0xFFFFFFFB, v52;
	[tilespmem:v28+s22+$0x0] =	vst.idx.msk vm0, v42;
	v9 =	vbroadcast v16, $0x0;
	(xrf2) =	vadd.scan.msk.f32 $0xffff, v10  }
0xc6: {  	v53 =	vmov s5;
	s5 =	sadd.s32 $0xD, s4;
	[tilespmem:v37+s22+$0x0] =	vst.idx.msk vm0, v43;
	v16 =	vbroadcast v51, $0x0;
	v10, _, _ =	vpop (xrf2);
	(xrf2) =	vadd.scan.msk.f32 $0xffff, v11  }
0xc7: {  	v54 =	vand.u32 $0xFFFFFFFC, v53;
	v55 =	vmov s5;
	s5 =	sadd.s32 $0xE, s4;
	[tilespmem:v12+s22+$0x0] =	vst.idx.msk vm0, v10;
	v10 =	vbroadcast v17, $0x0;
	v11, _, _ =	vpop (xrf2)  }
0xc8: {  	v57 =	vand.u32 $0xFFFFFFFD, v55;
	v58 =	vmov s5;
	v56, _, _ =	vpop (xrf2);
	[tilespmem:v13+s22+$0x0] =	vst.idx.msk vm0, v11;
	v11 =	vbroadcast v54, $0x0  }
0xc9: {  	v12 =	vbroadcast v57, $0x0;
	v13 =	vand.u32 $0xFFFFFFFE, v58;
	v59, _, _ =	vpop (xrf2);
	[tilespmem:v14+s22+$0x0] =	vst.idx.msk vm0, v56  }
0xca: {  	v13 =	vbroadcast v13, $0x0;
	v60, _, _ =	vpop (xrf2);
	[tilespmem:v15+s22+$0x0] =	vst.idx.msk vm0, v59  }
0xcb: {  	s4 =	sadd.s32 $0xF, s4;
	v61, _, _ =	vpop (xrf2);
	[tilespmem:v9+s22+$0x0] =	vst.idx.msk vm0, v60  }
0xcc: {  	v62 =	vmov s4;
	v9, _, _ =	vpop (xrf2);
	[tilespmem:v16+s22+$0x0] =	vst.idx.msk vm0, v61  }
0xcd: {  	v63, _, _ =	vpop (xrf2);
	[tilespmem:v10+s22+$0x0] =	vst.idx.msk vm0, v9  }
0xce: {  	v9, _, _ =	vpop (xrf2);
	[tilespmem:v11+s22+$0x0] =	vst.idx.msk vm0, v63  }
0xcf: {  	v10, _, _ =	vpop (xrf2);
	[tilespmem:v12+s22+$0x0] =	vst.idx.msk vm0, v9  }
0xd0: {  	[tilespmem:v13+s22+$0x0] =	vst.idx.msk vm0, v10;
	v9, _, _ =	vpop (xrf2)  }
0xd1: {  	[tilespmem:v62+s22+$0x0] =	vst.idx.msk vm0, v9  }
0xd2: {  	v9 =	vld [tilespmem:s26+$0x0];
	_ =	sdelay $0x4  }
0xd3: {  	vm1 =	vgt.s32 v9, $0x0  }
0xd4: {  	v9 =	vnsel vm1, $0x0, v9  }
0xd5: {  	v9 =	vmin.u32 v9, $0x18F  }
0xd6: {  	v9 =	vadd.s32 v8, v9;
	_ =	sdelay $0x3  }
0xd7: {  	v10 =	vld [tilespmem:s11+$0x0]  }
0xd8: {  	v9 =	vld.idx.msk [tilespmem:v9+s12+$0x0], $0xffff;
	_ =	sdelay $0x1  }
0xd9: {  	p0 =	sne.s32 s0, $0xC0  }
.Ltmp0:
0xda: {  	_ = 	snop;
	(pc) =	sbr.rel @p0 .LBB2_3-.Ltmp0, $4  }
0xdb: {  	_ = 	snop  }
0xdc: {  	v9 =	vadd.f32 v10, v9  }
0xdd: {  	s0 =	sadd.s32 $0x10, s0  }
0xde: {  	s1 =	sadd.s32 $0x800, s1;
	s26 =	sadd.s32 $0x10, s26;
	[tilespmem:s11+$0x0] =	vst v9;
	s11 =	sadd.s32 $0x10, s11  }
0xdf: {  	s1 =	sshll.u32 s31, $0x1  }
0xe0: {  	s0 =	sadd.s32 $0x2, s1  }
0xe1: {  	s0 =	sand.u32 $0x1E, s0  }
0xe2: {  	s0 =	smul.u32 $0x320, s0;
	_ =	sdelay $0x1  }
0xe3: {  	s0 =	sshrl.u32 s0, $0x2  }
0xe4: {  	[tilespmem:s14], [sflag:$0x1] =	stream.indirect.gather [hbm4b:s2+s13], $0x80, s0, s13, $0xb8;
	[tilespmem:$0x15E80] =	vst v63  }
0xe5: {  	s0 =	sadd.s32 $0x68, s0  }
0xe6: {  	[tilespmem:s16], [sflag:$0x1] =	stream.indirect.gather [hbm4b:s2+s15], $0x80, s0, s15, $0xb8;
	[tilespmem:$0x15E80] =	vst v63  }
0xe7: {  	_ =	swait.ge [sflag:s23], $0x3400  }
0xe8: {  	[sflag:s23] =	ssyncset.done $0x0  }
0xe9: {  	[sflag:s23] =	ssyncadd.s32 $0xFFFFCC00  }
0xea: {  	s26 =	sshllo.u32 s31, $0x1;
	_ =	swait.ge [sflag:s23], $0x3000  }
0xeb: {  	s4 =	sshll.u32 s26, $0x7;
	[sflag:s23] =	ssyncset.done $0x0  }
0xec: {  	s4 =	sand.u32 $0x3FFFFF80, s4;
	[sflag:s23] =	ssyncadd.s32 $0xFFFFD000  }
0xed: {  	v0 =	vld [tilespmem:s4+$0x3280]  }
0xee: {  	v1 =	vld [tilespmem:s4+$0x3290]  }
0xef: {  	v2 =	vld [tilespmem:s4+$0x32A0]  }
0xf0: {  	v3 =	vld [tilespmem:s4+$0x32B0]  }
0xf1: {  	v4 =	vld [tilespmem:s4+$0x32C0]  }
0xf2: {  	s0 =	smul.u32 $0x190, s26;
	v5 =	vld [tilespmem:s4+$0x32D0]  }
0xf3: {  	s11 =	simm.s32 $0xE080;
	v6 =	vld [tilespmem:s4+$0x32E0]  }
0xf4: {  	s28 =	smov.u32 s17;
	s26 =	smov.u32 s19;
	v8 =	vmov s0;
	s0 =	simm.s32 $0x0;
	v7 =	vld [tilespmem:s4+$0x32F0]  }
.LBB2_5:
0xf5: {  	v9 =	vld [tilespmem:s11+$0xFFFFFC00]  }
0xf6: {  	v10 =	vld [tilespmem:s11+$0xFFFFFC80]  }
0xf7: {  	v11 =	vld [tilespmem:s11+$0xFFFFFD00]  }
0xf8: {  	v12 =	vld [tilespmem:s11+$0xFFFFFD80]  }
0xf9: {  	v13 =	vld [tilespmem:s11+$0xFFFFFE00]  }
0xfa: {  	v14 =	vld [tilespmem:s11+$0xFFFFFE80]  }
0xfb: {  	v15 =	vld [tilespmem:s11+$0xFFFFFF00]  }
0xfc: {  	v16 =	vld [tilespmem:s11+$0xFFFFFF80]  }
0xfd: {  	v17 =	vld [tilespmem:s11+$0x0]  }
0xfe: {  	v18 =	vld [tilespmem:s11+$0x80]  }
0xff: {  	v19 =	vld [tilespmem:s11+$0x100]  }
0x100: {  	v20 =	vld [tilespmem:s11+$0x180]  }
0x101: {  	v21 =	vld [tilespmem:s11+$0x200]  }
0x102: {  	v22 =	vld [tilespmem:s11+$0x280]  }
0x103: {  	v23 =	vld [tilespmem:s11+$0x300]  }
0x104: {  	v24 =	vld [tilespmem:s11+$0x380]  }
0x105: {  	v25 =	vld [tilespmem:s11+$0xFFFFFC10]  }
0x106: {  	v26 =	vld [tilespmem:s11+$0xFFFFFC90]  }
0x107: {  	v27 =	vld [tilespmem:s11+$0xFFFFFD10]  }
0x108: {  	v28 =	vld [tilespmem:s11+$0xFFFFFD90]  }
0x109: {  	v29 =	vld [tilespmem:s11+$0xFFFFFE10]  }
0x10a: {  	v30 =	vld [tilespmem:s11+$0xFFFFFE90]  }
0x10b: {  	v31 =	vld [tilespmem:s11+$0xFFFFFF10]  }
0x10c: {  	v32 =	vld [tilespmem:s11+$0xFFFFFF90]  }
0x10d: {  	v33 =	vld [tilespmem:s11+$0x10]  }
0x10e: {  	v34 =	vld [tilespmem:s11+$0x90]  }
0x10f: {  	v35 =	vld [tilespmem:s11+$0x110]  }
0x110: {  	v36 =	vld [tilespmem:s11+$0x190]  }
0x111: {  	v37 =	vld [tilespmem:s11+$0x210]  }
0x112: {  	v38 =	vld [tilespmem:s11+$0x290]  }
0x113: {  	v39 =	vld [tilespmem:s11+$0x310]  }
0x114: {  	v40 =	vld [tilespmem:s11+$0x390]  }
0x115: {  	v41 =	vld [tilespmem:s11+$0xFFFFFC20]  }
0x116: {  	v42 =	vld [tilespmem:s11+$0xFFFFFCA0]  }
0x117: {  	v43 =	vld [tilespmem:s11+$0xFFFFFD20]  }
0x118: {  	v44 =	vld [tilespmem:s11+$0xFFFFFDA0]  }
0x119: {  	v45 =	vld [tilespmem:s11+$0xFFFFFE20]  }
0x11a: {  	v46 =	vld [tilespmem:s11+$0xFFFFFEA0]  }
0x11b: {  	v47 =	vld [tilespmem:s11+$0xFFFFFF20]  }
0x11c: {  	v48 =	vld [tilespmem:s11+$0xFFFFFFA0]  }
0x11d: {  	v49 =	vld [tilespmem:s11+$0x20]  }
0x11e: {  	v50 =	vld [tilespmem:s11+$0xA0]  }
0x11f: {  	v51 =	vld [tilespmem:s11+$0x120]  }
0x120: {  	v52 =	vld [tilespmem:s11+$0x1A0]  }
0x121: {  	v53 =	vld [tilespmem:s11+$0x220]  }
0x122: {  	v54 =	vld [tilespmem:s11+$0x2A0]  }
0x123: {  	v55 =	vld [tilespmem:s11+$0x320]  }
0x124: {  	v56 =	vld [tilespmem:s11+$0x3A0]  }
0x125: {  	v57 =	vld [tilespmem:s11+$0xFFFFFC30]  }
0x126: {  	v58 =	vld [tilespmem:s11+$0xFFFFFCB0];
	v9 =	vmul.f32 v9, v0  }
0x127: {  	v59 =	vld [tilespmem:s11+$0xFFFFFD30];
	v10 =	vmul.f32 v10, v0;
	v11 =	vmul.f32 v11, v0  }
0x128: {  	v60 =	vld [tilespmem:s11+$0xFFFFFDB0];
	v12 =	vmul.f32 v12, v0;
	v25 =	vmul.f32 v25, v1  }
0x129: {  	v61 =	vld [tilespmem:s11+$0xFFFFFE30];
	v13 =	vmul.f32 v13, v0;
	v26 =	vmul.f32 v26, v1  }
0x12a: {  	v14 =	vmul.f32 v14, v0;
	v63 =	vmul.f32 v27, v1;
	v27 =	vld [tilespmem:s11+$0xFFFFFEB0]  }
0x12b: {  	v15 =	vmul.f32 v15, v0;
	v62 =	vmul.f32 v28, v1;
	v28 =	vld [tilespmem:s11+$0xFFFFFF30]  }
0x12c: {  	v16 =	vmul.f32 v16, v0;
	v11 =	vadd.f32 v63, v11;
	v63 =	vmul.f32 v29, v1;
	v29 =	vld [tilespmem:s11+$0xFFFFFFB0]  }
0x12d: {  	v17 =	vmul.f32 v17, v0;
	v12 =	vadd.f32 v62, v12;
	v62 =	vmul.f32 v30, v1;
	v30 =	vld [tilespmem:s11+$0x30]  }
0x12e: {  	v18 =	vmul.f32 v18, v0;
	v10 =	vadd.f32 v26, v10;
	v26 =	vmul.f32 v38, v1;
	v38 =	vld [tilespmem:s11+$0xFFFFFD40]  }
0x12f: {  	v19 =	vmul.f32 v19, v0;
	v9 =	vadd.f32 v25, v9;
	v25 =	vmul.f32 v40, v1;
	v40 =	vld [tilespmem:s11+$0xFFFFFDC0]  }
0x130: {  	v22 =	vmul.f32 v22, v0;
	v13 =	vadd.f32 v63, v13;
	v63 =	vmul.f32 v31, v1;
	v31 =	vld [tilespmem:s11+$0xB0]  }
0x131: {  	v20 =	vmul.f32 v20, v0;
	v14 =	vadd.f32 v62, v14;
	v62 =	vmul.f32 v32, v1;
	v32 =	vld [tilespmem:s11+$0x130]  }
0x132: {  	v21 =	vmul.f32 v21, v0;
	v22 =	vadd.f32 v26, v22;
	v26 =	vmul.f32 v44, v2;
	v44 =	vld [tilespmem:s11+$0xFFFFFFC0]  }
0x133: {  	v23 =	vmul.f32 v23, v0;
	v15 =	vadd.f32 v63, v15;
	v63 =	vmul.f32 v33, v1;
	v33 =	vld [tilespmem:s11+$0x1B0]  }
0x134: {  	v48 =	vmul.f32 v48, v2;
	v16 =	vadd.f32 v62, v16;
	v62 =	vmul.f32 v34, v1;
	v34 =	vld [tilespmem:s11+$0x230]  }
0x135: {  	v54 =	vmul.f32 v54, v2;
	v17 =	vadd.f32 v63, v17;
	v63 =	vmul.f32 v35, v1;
	v35 =	vld [tilespmem:s11+$0x2B0]  }
0x136: {  	v24 =	vmul.f32 v24, v0;
	v18 =	vadd.f32 v62, v18;
	v62 =	vmul.f32 v36, v1;
	v36 =	vld [tilespmem:s11+$0x330]  }
0x137: {  	v49 =	vmul.f32 v49, v2;
	v22 =	vadd.f32 v54, v22;
	v16 =	vadd.f32 v48, v16;
	v48 =	vld [tilespmem:s11+$0x1C0]  }
0x138: {  	v54 =	vmul.f32 v31, v3;
	v31 =	vld [tilespmem:s11+$0xFFFFFF50];
	v19 =	vadd.f32 v63, v19;
	v63 =	vmul.f32 v37, v1  }
0x139: {  	v52 =	vmul.f32 v52, v2;
	v37 =	vld [tilespmem:s11+$0x3B0];
	v20 =	vadd.f32 v62, v20;
	v62 =	vmul.f32 v39, v1  }
0x13a: {  	v53 =	vmul.f32 v53, v2;
	v39 =	vld [tilespmem:s11+$0xFFFFFC40];
	v17 =	vadd.f32 v49, v17;
	v21 =	vadd.f32 v63, v21  }
0x13b: {  	v49 =	vld [tilespmem:s11+$0xC0];
	v63 =	vmul.f32 v41, v2;
	v23 =	vadd.f32 v62, v23;
	v62 =	vmul.f32 v42, v2  }
0x13c: {  	v55 =	vmul.f32 v55, v2;
	v42 =	vmul.f32 v45, v2;
	v45 =	vld [tilespmem:s11+$0xFFFFFEC0];
	v20 =	vadd.f32 v52, v20  }
0x13d: {  	v41 =	vld [tilespmem:s11+$0xFFFFFCC0];
	v9 =	vadd.f32 v63, v9;
	v63 =	vmul.f32 v43, v2;
	v10 =	vadd.f32 v62, v10  }
0x13e: {  	v52 =	vld [tilespmem:s11+$0x3C0];
	v62 =	vmul.f32 v46, v2;
	v13 =	vadd.f32 v42, v13;
	v21 =	vadd.f32 v53, v21  }
0x13f: {  	v43 =	vld [tilespmem:s11+$0xFFFFFE40];
	v23 =	vadd.f32 v55, v23;
	v11 =	vadd.f32 v63, v11;
	v63 =	vmul.f32 v47, v2  }
0x140: {  	v42 =	vld [tilespmem:s11+$0xFFFFFF40];
	v55 =	vmul.f32 v32, v3;
	v14 =	vadd.f32 v62, v14;
	v62 =	vmul.f32 v50, v2  }
0x141: {  	v46 =	vld [tilespmem:s11+$0x140];
	v31 =	vmul.f32 v31, v5;
	v45 =	vmul.f32 v45, v4;
	v15 =	vadd.f32 v63, v15  }
0x142: {  	v53 =	vld [tilespmem:s11+$0x2C0];
	v63 =	vmul.f32 v51, v2;
	v18 =	vadd.f32 v62, v18;
	v62 =	vmul.f32 v56, v2  }
0x143: {  	v24 =	vadd.f32 v25, v24;
	v32 =	vld [tilespmem:s11+$0xFFFFFE50];
	v56 =	vmul.f32 v58, v3;
	v58 =	vmul.f32 v60, v3  }
0x144: {  	v12 =	vadd.f32 v26, v12;
	v47 =	vld [tilespmem:s11+$0x40];
	v60 =	vmul.f32 v27, v3;
	v43 =	vmul.f32 v43, v4  }
0x145: {  	v50 =	vld [tilespmem:s11+$0x340];
	v19 =	vadd.f32 v63, v19;
	v63 =	vmul.f32 v57, v3;
	v57 =	vmul.f32 v59, v3  }
0x146: {  	v51 =	vld [tilespmem:s11+$0x240];
	v24 =	vadd.f32 v62, v24;
	v10 =	vadd.f32 v56, v10;
	v59 =	vmul.f32 v61, v3  }
0x147: {  	v27 =	vld [tilespmem:s11+$0xFFFFFD50];
	v12 =	vadd.f32 v58, v12;
	v61 =	vmul.f32 v28, v3;
	v62 =	vmul.f32 v29, v3  }
0x148: {  	v28 =	vld [tilespmem:s11+$0xFFFFFC50];
	v14 =	vadd.f32 v60, v14;
	v18 =	vadd.f32 v54, v18;
	v56 =	vmul.f32 v33, v3  }
0x149: {  	v29 =	vld [tilespmem:s11+$0xFFFFFDD0];
	v58 =	vmul.f32 v35, v3;
	v60 =	vmul.f32 v37, v3;
	v9 =	vadd.f32 v63, v9  }
0x14a: {  	v33 =	vld [tilespmem:s11+$0xFFFFFFD0];
	v54 =	vmul.f32 v42, v4;
	v11 =	vadd.f32 v57, v11;
	v13 =	vadd.f32 v59, v13  }
0x14b: {  	v35 =	vld [tilespmem:s11+$0x150];
	v63 =	vmul.f32 v30, v3;
	v15 =	vadd.f32 v61, v15;
	v16 =	vadd.f32 v62, v16  }
0x14c: {  	v37 =	vld [tilespmem:s11+$0x1D0];
	v57 =	vmul.f32 v34, v3;
	v19 =	vadd.f32 v55, v19;
	v59 =	vmul.f32 v36, v3  }
0x14d: {  	v42 =	vld [tilespmem:s11+$0x2D0];
	v20 =	vadd.f32 v56, v20;
	v22 =	vadd.f32 v58, v22;
	v61 =	vmul.f32 v39, v4  }
0x14e: {  	v30 =	vld [tilespmem:s11+$0xFFFFFCD0];
	v24 =	vadd.f32 v60, v24;
	v62 =	vmul.f32 v41, v4;
	v41 =	vmul.f32 v40, v4  }
0x14f: {  	v34 =	vld [tilespmem:s11+$0xFFFFFED0];
	v14 =	vadd.f32 v45, v14;
	v55 =	vmul.f32 v44, v4;
	v56 =	vmul.f32 v47, v4  }
0x150: {  	v36 =	vld [tilespmem:s11+$0x50];
	v58 =	vmul.f32 v46, v4;
	v60 =	vmul.f32 v51, v4;
	v17 =	vadd.f32 v63, v17  }
0x151: {  	v40 =	vld [tilespmem:s11+$0x250];
	v46 =	vmul.f32 v27, v5;
	v21 =	vadd.f32 v57, v21;
	v23 =	vadd.f32 v59, v23  }
0x152: {  	v39 =	vld [tilespmem:s11+$0x350];
	v63 =	vmul.f32 v38, v4;
	v9 =	vadd.f32 v61, v9;
	v10 =	vadd.f32 v62, v10  }
0x153: {  	v44 =	vld [tilespmem:s11+$0xFFFFFC60];
	v12 =	vadd.f32 v41, v12;
	v13 =	vadd.f32 v43, v13;
	v57 =	vmul.f32 v49, v4  }
0x154: {  	v45 =	vld [tilespmem:s11+$0xFFFFFCE0];
	v15 =	vadd.f32 v54, v15;
	v59 =	vmul.f32 v48, v4;
	v61 =	vmul.f32 v53, v4  }
0x155: {  	v27 =	vld [tilespmem:s11+$0xFFFFFDE0];
	v16 =	vadd.f32 v55, v16;
	v62 =	vmul.f32 v50, v4;
	v48 =	vmul.f32 v32, v5  }
0x156: {  	v38 =	vld [tilespmem:s11+$0xD0];
	v19 =	vadd.f32 v58, v19;
	v28 =	vmul.f32 v28, v5;
	v47 =	vmul.f32 v29, v5  }
0x157: {  	v41 =	vld [tilespmem:s11+$0x3D0];
	v51 =	vmul.f32 v33, v5;
	v11 =	vadd.f32 v63, v11;
	v17 =	vadd.f32 v56, v17  }
0x158: {  	v49 =	vld [tilespmem:s11+$0xFFFFFE60];
	v55 =	vmul.f32 v35, v5;
	v18 =	vadd.f32 v57, v18;
	v20 =	vadd.f32 v59, v20  }
0x159: {  	v32 =	vld [tilespmem:s11+$0xFFFFFEE0];
	v21 =	vadd.f32 v60, v21;
	v63 =	vmul.f32 v52, v4;
	v22 =	vadd.f32 v61, v22  }
0x15a: {  	v53 =	vld [tilespmem:s11+$0xFFFFFFE0];
	v23 =	vadd.f32 v62, v23;
	v13 =	vadd.f32 v48, v13;
	v57 =	vmul.f32 v37, v5  }
0x15b: {  	v15 =	vadd.f32 v31, v15;
	v56 =	vld [tilespmem:s11+$0x60];
	v60 =	vmul.f32 v42, v5;
	v43 =	vmul.f32 v30, v5  }
0x15c: {  	v59 =	vld [tilespmem:s11+$0xE0];
	v9 =	vadd.f32 v28, v9;
	v50 =	vmul.f32 v34, v5;
	v12 =	vadd.f32 v47, v12  }
0x15d: {  	v61 =	vld [tilespmem:s11+$0x160];
	v52 =	vmul.f32 v36, v5;
	v16 =	vadd.f32 v51, v16;
	v58 =	vmul.f32 v40, v5  }
0x15e: {  	v48 =	vld [tilespmem:s11+$0xFFFFFC70];
	v19 =	vadd.f32 v55, v19;
	v62 =	vmul.f32 v39, v5;
	v24 =	vadd.f32 v63, v24  }
0x15f: {  	v37 =	vld [tilespmem:s11+$0xFFFFFEF0];
	v45 =	vmul.f32 v45, v6;
	v11 =	vadd.f32 v46, v11;
	v20 =	vadd.f32 v57, v20  }
0x160: {  	v30 =	vld [tilespmem:s11+$0xFFFFFD60];
	v22 =	vadd.f32 v60, v22;
	v47 =	vmul.f32 v27, v6;
	v10 =	vadd.f32 v43, v10  }
0x161: {  	v28 =	vld [tilespmem:s11+$0xFFFFFF60];
	v14 =	vadd.f32 v50, v14;
	v54 =	vmul.f32 v38, v5;
	v17 =	vadd.f32 v52, v17  }
0x162: {  	v55 =	vld [tilespmem:s11+$0xFFFFFD70];
	v21 =	vadd.f32 v58, v21;
	v42 =	vmul.f32 v41, v5;
	v43 =	vmul.f32 v44, v6  }
0x163: {  	v39 =	vld [tilespmem:s11+$0xFFFFFF70];
	v23 =	vadd.f32 v62, v23;
	v49 =	vmul.f32 v49, v6;
	v12 =	vadd.f32 v47, v12  }
0x164: {  	v63 =	vld [tilespmem:s11+$0x1E0];
	v51 =	vmul.f32 v32, v6;
	v18 =	vadd.f32 v54, v18;
	v24 =	vadd.f32 v42, v24  }
0x165: {  	v46 =	vld [tilespmem:s11+$0x2E0];
	v53 =	vmul.f32 v53, v6;
	v9 =	vadd.f32 v43, v9;
	v10 =	vadd.f32 v45, v10  }
0x166: {  	s4 =	sadd.s32 s0, s29;
	v57 =	vld [tilespmem:s11+$0xFFFFFDF0];
	v13 =	vadd.f32 v49, v13;
	v54 =	vmul.f32 v56, v6;
	v14 =	vadd.f32 v51, v14  }
0x167: {  	s5 =	sadd.s32 $0xD0, s4;
	v44 =	vld [tilespmem:s11+$0x260];
	v56 =	vmul.f32 v59, v6;
	v16 =	vadd.f32 v53, v16;
	v58 =	vmul.f32 v48, v7  }
0x168: {  	v50 =	vld [tilespmem:s11+$0xFFFFFCF0];
	v60 =	vmul.f32 v61, v6;
	v45 =	vmov s5;
	v30 =	vmul.f32 v30, v6  }
0x169: {  	v52 =	vld [tilespmem:s11+$0x360];
	s5 =	sadd.s32 $0xD1, s4;
	v28 =	vmul.f32 v28, v6;
	v38 =	vmul.f32 v55, v7;
	v25 =	vand.u32 $0xFFFFFFF0, v45  }
0x16a: {  	v47 =	vld [tilespmem:s11+$0xF0];
	v48 =	vmov s5;
	v49 =	vmul.f32 v39, v7;
	v17 =	vadd.f32 v54, v17  }
0x16b: {  	v59 =	vld [tilespmem:s11+$0xFFFFFE70];
	v18 =	vadd.f32 v56, v18;
	v9 =	vadd.f32 v58, v9;
	v62 =	vmul.f32 v63, v6  }
0x16c: {  	v61 =	vld [tilespmem:s11+$0x3E0];
	s5 =	sadd.s32 $0xD2, s4;
	v19 =	vadd.f32 v60, v19;
	v36 =	vmul.f32 v46, v6;
	v40 =	vmul.f32 v57, v7  }
0x16d: {  	v42 =	vld [tilespmem:s11+$0xFFFFFFF0];
	v46 =	vmul.f32 v37, v7;
	v25 =	vbroadcast v25, $0x0;
	v57 =	vmov s5  }
0x16e: {  	v54 =	vld [tilespmem:s11+$0x270];
	v11 =	vadd.f32 v30, v11;
	v15 =	vadd.f32 v28, v15;
	v29 =	vmul.f32 v50, v7  }
0x16f: {  	v56 =	vld [tilespmem:s11+$0x2F0];
	v63 =	vmul.f32 v44, v6;
	v20 =	vadd.f32 v62, v20;
	(xrf2) =	vadd.scan.msk.f32 $0xffff, v9;
	v9 =	vadd.f32 v36, v22  }
0x170: {  	v58 =	vld [tilespmem:s11+$0x370];
	v30 =	vand.u32 $0xFFFFFFF1, v48;
	v12 =	vadd.f32 v40, v12;
	v10 =	vadd.f32 v29, v10  }
0x171: {  	v60 =	vld [tilespmem:s11+$0x3F0];
	v14 =	vadd.f32 v46, v14;
	v41 =	vmul.f32 v59, v7;
	v11 =	vadd.f32 v38, v11  }
0x172: {  	s5 =	sadd.s32 $0xD3, s4;
	v44 =	vld [tilespmem:s11+$0x70];
	v21 =	vadd.f32 v63, v21;
	v43 =	vmul.f32 v61, v6;
	v55 =	vadd.f32 v49, v15;
	(xrf2) =	vadd.scan.msk.f32 $0xffff, v10  }
0x173: {  	v50 =	vld [tilespmem:s11+$0x170];
	v59 =	vmov s5;
	v63 =	vmul.f32 v47, v7;
	v13 =	vadd.f32 v41, v13;
	(xrf2) =	vadd.scan.msk.f32 $0xffff, v11  }
0x174: {  	v28 =	vand.u32 $0xFFFFFFF3, v59;
	v10 =	vmul.f32 v52, v6;
	v52 =	vbroadcast v30, $0x0;
	(xrf2) =	vadd.scan.msk.f32 $0xffff, v12  }
0x175: {  	v51 =	vld [tilespmem:s11+$0x1F0];
	s5 =	sadd.s32 $0xD4, s4;
	v53 =	vadd.f32 v43, v24;
	v28 =	vbroadcast v28, $0x0;
	v24 =	vmul.f32 v54, v7;
	(xrf2) =	vadd.scan.msk.f32 $0xffff, v13  }
0x176: {  	v62 =	vmov s5;
	v38 =	vmul.f32 v56, v7;
	v39 =	vmul.f32 v58, v7  }
0x177: {  	v35 =	vand.u32 $0xFFFFFFF4, v62;
	v40 =	vmul.f32 v60, v7;
	v11 =	vmul.f32 v42, v7  }
0x178: {  	s5 =	sadd.s32 $0xD5, s4;
	v18 =	vadd.f32 v63, v18;
	v22 =	vmul.f32 v44, v7;
	v36 =	vmul.f32 v50, v7  }
0x179: {  	v37 =	vbroadcast v35, $0x0;
	v44 =	vmov s5;
	v10 =	vadd.f32 v10, v23  }
0x17a: {  	s5 =	sadd.s32 $0xD6, s4;
	v23 =	vmul.f32 v51, v7;
	v21 =	vadd.f32 v24, v21;
	v9 =	vadd.f32 v38, v9  }
0x17b: {  	v45 =	vand.u32 $0xFFFFFFF5, v44;
	v46 =	vmov s5;
	v11 =	vadd.f32 v11, v16;
	v61, _, _ =	vpop (xrf2);
	(xrf2) =	vadd.scan.msk.f32 $0xffff, v14  }
0x17c: {  	s5 =	sadd.s32 $0xD7, s4;
	v16 =	vand.u32 $0xFFFFFFF2, v57;
	v17 =	vadd.f32 v22, v17;
	v19 =	vadd.f32 v36, v19;
	v34, _, _ =	vpop (xrf2);
	(xrf2) =	vadd.scan.msk.f32 $0xffff, v55  }
0x17d: {  	v12 =	vbroadcast v45, $0x0;
	v47 =	vmov s5;
	s5 =	sadd.s32 $0xD8, s4;
	v16 =	vbroadcast v16, $0x0;
	v41, _, _ =	vpop (xrf2);
	(xrf2) =	vadd.scan.msk.f32 $0xffff, v11  }
0x17e: {  	v13 =	vand.u32 $0xFFFFFFF6, v46;
	v20 =	vadd.f32 v23, v20;
	v48 =	vmov s5;
	s5 =	sadd.s32 $0xD9, s4;
	v42, _, _ =	vpop (xrf2);
	(xrf2) =	vadd.scan.msk.f32 $0xffff, v17  }
0x17f: {  	v10 =	vadd.f32 v39, v10;
	v15 =	vand.u32 $0xFFFFFFF8, v48;
	v49 =	vmov s5;
	s5 =	sadd.s32 $0xDA, s4;
	v43, _, _ =	vpop (xrf2);
	(xrf2) =	vadd.scan.msk.f32 $0xffff, v18  }
0x180: {  	v13 =	vbroadcast v13, $0x0;
	v15 =	vbroadcast v15, $0x0;
	v50 =	vmov s5;
	(xrf2) =	vadd.scan.msk.f32 $0xffff, v19  }
0x181: {  	v14 =	vand.u32 $0xFFFFFFF7, v47;
	v51 =	vand.u32 $0xFFFFFFFA, v50;
	[tilespmem:v25+s22+$0x0] =	vst.idx.msk vm0, v61;
	(xrf2) =	vadd.scan.msk.f32 $0xffff, v20  }
0x182: {  	s5 =	sadd.s32 $0xDB, s4;
	v14 =	vbroadcast v14, $0x0;
	[tilespmem:v52+s22+$0x0] =	vst.idx.msk vm0, v34;
	v11 =	vadd.f32 v40, v53;
	(xrf2) =	vadd.scan.msk.f32 $0xffff, v21  }
0x183: {  	v52 =	vmov s5;
	[tilespmem:v16+s22+$0x0] =	vst.idx.msk vm0, v41;
	v16 =	vand.u32 $0xFFFFFFF9, v49;
	(xrf2) =	vadd.scan.msk.f32 $0xffff, v9  }
0x184: {  	s5 =	sadd.s32 $0xDC, s4;
	v17 =	vand.u32 $0xFFFFFFFB, v52;
	[tilespmem:v28+s22+$0x0] =	vst.idx.msk vm0, v42;
	v9 =	vbroadcast v16, $0x0;
	(xrf2) =	vadd.scan.msk.f32 $0xffff, v10  }
0x185: {  	v53 =	vmov s5;
	s5 =	sadd.s32 $0xDD, s4;
	[tilespmem:v37+s22+$0x0] =	vst.idx.msk vm0, v43;
	v16 =	vbroadcast v51, $0x0;
	v10, _, _ =	vpop (xrf2);
	(xrf2) =	vadd.scan.msk.f32 $0xffff, v11  }
0x186: {  	v54 =	vand.u32 $0xFFFFFFFC, v53;
	v55 =	vmov s5;
	s5 =	sadd.s32 $0xDE, s4;
	[tilespmem:v12+s22+$0x0] =	vst.idx.msk vm0, v10;
	v10 =	vbroadcast v17, $0x0;
	v11, _, _ =	vpop (xrf2)  }
0x187: {  	v57 =	vand.u32 $0xFFFFFFFD, v55;
	v58 =	vmov s5;
	v56, _, _ =	vpop (xrf2);
	[tilespmem:v13+s22+$0x0] =	vst.idx.msk vm0, v11;
	v11 =	vbroadcast v54, $0x0  }
0x188: {  	v12 =	vbroadcast v57, $0x0;
	v13 =	vand.u32 $0xFFFFFFFE, v58;
	v59, _, _ =	vpop (xrf2);
	[tilespmem:v14+s22+$0x0] =	vst.idx.msk vm0, v56  }
0x189: {  	v13 =	vbroadcast v13, $0x0;
	v60, _, _ =	vpop (xrf2);
	[tilespmem:v15+s22+$0x0] =	vst.idx.msk vm0, v59  }
0x18a: {  	s4 =	sadd.s32 $0xDF, s4;
	v61, _, _ =	vpop (xrf2);
	[tilespmem:v9+s22+$0x0] =	vst.idx.msk vm0, v60  }
0x18b: {  	v62 =	vmov s4;
	v9, _, _ =	vpop (xrf2);
	[tilespmem:v16+s22+$0x0] =	vst.idx.msk vm0, v61  }
0x18c: {  	v63, _, _ =	vpop (xrf2);
	[tilespmem:v10+s22+$0x0] =	vst.idx.msk vm0, v9  }
0x18d: {  	v9, _, _ =	vpop (xrf2);
	[tilespmem:v11+s22+$0x0] =	vst.idx.msk vm0, v63  }
0x18e: {  	v10, _, _ =	vpop (xrf2);
	[tilespmem:v12+s22+$0x0] =	vst.idx.msk vm0, v9  }
0x18f: {  	[tilespmem:v13+s22+$0x0] =	vst.idx.msk vm0, v10;
	v9, _, _ =	vpop (xrf2)  }
0x190: {  	[tilespmem:v62+s22+$0x0] =	vst.idx.msk vm0, v9  }
0x191: {  	v9 =	vld [tilespmem:s26+$0x0];
	_ =	sdelay $0x4  }
0x192: {  	vm1 =	vgt.s32 v9, $0x0  }
0x193: {  	v9 =	vnsel vm1, $0x0, v9  }
0x194: {  	v9 =	vmin.u32 v9, $0x18F  }
0x195: {  	v9 =	vadd.s32 v8, v9;
	_ =	sdelay $0x3  }
0x196: {  	v10 =	vld [tilespmem:s28+$0x0]  }
0x197: {  	v9 =	vld.idx.msk [tilespmem:v9+s12+$0x0], $0xffff;
	_ =	sdelay $0x1  }
0x198: {  	p0 =	sne.s32 s0, $0xC0  }
.Ltmp1:
0x199: {  	_ = 	snop;
	(pc) =	sbr.rel @p0 .LBB2_5-.Ltmp1, $4  }
0x19a: {  	_ = 	snop  }
0x19b: {  	v9 =	vadd.f32 v10, v9  }
0x19c: {  	s0 =	sadd.s32 $0x10, s0  }
0x19d: {  	s11 =	sadd.s32 $0x800, s11;
	s26 =	sadd.s32 $0x10, s26;
	[tilespmem:s28+$0x0] =	vst v9;
	s28 =	sadd.s32 $0x10, s28  }
0x19e: {  	s0 =	sadd.s32 $0x3, s1  }
0x19f: {  	s31 =	sadd.s32 $0x1, s31;
	s0 =	sand.u32 $0x1F, s0  }
0x1a0: {  	p0 =	sne.s32 s31, $0x10;
	s0 =	smul.u32 $0x320, s0  }
.Ltmp2:
0x1a1: {  	s25 =	sadd.s32 $0x190, s25;
	(pc) =	sbr.rel @p0 .LBB2_2-.Ltmp2, $4  }
0x1a2: {  	s30 =	sadd.s32 $0x1A0, s30;
	s29 =	sadd.s32 $0x1A0, s29;
	s0 =	sshrl.u32 s0, $0x2  }
0x1a3: {  	[tilespmem:s18], [sflag:$0x2] =	stream.indirect.gather [hbm4b:s2+s13], $0x80, s0, s13, $0xb8;
	[tilespmem:$0x15E80] =	vst v63  }
0x1a4: {  	s19 =	sadd.s32 $0x190, s19;
	s17 =	sadd.s32 $0x1A0, s17;
	s0 =	sadd.s32 $0x68, s0  }
0x1a5: {  	[tilespmem:s20], [sflag:$0x2] =	stream.indirect.gather [hbm4b:s2+s15], $0x80, s0, s15, $0xb8;
	[tilespmem:$0x15E80] =	vst v63  }
0x1a6: {  	_ =	swait.ge [sflag:s21], $0x3400  }
0x1a7: {  	[sflag:s21] =	ssyncset.done $0x0  }
0x1a8: {  	[sflag:s21] =	ssyncadd.s32 $0xFFFFCC00  }
0x1a9: {  	_ =	swait.ge [sflag:s21], $0x3000  }
0x1aa: {  	[sflag:s21] =	ssyncset.done $0x0  }
0x1ab: {  	[sflag:s21] =	ssyncadd.s32 $0xFFFFD000  }
0x1ac: {  	_ =	swait.ge [sflag:s23], $0x3400  }
0x1ad: {  	[sflag:s23] =	ssyncset.done $0x0  }
0x1ae: {  	[sflag:s23] =	ssyncadd.s32 $0xFFFFCC00  }
0x1af: {  	s24 =	sadd.s32 $0x1, s24;
	_ =	swait.ge [sflag:s23], $0x3000  }
0x1b0: {  	p0 =	sne.s32 s24, s9;
	[sflag:s23] =	ssyncset.done $0x0  }
.Ltmp3:
0x1b1: {  	[sflag:s23] =	ssyncadd.s32 $0xFFFFD000;
	(pc) =	sbr.rel @p0 .LBB2_1-.Ltmp3, $4  }
0x1b2: {  	[hbm4b:s8+s3] =	stream.linear.scatter [tilespmem:s22], [sflag:$0x3], $0x1A00, $0x38;
	[tilespmem:$0x15E80] =	vst v63  }
0x1b3: {  	_ =	swait.ge [sflag:s10], $0x1A00  }
0x1b4: {  	[sflag:s10] =	ssyncset.done $0x0  }
0x1b5: {  	[sflag:s10] =	ssyncadd.s32 $0xFFFFE600  }
0x1b6: {  	_ =	sfence.sel $0x180000  }
0x1b7: {  	[bflag:$0x0] =	sbarrier.arrive $0xFFFF  }
0x1b8: {  	_ =	strace $0x9000004A  }
0x1b9: {  	s0 =	stileid.u32;
	[bflag:$0x2] =	sbarrier.arrive $0xFFFF  }
0x1ba: {  	p0 =	sne.s32 s0, $0x0;
	s0 =	rddreg [dreg:$0x3]  }
0x1bb: {  	s0 =	sadd.s32 @!p0 $0x100000, s0  }
0x1bc: {  	[sflag:s0] =	ssyncadd.tile.s32 @!p0 $0x1;
	_ =	shalt  }
.Lfunc_end2:
_tile_overlayer_lowered:
.L_overlay_start_2:
0x1bd: {  	(tag) =	ssettag $0x2  }
0x1be: {  	s0 =	rddreg [dreg:$0x0];
	s2 =	stileid.u32  }
0x1bf: {  	s1 =	rddreg [dreg:$0x1];
	p0 =	sne.s32 s2, $0x0  }
0x1c0: {  	s3 =	rddreg [dreg:$0x2];
	[bflag:$0x3] =	sbarrier.arrive $0xFFFF;
	s2 =	simm.s32 @!p0 $0x1C03  }
0x1c1: {  	[timem:s3], [sflag:s2] =	dma.local @!p0 [hbm:s0], s1  }
0x1c2: {  	s0 =	simm.s32 @!p0 $0x3  }
0x1c3: {  	_ =	swait.ge @!p0 [sflag:s0], s1  }
0x1c4: {  	s1 =	ssub.s32 @!p0 $0x0, s1;
	[sflag:s0] =	ssyncset.done @!p0 $0x0  }
0x1c5: {  	[sflag:s0] =	ssyncadd.s32 @!p0 s1  }
0x1c6: {  	[bflag:$0x3] =	sbarrier.arrive $0xFFFF  }
0x1c7: {  	_ =	shalt  }

</sc_bundles>
